<compile_context>
chip_gen: v7x
topology: tpu7x:2x2x1
jax: 0.10.2.dev20260603
libtpu: 0.0.44.dev20260713+nightly
codegen_flags: <defaults>
</compile_context>

<pallas_src>
import functools

import jax
import jax.numpy as jnp
from jax import lax
from jax.experimental import pallas as pl
from jax.experimental.pallas import tpu as pltpu
from jax.experimental.pallas import tpu_sc as plsc

_N = 100000
_E = 6400000
_NB = 5
_RMIN, _RMAX = 0.5, 6.0
_BETA = _NB**2 / _RMAX**2
_DSTEP = (_RMAX - _RMIN) / _NB

_NC, _NS = 2, 16
_NW = _NC * _NS
_EPW = _E // _NW
_C = 2000
_NCHUNK = _EPW // _C
_GPC = _C // 16
_NP = 100352
_RPT = _NP // _NS

_mesh = plsc.VectorSubcoreMesh(
    core_axis_name="c", subcore_axis_name="s", num_cores=_NC, num_subcores=_NS
)


def _dg(x, idx):
    return lax.gather(
        x,
        idx.reshape(16, 1),
        lax.GatherDimensionNumbers(
            offset_dims=(), collapsed_slice_dims=(0,), start_index_map=(0,)
        ),
        (1,),
        mode=lax.GatherScatterMode.PROMISE_IN_BOUNDS,
    )


@functools.partial(
    pl.kernel,
    mesh=_mesh,
    out_type=jax.ShapeDtypeStruct((_NC, _NB, _NP), jnp.float32),
    compiler_params=pltpu.CompilerParams(use_tc_tiling_on_sc=False),
    scratch_types=[
        [pltpu.VMEM_SHARED((_NP,), jnp.float32) for _ in range(_NB)],
        [pltpu.VMEM((_C,), jnp.int32) for _ in range(2)],
        [pltpu.VMEM((_C,), jnp.int32) for _ in range(4)],
        [[pltpu.VMEM((_C,), jnp.float32) for _ in range(6)] for _ in range(2)],
        [[pltpu.VMEM((_C,), jnp.float32) for _ in range(_NB)] for _ in range(2)],
        [pltpu.SemaphoreType.DMA for _ in range(2)],
        [pltpu.SemaphoreType.DMA for _ in range(2)],
        [pltpu.SemaphoreType.DMA for _ in range(2)],
    ],
)
def _rbf_sc(xh, yh, zh, i0h, i1h, zrh, out, acc, i0b, i1b, comp, ebuf, gsems, ssems, isems):
    cid = lax.axis_index("c")
    sid = lax.axis_index("s")
    wid = cid * _NS + sid
    r0 = sid * _RPT

    for k in range(_NB):
        pltpu.sync_copy(zrh, acc[k].at[pl.ds(r0, _RPT)])
    plsc.subcore_barrier()

    iot = lax.broadcasted_iota(jnp.int32, (16,), 0)
    shifts = [_RMIN + _DSTEP * k for k in range(_NB)]

    def _prefetch_idx(b, jm, ch):
        base = wid * _EPW + ch * _C
        pltpu.async_copy(i0h.at[pl.ds(base, _C)], i0b[b], isems[b])
        pltpu.async_copy(i1h.at[pl.ds(base, _C)], i1b[jm], isems[b])

    def _wait_idx(b):
        pltpu.make_async_copy(i0h.at[pl.ds(0, _C)], i0b[b], isems[b]).wait()
        pltpu.make_async_copy(i0h.at[pl.ds(0, _C)], i1b[0], isems[b]).wait()

    def _issue(b, jm, ch):
        pltpu.async_copy(xh.at[i0b[b]], comp[b][0], gsems[b])
        pltpu.async_copy(yh.at[i0b[b]], comp[b][1], gsems[b])
        pltpu.async_copy(zh.at[i0b[b]], comp[b][2], gsems[b])
        pltpu.async_copy(xh.at[i1b[jm]], comp[b][3], gsems[b])
        pltpu.async_copy(yh.at[i1b[jm]], comp[b][4], gsems[b])
        pltpu.async_copy(zh.at[i1b[jm]], comp[b][5], gsems[b])

    def _compute(b):
        def _group(g, _):
            sl = pl.ds(g * 16, 16)
            dx = comp[b][0][sl] - comp[b][3][sl]
            dy = comp[b][1][sl] - comp[b][4][sl]
            dz = comp[b][2][sl] - comp[b][5][sl]
            d2 = dx * dx + dy * dy + dz * dz
            bits = lax.bitcast_convert_type(d2, jnp.int32)
            y = lax.bitcast_convert_type(
                jnp.int32(0x5F3759DF) - (bits >> 1), jnp.float32
            )
            for _i in range(3):
                y = y * (1.5 - 0.5 * d2 * y * y)
            dr = d2 * y
            for k in range(_NB):
                t = shifts[k] - dr
                ebuf[b][k][sl] = jnp.exp((-_BETA) * (t * t))
            return 0

        lax.fori_loop(0, _GPC, _group, 0)

    def _drain_gathers(b):
        for j in range(6):
            pltpu.make_async_copy(
                xh.at[pl.ds(0, _C)], comp[b][j], gsems[b]
            ).wait()

    def _wait_scatter(b):
        for k in range(_NB):
            pltpu.make_async_copy(
                ebuf[b][k], acc[k].at[i1b[0]], ssems[b]
            ).wait()

    def _phase(j, i):
        b = j % 2
        ch = 4 * i + j
        _drain_gathers(b)

        @pl.when(ch >= 2)
        def _():
            _wait_scatter(b)

        @pl.when(ch + 1 < _NCHUNK)
        def _():
            _wait_idx(1 - b)
            _issue(1 - b, (j + 1) % 4, ch + 1)

        @pl.when(ch + 2 < _NCHUNK)
        def _():
            _prefetch_idx(b, (j + 2) % 4, ch + 2)

        _compute(b)
        for k in range(_NB):
            pltpu.async_copy(ebuf[b][k], acc[k].at[i1b[j]], ssems[b], add=True)

    base0 = wid * _EPW
    pltpu.sync_copy(i0h.at[pl.ds(base0, _C)], i0b[0])
    pltpu.sync_copy(i1h.at[pl.ds(base0, _C)], i1b[0])
    _prefetch_idx(1, 1, 1)
    _issue(0, 0, 0)

    def _quad(i, _):
        for j in range(4):
            _phase(j, i)
        return 0

    lax.fori_loop(0, _NCHUNK // 4, _quad, 0)
    _wait_scatter(0)
    _wait_scatter(1)

    plsc.subcore_barrier()
    for k in range(_NB):
        pltpu.sync_copy(
            acc[k].at[pl.ds(r0, _RPT)], out.at[cid, k, pl.ds(r0, _RPT)]
        )


def _add_body(p_ref, o_ref):
    o_ref[...] = p_ref[0] + p_ref[1]


def kernel(R, neighbor_idx):
    R = R.astype(jnp.float32)
    x, y, z = R[:, 0], R[:, 1], R[:, 2]
    i0 = neighbor_idx[0].astype(jnp.int32)
    i1 = neighbor_idx[1].astype(jnp.int32)
    zrows = jnp.zeros((_RPT,), jnp.float32)
    partial = _rbf_sc(x, y, z, i0, i1, zrows)
    p2 = partial.reshape(_NC, _NB * _NP // 128, 128)
    summed = pl.pallas_call(
        _add_body,
        out_shape=jax.ShapeDtypeStruct((_NB * _NP // 128, 128), jnp.float32),
    )(p2)
    return summed.reshape(_NB, _NP)[:, :_N].T

# --- scband reference (transcript-rebuilt; emitter-appended) ---
"""Pipeline reference for scband-rbfdescriptor-flax-74706661146715 (READ-ONLY COPY).

The authoritative reference and input builder live on the scoring server;
editing this copy changes nothing except your own understanding.
"""

import jax, jax.numpy as jnp
import numpy as np

N_ATOMS = 100000
N_EDGES = 6400000
N_BASIS = 5
R_MIN = 0.5
R_MAX = 6.0


def setup_inputs(seed: int = 0) -> dict:
    key = jax.random.key(seed)
    k1, k2, k3 = jax.random.split(key, 3)
    R = jax.random.normal(k1, (N_ATOMS, 3), dtype=jnp.float32) * 3.0
    idx0 = jax.random.randint(k2, (N_EDGES,), 0, N_ATOMS)
    idx1 = jax.random.randint(k3, (N_EDGES,), 0, N_ATOMS)
    # avoid self-edges so the distance (and its gradient) is well-defined
    idx1 = jnp.where(idx0 == idx1, (idx1 + 1) % N_ATOMS, idx1)
    neighbor_idx = jnp.stack([idx0, idx1], axis=0)
    return {"R": R, "neighbor_idx": neighbor_idx}


def reference(R, neighbor_idx):
    # RBFDescriptorFlax.__call__ with free-space displacement metric
    R = R.astype(jnp.float32)
    n_atoms = R.shape[0]
    betta = N_BASIS ** 2 / R_MAX ** 2
    shifts = R_MIN + (R_MAX - R_MIN) / N_BASIS * np.arange(N_BASIS)
    shifts = jnp.asarray(shifts[None, :], dtype=jnp.float32)  # [1, n_basis]
    # metric(R[idx0], R[idx1]) for free space: euclidean distance per bond
    d = R[neighbor_idx[0]] - R[neighbor_idx[1]]  # gather: [E, 3]
    dr = jnp.sqrt(jnp.sum(d ** 2, axis=-1))      # [E]
    dr = dr[:, None]                              # 'neighbors -> neighbors 1'
    distances = shifts - dr                       # [E, n_basis]
    radial_basis = jnp.exp(-betta * distances ** 2)
    descriptor = jax.ops.segment_sum(radial_basis, neighbor_idx[1], n_atoms)
    return descriptor

if __name__ == "__main__":
    import jax
    _d = setup_inputs()
    print(jax.jit(kernel)(*tuple(_d.values())))

</pallas_src>

<mosaic_0001>
#map = affine_map<(d0, d1) -> (0)>
#map1 = affine_map<(d0, d1) -> (0, 0, 0)>
module attributes {stable_mosaic.version = 14 : i64} {
  func.func @_rbf_sc(%arg0: i32, %arg1: i32, %arg2: memref<100000xf32, #tpu.memory_space<hbm>>, %arg3: memref<100000xf32, #tpu.memory_space<hbm>>, %arg4: memref<100000xf32, #tpu.memory_space<hbm>>, %arg5: memref<6400000xi32, #tpu.memory_space<hbm>>, %arg6: memref<6400000xi32, #tpu.memory_space<hbm>>, %arg7: memref<6272xf32, #tpu.memory_space<hbm>>, %arg8: memref<2x5x100352xf32, #tpu.memory_space<hbm>>, %arg9: memref<100352xf32, #tpu.memory_space<vmem_shared>>, %arg10: memref<100352xf32, #tpu.memory_space<vmem_shared>>, %arg11: memref<100352xf32, #tpu.memory_space<vmem_shared>>, %arg12: memref<100352xf32, #tpu.memory_space<vmem_shared>>, %arg13: memref<100352xf32, #tpu.memory_space<vmem_shared>>, %arg14: memref<2000xi32, #tpu.memory_space<vmem>>, %arg15: memref<2000xi32, #tpu.memory_space<vmem>>, %arg16: memref<2000xi32, #tpu.memory_space<vmem>>, %arg17: memref<2000xi32, #tpu.memory_space<vmem>>, %arg18: memref<2000xi32, #tpu.memory_space<vmem>>, %arg19: memref<2000xi32, #tpu.memory_space<vmem>>, %arg20: memref<2000xf32, #tpu.memory_space<vmem>>, %arg21: memref<2000xf32, #tpu.memory_space<vmem>>, %arg22: memref<2000xf32, #tpu.memory_space<vmem>>, %arg23: memref<2000xf32, #tpu.memory_space<vmem>>, %arg24: memref<2000xf32, #tpu.memory_space<vmem>>, %arg25: memref<2000xf32, #tpu.memory_space<vmem>>, %arg26: memref<2000xf32, #tpu.memory_space<vmem>>, %arg27: memref<2000xf32, #tpu.memory_space<vmem>>, %arg28: memref<2000xf32, #tpu.memory_space<vmem>>, %arg29: memref<2000xf32, #tpu.memory_space<vmem>>, %arg30: memref<2000xf32, #tpu.memory_space<vmem>>, %arg31: memref<2000xf32, #tpu.memory_space<vmem>>, %arg32: memref<2000xf32, #tpu.memory_space<vmem>>, %arg33: memref<2000xf32, #tpu.memory_space<vmem>>, %arg34: memref<2000xf32, #tpu.memory_space<vmem>>, %arg35: memref<2000xf32, #tpu.memory_space<vmem>>, %arg36: memref<2000xf32, #tpu.memory_space<vmem>>, %arg37: memref<2000xf32, #tpu.memory_space<vmem>>, %arg38: memref<2000xf32, #tpu.memory_space<vmem>>, %arg39: memref<2000xf32, #tpu.memory_space<vmem>>, %arg40: memref<2000xf32, #tpu.memory_space<vmem>>, %arg41: memref<2000xf32, #tpu.memory_space<vmem>>, %arg42: memref<!tpu.dma_semaphore, #tpu.memory_space<semaphore_mem>>, %arg43: memref<!tpu.dma_semaphore, #tpu.memory_space<semaphore_mem>>, %arg44: memref<!tpu.dma_semaphore, #tpu.memory_space<semaphore_mem>>, %arg45: memref<!tpu.dma_semaphore, #tpu.memory_space<semaphore_mem>>, %arg46: memref<!tpu.dma_semaphore, #tpu.memory_space<semaphore_mem>>, %arg47: memref<!tpu.dma_semaphore, #tpu.memory_space<semaphore_mem>>) attributes {dimension_semantics = [#tpu.dimension_semantics<core_parallel>, #tpu.dimension_semantics<subcore_parallel>], iteration_bounds = array<i64: 2, 16>, scalar_prefetch = 0 : i64, scratch_operands = 39 : i64, tpu.core_type = #tpu.core_type<sc_vector_subcore>, window_params = [{transform_indices = #map}, {transform_indices = #map}, {transform_indices = #map}, {transform_indices = #map}, {transform_indices = #map}, {transform_indices = #map}, {transform_indices = #map1}]} {
    %mul3A = arith.constant 16 : i32
    %mul3A_0 = arith.muli %arg0, %mul3A : i32
    %add3A = arith.addi %mul3A_0, %arg1 : i32
    %mul3A_1 = arith.constant 6272 : i32
    %mul3A_2 = arith.muli %arg1, %mul3A_1 : i32
    "tpu.region"() ({
      %run_scoped3A_54 = tpu.sem_alloc : memref<!tpu.dma_semaphore, #tpu.memory_space<semaphore_mem>>
      %dma_start3A_55 = tpu.memref_slice %arg9[%mul3A_2] : memref<100352xf32, #tpu.memory_space<vmem_shared>> -> memref<6272xf32, #tpu.memory_space<vmem_shared>>
      tpu.enqueue_dma source(%arg7 : memref<6272xf32, #tpu.memory_space<hbm>>) target(%dma_start3A_55 : memref<6272xf32, #tpu.memory_space<vmem_shared>>) target_semaphore(%run_scoped3A_54 : memref<!tpu.dma_semaphore, #tpu.memory_space<semaphore_mem>>)
      %dma_wait3A_56 = tpu.memref_slice %arg9[%mul3A_2] : memref<100352xf32, #tpu.memory_space<vmem_shared>> -> memref<6272xf32, #tpu.memory_space<vmem_shared>>
      tpu.wait_dma2 semaphore(%run_scoped3A_54 : memref<!tpu.dma_semaphore, #tpu.memory_space<semaphore_mem>>) src(%arg7 : memref<6272xf32, #tpu.memory_space<hbm>>) dst(%dma_wait3A_56 : memref<6272xf32, #tpu.memory_space<vmem_shared>>)
      tpu.yield
    }) : () -> ()
    "tpu.region"() ({
      %run_scoped3A_54 = tpu.sem_alloc : memref<!tpu.dma_semaphore, #tpu.memory_space<semaphore_mem>>
      %dma_start3A_55 = tpu.memref_slice %arg10[%mul3A_2] : memref<100352xf32, #tpu.memory_space<vmem_shared>> -> memref<6272xf32, #tpu.memory_space<vmem_shared>>
      tpu.enqueue_dma source(%arg7 : memref<6272xf32, #tpu.memory_space<hbm>>) target(%dma_start3A_55 : memref<6272xf32, #tpu.memory_space<vmem_shared>>) target_semaphore(%run_scoped3A_54 : memref<!tpu.dma_semaphore, #tpu.memory_space<semaphore_mem>>)
      %dma_wait3A_56 = tpu.memref_slice %arg10[%mul3A_2] : memref<100352xf32, #tpu.memory_space<vmem_shared>> -> memref<6272xf32, #tpu.memory_space<vmem_shared>>
      tpu.wait_dma2 semaphore(%run_scoped3A_54 : memref<!tpu.dma_semaphore, #tpu.memory_space<semaphore_mem>>) src(%arg7 : memref<6272xf32, #tpu.memory_space<hbm>>) dst(%dma_wait3A_56 : memref<6272xf32, #tpu.memory_space<vmem_shared>>)
      tpu.yield
    }) : () -> ()
    "tpu.region"() ({
      %run_scoped3A_54 = tpu.sem_alloc : memref<!tpu.dma_semaphore, #tpu.memory_space<semaphore_mem>>
      %dma_start3A_55 = tpu.memref_slice %arg11[%mul3A_2] : memref<100352xf32, #tpu.memory_space<vmem_shared>> -> memref<6272xf32, #tpu.memory_space<vmem_shared>>
      tpu.enqueue_dma source(%arg7 : memref<6272xf32, #tpu.memory_space<hbm>>) target(%dma_start3A_55 : memref<6272xf32, #tpu.memory_space<vmem_shared>>) target_semaphore(%run_scoped3A_54 : memref<!tpu.dma_semaphore, #tpu.memory_space<semaphore_mem>>)
      %dma_wait3A_56 = tpu.memref_slice %arg11[%mul3A_2] : memref<100352xf32, #tpu.memory_space<vmem_shared>> -> memref<6272xf32, #tpu.memory_space<vmem_shared>>
      tpu.wait_dma2 semaphore(%run_scoped3A_54 : memref<!tpu.dma_semaphore, #tpu.memory_space<semaphore_mem>>) src(%arg7 : memref<6272xf32, #tpu.memory_space<hbm>>) dst(%dma_wait3A_56 : memref<6272xf32, #tpu.memory_space<vmem_shared>>)
      tpu.yield
    }) : () -> ()
    "tpu.region"() ({
      %run_scoped3A_54 = tpu.sem_alloc : memref<!tpu.dma_semaphore, #tpu.memory_space<semaphore_mem>>
      %dma_start3A_55 = tpu.memref_slice %arg12[%mul3A_2] : memref<100352xf32, #tpu.memory_space<vmem_shared>> -> memref<6272xf32, #tpu.memory_space<vmem_shared>>
      tpu.enqueue_dma source(%arg7 : memref<6272xf32, #tpu.memory_space<hbm>>) target(%dma_start3A_55 : memref<6272xf32, #tpu.memory_space<vmem_shared>>) target_semaphore(%run_scoped3A_54 : memref<!tpu.dma_semaphore, #tpu.memory_space<semaphore_mem>>)
      %dma_wait3A_56 = tpu.memref_slice %arg12[%mul3A_2] : memref<100352xf32, #tpu.memory_space<vmem_shared>> -> memref<6272xf32, #tpu.memory_space<vmem_shared>>
      tpu.wait_dma2 semaphore(%run_scoped3A_54 : memref<!tpu.dma_semaphore, #tpu.memory_space<semaphore_mem>>) src(%arg7 : memref<6272xf32, #tpu.memory_space<hbm>>) dst(%dma_wait3A_56 : memref<6272xf32, #tpu.memory_space<vmem_shared>>)
      tpu.yield
    }) : () -> ()
    "tpu.region"() ({
      %run_scoped3A_54 = tpu.sem_alloc : memref<!tpu.dma_semaphore, #tpu.memory_space<semaphore_mem>>
      %dma_start3A_55 = tpu.memref_slice %arg13[%mul3A_2] : memref<100352xf32, #tpu.memory_space<vmem_shared>> -> memref<6272xf32, #tpu.memory_space<vmem_shared>>
      tpu.enqueue_dma source(%arg7 : memref<6272xf32, #tpu.memory_space<hbm>>) target(%dma_start3A_55 : memref<6272xf32, #tpu.memory_space<vmem_shared>>) target_semaphore(%run_scoped3A_54 : memref<!tpu.dma_semaphore, #tpu.memory_space<semaphore_mem>>)
      %dma_wait3A_56 = tpu.memref_slice %arg13[%mul3A_2] : memref<100352xf32, #tpu.memory_space<vmem_shared>> -> memref<6272xf32, #tpu.memory_space<vmem_shared>>
      tpu.wait_dma2 semaphore(%run_scoped3A_54 : memref<!tpu.dma_semaphore, #tpu.memory_space<semaphore_mem>>) src(%arg7 : memref<6272xf32, #tpu.memory_space<hbm>>) dst(%dma_wait3A_56 : memref<6272xf32, #tpu.memory_space<vmem_shared>>)
      tpu.yield
    }) : () -> ()
    %barrier3A = arith.constant 0 : index
    tpu.barrier barrier_id(%barrier3A)
    %iota3A = tpu.iota {dimensions = array<i32: 0>} : vector<16xi32>
    %mul3A_3 = arith.constant 200000 : i32
    %mul3A_4 = arith.muli %add3A, %mul3A_3 : i32
    "tpu.region"() ({
      %run_scoped3A_54 = tpu.sem_alloc : memref<!tpu.dma_semaphore, #tpu.memory_space<semaphore_mem>>
      %dma_start3A_55 = tpu.memref_slice %arg5[%mul3A_4] : memref<6400000xi32, #tpu.memory_space<hbm>> -> memref<2000xi32, #tpu.memory_space<hbm>>
      %dma_start3A_56 = tpu.memref_slice %arg5[%mul3A_4] : memref<6400000xi32, #tpu.memory_space<hbm>> -> memref<2000xi32, #tpu.memory_space<hbm>>
      tpu.enqueue_dma source(%dma_start3A_56 : memref<2000xi32, #tpu.memory_space<hbm>>) target(%arg14 : memref<2000xi32, #tpu.memory_space<vmem>>) target_semaphore(%run_scoped3A_54 : memref<!tpu.dma_semaphore, #tpu.memory_space<semaphore_mem>>)
      %dma_wait3A_57 = tpu.memref_slice %arg5[%mul3A_4] : memref<6400000xi32, #tpu.memory_space<hbm>> -> memref<2000xi32, #tpu.memory_space<hbm>>
      %dma_wait3A_58 = tpu.memref_slice %arg5[%mul3A_4] : memref<6400000xi32, #tpu.memory_space<hbm>> -> memref<2000xi32, #tpu.memory_space<hbm>>
      tpu.wait_dma2 semaphore(%run_scoped3A_54 : memref<!tpu.dma_semaphore, #tpu.memory_space<semaphore_mem>>) src(%dma_wait3A_58 : memref<2000xi32, #tpu.memory_space<hbm>>) dst(%arg14 : memref<2000xi32, #tpu.memory_space<vmem>>)
      tpu.yield
    }) : () -> ()
    "tpu.region"() ({
      %run_scoped3A_54 = tpu.sem_alloc : memref<!tpu.dma_semaphore, #tpu.memory_space<semaphore_mem>>
      %dma_start3A_55 = tpu.memref_slice %arg6[%mul3A_4] : memref<6400000xi32, #tpu.memory_space<hbm>> -> memref<2000xi32, #tpu.memory_space<hbm>>
      %dma_start3A_56 = tpu.memref_slice %arg6[%mul3A_4] : memref<6400000xi32, #tpu.memory_space<hbm>> -> memref<2000xi32, #tpu.memory_space<hbm>>
      tpu.enqueue_dma source(%dma_start3A_56 : memref<2000xi32, #tpu.memory_space<hbm>>) target(%arg16 : memref<2000xi32, #tpu.memory_space<vmem>>) target_semaphore(%run_scoped3A_54 : memref<!tpu.dma_semaphore, #tpu.memory_space<semaphore_mem>>)
      %dma_wait3A_57 = tpu.memref_slice %arg6[%mul3A_4] : memref<6400000xi32, #tpu.memory_space<hbm>> -> memref<2000xi32, #tpu.memory_space<hbm>>
      %dma_wait3A_58 = tpu.memref_slice %arg6[%mul3A_4] : memref<6400000xi32, #tpu.memory_space<hbm>> -> memref<2000xi32, #tpu.memory_space<hbm>>
      tpu.wait_dma2 semaphore(%run_scoped3A_54 : memref<!tpu.dma_semaphore, #tpu.memory_space<semaphore_mem>>) src(%dma_wait3A_58 : memref<2000xi32, #tpu.memory_space<hbm>>) dst(%arg16 : memref<2000xi32, #tpu.memory_space<vmem>>)
      tpu.yield
    }) : () -> ()
    %mul3A_5 = arith.constant 200000 : i32
    %mul3A_6 = arith.muli %add3A, %mul3A_5 : i32
    %add3A_7 = arith.constant 2000 : i32
    %add3A_8 = arith.addi %mul3A_6, %add3A_7 : i32
    %dma_start3A = tpu.memref_slice %arg5[%add3A_8] : memref<6400000xi32, #tpu.memory_space<hbm>> -> memref<2000xi32, #tpu.memory_space<hbm>>
    %dma_start3A_9 = tpu.memref_slice %arg5[%add3A_8] : memref<6400000xi32, #tpu.memory_space<hbm>> -> memref<2000xi32, #tpu.memory_space<hbm>>
    tpu.enqueue_dma source(%dma_start3A_9 : memref<2000xi32, #tpu.memory_space<hbm>>) target(%arg15 : memref<2000xi32, #tpu.memory_space<vmem>>) target_semaphore(%arg47 : memref<!tpu.dma_semaphore, #tpu.memory_space<semaphore_mem>>)
    %dma_start3A_10 = tpu.memref_slice %arg6[%add3A_8] : memref<6400000xi32, #tpu.memory_space<hbm>> -> memref<2000xi32, #tpu.memory_space<hbm>>
    %dma_start3A_11 = tpu.memref_slice %arg6[%add3A_8] : memref<6400000xi32, #tpu.memory_space<hbm>> -> memref<2000xi32, #tpu.memory_space<hbm>>
    tpu.enqueue_dma source(%dma_start3A_11 : memref<2000xi32, #tpu.memory_space<hbm>>) target(%arg17 : memref<2000xi32, #tpu.memory_space<vmem>>) target_semaphore(%arg47 : memref<!tpu.dma_semaphore, #tpu.memory_space<semaphore_mem>>)
    %dma_start3A_12 = arith.constant 0 : i32
    %dma_start3A_13 = tpu.memref_slice %arg2[%dma_start3A_12] : memref<100000xf32, #tpu.memory_space<hbm>> -> memref<100000xf32, #tpu.memory_space<hbm>>
    tpu.enqueue_indirect_dma source(%dma_start3A_13 : memref<100000xf32, #tpu.memory_space<hbm>>) target(%arg20 : memref<2000xf32, #tpu.memory_space<vmem>>) offsets(%arg14 : memref<2000xi32, #tpu.memory_space<vmem>>) semaphore(%arg42 : memref<!tpu.dma_semaphore, #tpu.memory_space<semaphore_mem>>)
    %dma_start3A_14 = arith.constant 0 : i32
    %dma_start3A_15 = tpu.memref_slice %arg3[%dma_start3A_14] : memref<100000xf32, #tpu.memory_space<hbm>> -> memref<100000xf32, #tpu.memory_space<hbm>>
    tpu.enqueue_indirect_dma source(%dma_start3A_15 : memref<100000xf32, #tpu.memory_space<hbm>>) target(%arg21 : memref<2000xf32, #tpu.memory_space<vmem>>) offsets(%arg14 : memref<2000xi32, #tpu.memory_space<vmem>>) semaphore(%arg42 : memref<!tpu.dma_semaphore, #tpu.memory_space<semaphore_mem>>)
    %dma_start3A_16 = arith.constant 0 : i32
    %dma_start3A_17 = tpu.memref_slice %arg4[%dma_start3A_16] : memref<100000xf32, #tpu.memory_space<hbm>> -> memref<100000xf32, #tpu.memory_space<hbm>>
    tpu.enqueue_indirect_dma source(%dma_start3A_17 : memref<100000xf32, #tpu.memory_space<hbm>>) target(%arg22 : memref<2000xf32, #tpu.memory_space<vmem>>) offsets(%arg14 : memref<2000xi32, #tpu.memory_space<vmem>>) semaphore(%arg42 : memref<!tpu.dma_semaphore, #tpu.memory_space<semaphore_mem>>)
    %dma_start3A_18 = arith.constant 0 : i32
    %dma_start3A_19 = tpu.memref_slice %arg2[%dma_start3A_18] : memref<100000xf32, #tpu.memory_space<hbm>> -> memref<100000xf32, #tpu.memory_space<hbm>>
    tpu.enqueue_indirect_dma source(%dma_start3A_19 : memref<100000xf32, #tpu.memory_space<hbm>>) target(%arg23 : memref<2000xf32, #tpu.memory_space<vmem>>) offsets(%arg16 : memref<2000xi32, #tpu.memory_space<vmem>>) semaphore(%arg42 : memref<!tpu.dma_semaphore, #tpu.memory_space<semaphore_mem>>)
    %dma_start3A_20 = arith.constant 0 : i32
    %dma_start3A_21 = tpu.memref_slice %arg3[%dma_start3A_20] : memref<100000xf32, #tpu.memory_space<hbm>> -> memref<100000xf32, #tpu.memory_space<hbm>>
    tpu.enqueue_indirect_dma source(%dma_start3A_21 : memref<100000xf32, #tpu.memory_space<hbm>>) target(%arg24 : memref<2000xf32, #tpu.memory_space<vmem>>) offsets(%arg16 : memref<2000xi32, #tpu.memory_space<vmem>>) semaphore(%arg42 : memref<!tpu.dma_semaphore, #tpu.memory_space<semaphore_mem>>)
    %dma_start3A_22 = arith.constant 0 : i32
    %dma_start3A_23 = tpu.memref_slice %arg4[%dma_start3A_22] : memref<100000xf32, #tpu.memory_space<hbm>> -> memref<100000xf32, #tpu.memory_space<hbm>>
    tpu.enqueue_indirect_dma source(%dma_start3A_23 : memref<100000xf32, #tpu.memory_space<hbm>>) target(%arg25 : memref<2000xf32, #tpu.memory_space<vmem>>) offsets(%arg16 : memref<2000xi32, #tpu.memory_space<vmem>>) semaphore(%arg42 : memref<!tpu.dma_semaphore, #tpu.memory_space<semaphore_mem>>)
    %scan3A = arith.constant 0 : i32
    %scan3A_24 = arith.constant 0 : i32
    %scan3A_25 = arith.constant 25 : i32
    %scan3A_26 = arith.addi %scan3A_24, %scan3A_25 : i32
    %scan3A_27 = arith.constant 1 : i32
    %scan3A_28 = scf.for %scan3A_54 = %scan3A_24 to %scan3A_26 step %scan3A_27 iter_args(%scan3A_55 = %scan3A) -> (i32)  : i32 {
      %mul3A_56 = arith.constant 4 : i32
      %mul3A_57 = arith.muli %mul3A_56, %scan3A_54 : i32
      %add3A_58 = arith.constant 0 : i32
      %add3A_59 = arith.addi %mul3A_57, %add3A_58 : i32
      %dma_wait3A_60 = arith.constant 0 : i32
      %dma_wait3A_61 = tpu.memref_slice %arg2[%dma_wait3A_60] : memref<100000xf32, #tpu.memory_space<hbm>> -> memref<2000xf32, #tpu.memory_space<hbm>>
      %dma_wait3A_62 = arith.constant 0 : i32
      %dma_wait3A_63 = tpu.memref_slice %arg2[%dma_wait3A_62] : memref<100000xf32, #tpu.memory_space<hbm>> -> memref<2000xf32, #tpu.memory_space<hbm>>
      tpu.wait_dma2 semaphore(%arg42 : memref<!tpu.dma_semaphore, #tpu.memory_space<semaphore_mem>>) src(%dma_wait3A_63 : memref<2000xf32, #tpu.memory_space<hbm>>) dst(%arg20 : memref<2000xf32, #tpu.memory_space<vmem>>)
      %dma_wait3A_64 = arith.constant 0 : i32
      %dma_wait3A_65 = tpu.memref_slice %arg2[%dma_wait3A_64] : memref<100000xf32, #tpu.memory_space<hbm>> -> memref<2000xf32, #tpu.memory_space<hbm>>
      %dma_wait3A_66 = arith.constant 0 : i32
      %dma_wait3A_67 = tpu.memref_slice %arg2[%dma_wait3A_66] : memref<100000xf32, #tpu.memory_space<hbm>> -> memref<2000xf32, #tpu.memory_space<hbm>>
      tpu.wait_dma2 semaphore(%arg42 : memref<!tpu.dma_semaphore, #tpu.memory_space<semaphore_mem>>) src(%dma_wait3A_67 : memref<2000xf32, #tpu.memory_space<hbm>>) dst(%arg21 : memref<2000xf32, #tpu.memory_space<vmem>>)
      %dma_wait3A_68 = arith.constant 0 : i32
      %dma_wait3A_69 = tpu.memref_slice %arg2[%dma_wait3A_68] : memref<100000xf32, #tpu.memory_space<hbm>> -> memref<2000xf32, #tpu.memory_space<hbm>>
      %dma_wait3A_70 = arith.constant 0 : i32
      %dma_wait3A_71 = tpu.memref_slice %arg2[%dma_wait3A_70] : memref<100000xf32, #tpu.memory_space<hbm>> -> memref<2000xf32, #tpu.memory_space<hbm>>
      tpu.wait_dma2 semaphore(%arg42 : memref<!tpu.dma_semaphore, #tpu.memory_space<semaphore_mem>>) src(%dma_wait3A_71 : memref<2000xf32, #tpu.memory_space<hbm>>) dst(%arg22 : memref<2000xf32, #tpu.memory_space<vmem>>)
      %dma_wait3A_72 = arith.constant 0 : i32
      %dma_wait3A_73 = tpu.memref_slice %arg2[%dma_wait3A_72] : memref<100000xf32, #tpu.memory_space<hbm>> -> memref<2000xf32, #tpu.memory_space<hbm>>
      %dma_wait3A_74 = arith.constant 0 : i32
      %dma_wait3A_75 = tpu.memref_slice %arg2[%dma_wait3A_74] : memref<100000xf32, #tpu.memory_space<hbm>> -> memref<2000xf32, #tpu.memory_space<hbm>>
      tpu.wait_dma2 semaphore(%arg42 : memref<!tpu.dma_semaphore, #tpu.memory_space<semaphore_mem>>) src(%dma_wait3A_75 : memref<2000xf32, #tpu.memory_space<hbm>>) dst(%arg23 : memref<2000xf32, #tpu.memory_space<vmem>>)
      %dma_wait3A_76 = arith.constant 0 : i32
      %dma_wait3A_77 = tpu.memref_slice %arg2[%dma_wait3A_76] : memref<100000xf32, #tpu.memory_space<hbm>> -> memref<2000xf32, #tpu.memory_space<hbm>>
      %dma_wait3A_78 = arith.constant 0 : i32
      %dma_wait3A_79 = tpu.memref_slice %arg2[%dma_wait3A_78] : memref<100000xf32, #tpu.memory_space<hbm>> -> memref<2000xf32, #tpu.memory_space<hbm>>
      tpu.wait_dma2 semaphore(%arg42 : memref<!tpu.dma_semaphore, #tpu.memory_space<semaphore_mem>>) src(%dma_wait3A_79 : memref<2000xf32, #tpu.memory_space<hbm>>) dst(%arg24 : memref<2000xf32, #tpu.memory_space<vmem>>)
      %dma_wait3A_80 = arith.constant 0 : i32
      %dma_wait3A_81 = tpu.memref_slice %arg2[%dma_wait3A_80] : memref<100000xf32, #tpu.memory_space<hbm>> -> memref<2000xf32, #tpu.memory_space<hbm>>
      %dma_wait3A_82 = arith.constant 0 : i32
      %dma_wait3A_83 = tpu.memref_slice %arg2[%dma_wait3A_82] : memref<100000xf32, #tpu.memory_space<hbm>> -> memref<2000xf32, #tpu.memory_space<hbm>>
      tpu.wait_dma2 semaphore(%arg42 : memref<!tpu.dma_semaphore, #tpu.memory_space<semaphore_mem>>) src(%dma_wait3A_83 : memref<2000xf32, #tpu.memory_space<hbm>>) dst(%arg25 : memref<2000xf32, #tpu.memory_space<vmem>>)
      %ge3A = arith.constant 2 : i32
      %ge3A_84 = arith.cmpi sge, %add3A_59, %ge3A : i32
      %convert_element_type3A = arith.extui %ge3A_84 : i1 to i32
      %cond3A = arith.constant 0 : i32
      %cond3A_85 = arith.cmpi ne, %convert_element_type3A, %cond3A : i32
      scf.if %cond3A_85 {
        %dma_wait3A_309 = arith.constant 0 : i32
        %dma_wait3A_310 = tpu.memref_slice %arg9[%dma_wait3A_309] : memref<100352xf32, #tpu.memory_space<vmem_shared>> -> memref<100352xf32, #tpu.memory_space<vmem_shared>>
        tpu.wait_indirect_dma semaphore(%arg44 : memref<!tpu.dma_semaphore, #tpu.memory_space<semaphore_mem>>) src(%arg32 : memref<2000xf32, #tpu.memory_space<vmem>>) dst(%dma_wait3A_310 : memref<100352xf32, #tpu.memory_space<vmem_shared>>)
        %dma_wait3A_311 = arith.constant 0 : i32
        %dma_wait3A_312 = tpu.memref_slice %arg10[%dma_wait3A_311] : memref<100352xf32, #tpu.memory_space<vmem_shared>> -> memref<100352xf32, #tpu.memory_space<vmem_shared>>
        tpu.wait_indirect_dma semaphore(%arg44 : memref<!tpu.dma_semaphore, #tpu.memory_space<semaphore_mem>>) src(%arg33 : memref<2000xf32, #tpu.memory_space<vmem>>) dst(%dma_wait3A_312 : memref<100352xf32, #tpu.memory_space<vmem_shared>>)
        %dma_wait3A_313 = arith.constant 0 : i32
        %dma_wait3A_314 = tpu.memref_slice %arg11[%dma_wait3A_313] : memref<100352xf32, #tpu.memory_space<vmem_shared>> -> memref<100352xf32, #tpu.memory_space<vmem_shared>>
        tpu.wait_indirect_dma semaphore(%arg44 : memref<!tpu.dma_semaphore, #tpu.memory_space<semaphore_mem>>) src(%arg34 : memref<2000xf32, #tpu.memory_space<vmem>>) dst(%dma_wait3A_314 : memref<100352xf32, #tpu.memory_space<vmem_shared>>)
        %dma_wait3A_315 = arith.constant 0 : i32
        %dma_wait3A_316 = tpu.memref_slice %arg12[%dma_wait3A_315] : memref<100352xf32, #tpu.memory_space<vmem_shared>> -> memref<100352xf32, #tpu.memory_space<vmem_shared>>
        tpu.wait_indirect_dma semaphore(%arg44 : memref<!tpu.dma_semaphore, #tpu.memory_space<semaphore_mem>>) src(%arg35 : memref<2000xf32, #tpu.memory_space<vmem>>) dst(%dma_wait3A_316 : memref<100352xf32, #tpu.memory_space<vmem_shared>>)
        %dma_wait3A_317 = arith.constant 0 : i32
        %dma_wait3A_318 = tpu.memref_slice %arg13[%dma_wait3A_317] : memref<100352xf32, #tpu.memory_space<vmem_shared>> -> memref<100352xf32, #tpu.memory_space<vmem_shared>>
        tpu.wait_indirect_dma semaphore(%arg44 : memref<!tpu.dma_semaphore, #tpu.memory_space<semaphore_mem>>) src(%arg36 : memref<2000xf32, #tpu.memory_space<vmem>>) dst(%dma_wait3A_318 : memref<100352xf32, #tpu.memory_space<vmem_shared>>)
      } else {
      }
      %add3A_86 = arith.constant 1 : i32
      %add3A_87 = arith.addi %add3A_59, %add3A_86 : i32
      %lt3A = arith.constant 100 : i32
      %lt3A_88 = arith.cmpi slt, %add3A_87, %lt3A : i32
      %convert_element_type3A_89 = arith.extui %lt3A_88 : i1 to i32
      %cond3A_90 = arith.constant 0 : i32
      %cond3A_91 = arith.cmpi ne, %convert_element_type3A_89, %cond3A_90 : i32
      scf.if %cond3A_91 {
        %dma_wait3A_309 = arith.constant 0 : i32
        %dma_wait3A_310 = tpu.memref_slice %arg5[%dma_wait3A_309] : memref<6400000xi32, #tpu.memory_space<hbm>> -> memref<2000xi32, #tpu.memory_space<hbm>>
        %dma_wait3A_311 = arith.constant 0 : i32
        %dma_wait3A_312 = tpu.memref_slice %arg5[%dma_wait3A_311] : memref<6400000xi32, #tpu.memory_space<hbm>> -> memref<2000xi32, #tpu.memory_space<hbm>>
        tpu.wait_dma2 semaphore(%arg47 : memref<!tpu.dma_semaphore, #tpu.memory_space<semaphore_mem>>) src(%dma_wait3A_312 : memref<2000xi32, #tpu.memory_space<hbm>>) dst(%arg15 : memref<2000xi32, #tpu.memory_space<vmem>>)
        %dma_wait3A_313 = arith.constant 0 : i32
        %dma_wait3A_314 = tpu.memref_slice %arg5[%dma_wait3A_313] : memref<6400000xi32, #tpu.memory_space<hbm>> -> memref<2000xi32, #tpu.memory_space<hbm>>
        %dma_wait3A_315 = arith.constant 0 : i32
        %dma_wait3A_316 = tpu.memref_slice %arg5[%dma_wait3A_315] : memref<6400000xi32, #tpu.memory_space<hbm>> -> memref<2000xi32, #tpu.memory_space<hbm>>
        tpu.wait_dma2 semaphore(%arg47 : memref<!tpu.dma_semaphore, #tpu.memory_space<semaphore_mem>>) src(%dma_wait3A_316 : memref<2000xi32, #tpu.memory_space<hbm>>) dst(%arg16 : memref<2000xi32, #tpu.memory_space<vmem>>)
        %add3A_317 = arith.constant 1 : i32
        %add3A_318 = arith.addi %add3A_59, %add3A_317 : i32
        %dma_start3A_319 = arith.constant 0 : i32
        %dma_start3A_320 = tpu.memref_slice %arg2[%dma_start3A_319] : memref<100000xf32, #tpu.memory_space<hbm>> -> memref<100000xf32, #tpu.memory_space<hbm>>
        tpu.enqueue_indirect_dma source(%dma_start3A_320 : memref<100000xf32, #tpu.memory_space<hbm>>) target(%arg26 : memref<2000xf32, #tpu.memory_space<vmem>>) offsets(%arg15 : memref<2000xi32, #tpu.memory_space<vmem>>) semaphore(%arg43 : memref<!tpu.dma_semaphore, #tpu.memory_space<semaphore_mem>>)
        %dma_start3A_321 = arith.constant 0 : i32
        %dma_start3A_322 = tpu.memref_slice %arg3[%dma_start3A_321] : memref<100000xf32, #tpu.memory_space<hbm>> -> memref<100000xf32, #tpu.memory_space<hbm>>
        tpu.enqueue_indirect_dma source(%dma_start3A_322 : memref<100000xf32, #tpu.memory_space<hbm>>) target(%arg27 : memref<2000xf32, #tpu.memory_space<vmem>>) offsets(%arg15 : memref<2000xi32, #tpu.memory_space<vmem>>) semaphore(%arg43 : memref<!tpu.dma_semaphore, #tpu.memory_space<semaphore_mem>>)
        %dma_start3A_323 = arith.constant 0 : i32
        %dma_start3A_324 = tpu.memref_slice %arg4[%dma_start3A_323] : memref<100000xf32, #tpu.memory_space<hbm>> -> memref<100000xf32, #tpu.memory_space<hbm>>
        tpu.enqueue_indirect_dma source(%dma_start3A_324 : memref<100000xf32, #tpu.memory_space<hbm>>) target(%arg28 : memref<2000xf32, #tpu.memory_space<vmem>>) offsets(%arg15 : memref<2000xi32, #tpu.memory_space<vmem>>) semaphore(%arg43 : memref<!tpu.dma_semaphore, #tpu.memory_space<semaphore_mem>>)
        %dma_start3A_325 = arith.constant 0 : i32
        %dma_start3A_326 = tpu.memref_slice %arg2[%dma_start3A_325] : memref<100000xf32, #tpu.memory_space<hbm>> -> memref<100000xf32, #tpu.memory_space<hbm>>
        tpu.enqueue_indirect_dma source(%dma_start3A_326 : memref<100000xf32, #tpu.memory_space<hbm>>) target(%arg29 : memref<2000xf32, #tpu.memory_space<vmem>>) offsets(%arg17 : memref<2000xi32, #tpu.memory_space<vmem>>) semaphore(%arg43 : memref<!tpu.dma_semaphore, #tpu.memory_space<semaphore_mem>>)
        %dma_start3A_327 = arith.constant 0 : i32
        %dma_start3A_328 = tpu.memref_slice %arg3[%dma_start3A_327] : memref<100000xf32, #tpu.memory_space<hbm>> -> memref<100000xf32, #tpu.memory_space<hbm>>
        tpu.enqueue_indirect_dma source(%dma_start3A_328 : memref<100000xf32, #tpu.memory_space<hbm>>) target(%arg30 : memref<2000xf32, #tpu.memory_space<vmem>>) offsets(%arg17 : memref<2000xi32, #tpu.memory_space<vmem>>) semaphore(%arg43 : memref<!tpu.dma_semaphore, #tpu.memory_space<semaphore_mem>>)
        %dma_start3A_329 = arith.constant 0 : i32
        %dma_start3A_330 = tpu.memref_slice %arg4[%dma_start3A_329] : memref<100000xf32, #tpu.memory_space<hbm>> -> memref<100000xf32, #tpu.memory_space<hbm>>
        tpu.enqueue_indirect_dma source(%dma_start3A_330 : memref<100000xf32, #tpu.memory_space<hbm>>) target(%arg31 : memref<2000xf32, #tpu.memory_space<vmem>>) offsets(%arg17 : memref<2000xi32, #tpu.memory_space<vmem>>) semaphore(%arg43 : memref<!tpu.dma_semaphore, #tpu.memory_space<semaphore_mem>>)
      } else {
      }
      %add3A_92 = arith.constant 2 : i32
      %add3A_93 = arith.addi %add3A_59, %add3A_92 : i32
      %lt3A_94 = arith.constant 100 : i32
      %lt3A_95 = arith.cmpi slt, %add3A_93, %lt3A_94 : i32
      %convert_element_type3A_96 = arith.extui %lt3A_95 : i1 to i32
      %cond3A_97 = arith.constant 0 : i32
      %cond3A_98 = arith.cmpi ne, %convert_element_type3A_96, %cond3A_97 : i32
      scf.if %cond3A_98 {
        %add3A_309 = arith.constant 2 : i32
        %add3A_310 = arith.addi %add3A_59, %add3A_309 : i32
        %mul3A_311 = arith.constant 200000 : i32
        %mul3A_312 = arith.muli %add3A, %mul3A_311 : i32
        %mul3A_313 = arith.constant 2000 : i32
        %mul3A_314 = arith.muli %add3A_310, %mul3A_313 : i32
        %add3A_315 = arith.addi %mul3A_312, %mul3A_314 : i32
        %dma_start3A_316 = tpu.memref_slice %arg5[%add3A_315] : memref<6400000xi32, #tpu.memory_space<hbm>> -> memref<2000xi32, #tpu.memory_space<hbm>>
        %dma_start3A_317 = tpu.memref_slice %arg5[%add3A_315] : memref<6400000xi32, #tpu.memory_space<hbm>> -> memref<2000xi32, #tpu.memory_space<hbm>>
        tpu.enqueue_dma source(%dma_start3A_317 : memref<2000xi32, #tpu.memory_space<hbm>>) target(%arg14 : memref<2000xi32, #tpu.memory_space<vmem>>) target_semaphore(%arg46 : memref<!tpu.dma_semaphore, #tpu.memory_space<semaphore_mem>>)
        %dma_start3A_318 = tpu.memref_slice %arg6[%add3A_315] : memref<6400000xi32, #tpu.memory_space<hbm>> -> memref<2000xi32, #tpu.memory_space<hbm>>
        %dma_start3A_319 = tpu.memref_slice %arg6[%add3A_315] : memref<6400000xi32, #tpu.memory_space<hbm>> -> memref<2000xi32, #tpu.memory_space<hbm>>
        tpu.enqueue_dma source(%dma_start3A_319 : memref<2000xi32, #tpu.memory_space<hbm>>) target(%arg18 : memref<2000xi32, #tpu.memory_space<vmem>>) target_semaphore(%arg46 : memref<!tpu.dma_semaphore, #tpu.memory_space<semaphore_mem>>)
      } else {
      }
      %scan3A_99 = arith.constant 0 : i32
      %scan3A_100 = arith.constant 0 : i32
      %scan3A_101 = arith.constant 125 : i32
      %scan3A_102 = arith.addi %scan3A_100, %scan3A_101 : i32
      %scan3A_103 = arith.constant 1 : i32
      %scan3A_104 = scf.for %scan3A_309 = %scan3A_100 to %scan3A_102 step %scan3A_103 iter_args(%scan3A_310 = %scan3A_99) -> (i32)  : i32 {
        %mul3A_311 = arith.constant 16 : i32
        %mul3A_312 = arith.muli %scan3A_309, %mul3A_311 : i32
        %get3A = arith.index_cast %mul3A_312 : i32 to index
        %get3A_313 = tpu.vector_load %arg20[%get3A] {strides = array<i32>} : memref<2000xf32, #tpu.memory_space<vmem>>, vector<16xf32>,
        %get3A_314 = vector.shape_cast %get3A_313 : vector<16xf32> to vector<16xf32>
        %get3A_315 = arith.index_cast %mul3A_312 : i32 to index
        %get3A_316 = tpu.vector_load %arg23[%get3A_315] {strides = array<i32>} : memref<2000xf32, #tpu.memory_space<vmem>>, vector<16xf32>,
        %get3A_317 = vector.shape_cast %get3A_316 : vector<16xf32> to vector<16xf32>
        %sub3A = arith.subf %get3A_314, %get3A_317 : vector<16xf32>
        %get3A_318 = arith.index_cast %mul3A_312 : i32 to index
        %get3A_319 = tpu.vector_load %arg21[%get3A_318] {strides = array<i32>} : memref<2000xf32, #tpu.memory_space<vmem>>, vector<16xf32>,
        %get3A_320 = vector.shape_cast %get3A_319 : vector<16xf32> to vector<16xf32>
        %get3A_321 = arith.index_cast %mul3A_312 : i32 to index
        %get3A_322 = tpu.vector_load %arg24[%get3A_321] {strides = array<i32>} : memref<2000xf32, #tpu.memory_space<vmem>>, vector<16xf32>,
        %get3A_323 = vector.shape_cast %get3A_322 : vector<16xf32> to vector<16xf32>
        %sub3A_324 = arith.subf %get3A_320, %get3A_323 : vector<16xf32>
        %get3A_325 = arith.index_cast %mul3A_312 : i32 to index
        %get3A_326 = tpu.vector_load %arg22[%get3A_325] {strides = array<i32>} : memref<2000xf32, #tpu.memory_space<vmem>>, vector<16xf32>,
        %get3A_327 = vector.shape_cast %get3A_326 : vector<16xf32> to vector<16xf32>
        %get3A_328 = arith.index_cast %mul3A_312 : i32 to index
        %get3A_329 = tpu.vector_load %arg25[%get3A_328] {strides = array<i32>} : memref<2000xf32, #tpu.memory_space<vmem>>, vector<16xf32>,
        %get3A_330 = vector.shape_cast %get3A_329 : vector<16xf32> to vector<16xf32>
        %sub3A_331 = arith.subf %get3A_327, %get3A_330 : vector<16xf32>
        %mul3A_332 = arith.mulf %sub3A, %sub3A : vector<16xf32>
        %mul3A_333 = arith.mulf %sub3A_324, %sub3A_324 : vector<16xf32>
        %add3A_334 = arith.addf %mul3A_332, %mul3A_333 : vector<16xf32>
        %mul3A_335 = arith.mulf %sub3A_331, %sub3A_331 : vector<16xf32>
        %add3A_336 = arith.addf %add3A_334, %mul3A_335 : vector<16xf32>
        %bitcast_convert_type3A = tpu.bitcast %add3A_336 : vector<16xf32> -> vector<16xi32>
        %shift_right_arithmetic3A = arith.constant 1 : i32
        %shift_right_arithmetic3A_337 = vector.broadcast %shift_right_arithmetic3A : i32 to vector<16xi32>
        %shift_right_arithmetic3A_338 = arith.shrsi %bitcast_convert_type3A, %shift_right_arithmetic3A_337 : vector<16xi32>
        %sub3A_339 = arith.constant 1597463007 : i32
        %sub3A_340 = vector.broadcast %sub3A_339 : i32 to vector<16xi32>
        %sub3A_341 = arith.subi %sub3A_340, %shift_right_arithmetic3A_338 : vector<16xi32>
        %bitcast_convert_type3A_342 = tpu.bitcast %sub3A_341 : vector<16xi32> -> vector<16xf32>
        %mul3A_343 = arith.constant 5.000000e-01 : f32
        %mul3A_344 = vector.broadcast %mul3A_343 : f32 to vector<16xf32>
        %mul3A_345 = arith.mulf %mul3A_344, %add3A_336 : vector<16xf32>
        %mul3A_346 = arith.mulf %mul3A_345, %bitcast_convert_type3A_342 : vector<16xf32>
        %mul3A_347 = arith.mulf %mul3A_346, %bitcast_convert_type3A_342 : vector<16xf32>
        %sub3A_348 = arith.constant 1.500000e+00 : f32
        %sub3A_349 = vector.broadcast %sub3A_348 : f32 to vector<16xf32>
        %sub3A_350 = arith.subf %sub3A_349, %mul3A_347 : vector<16xf32>
        %mul3A_351 = arith.mulf %bitcast_convert_type3A_342, %sub3A_350 : vector<16xf32>
        %mul3A_352 = arith.constant 5.000000e-01 : f32
        %mul3A_353 = vector.broadcast %mul3A_352 : f32 to vector<16xf32>
        %mul3A_354 = arith.mulf %mul3A_353, %add3A_336 : vector<16xf32>
        %mul3A_355 = arith.mulf %mul3A_354, %mul3A_351 : vector<16xf32>
        %mul3A_356 = arith.mulf %mul3A_355, %mul3A_351 : vector<16xf32>
        %sub3A_357 = arith.constant 1.500000e+00 : f32
        %sub3A_358 = vector.broadcast %sub3A_357 : f32 to vector<16xf32>
        %sub3A_359 = arith.subf %sub3A_358, %mul3A_356 : vector<16xf32>
        %mul3A_360 = arith.mulf %mul3A_351, %sub3A_359 : vector<16xf32>
        %mul3A_361 = arith.constant 5.000000e-01 : f32
        %mul3A_362 = vector.broadcast %mul3A_361 : f32 to vector<16xf32>
        %mul3A_363 = arith.mulf %mul3A_362, %add3A_336 : vector<16xf32>
        %mul3A_364 = arith.mulf %mul3A_363, %mul3A_360 : vector<16xf32>
        %mul3A_365 = arith.mulf %mul3A_364, %mul3A_360 : vector<16xf32>
        %sub3A_366 = arith.constant 1.500000e+00 : f32
        %sub3A_367 = vector.broadcast %sub3A_366 : f32 to vector<16xf32>
        %sub3A_368 = arith.subf %sub3A_367, %mul3A_365 : vector<16xf32>
        %mul3A_369 = arith.mulf %mul3A_360, %sub3A_368 : vector<16xf32>
        %mul3A_370 = arith.mulf %add3A_336, %mul3A_369 : vector<16xf32>
        %sub3A_371 = arith.constant 5.000000e-01 : f32
        %sub3A_372 = vector.broadcast %sub3A_371 : f32 to vector<16xf32>
        %sub3A_373 = arith.subf %sub3A_372, %mul3A_370 : vector<16xf32>
        %mul3A_374 = arith.mulf %sub3A_373, %sub3A_373 : vector<16xf32>
        %mul3A_375 = arith.constant -0.694444418 : f32
        %mul3A_376 = vector.broadcast %mul3A_375 : f32 to vector<16xf32>
        %mul3A_377 = arith.mulf %mul3A_376, %mul3A_374 : vector<16xf32>
        %exp3A = math.exp %mul3A_377 : vector<16xf32>
        %swap3A = arith.index_cast %mul3A_312 : i32 to index
        %swap3A_378 = tpu.vector_load %arg32[%swap3A] {strides = array<i32>} : memref<2000xf32, #tpu.memory_space<vmem>>, vector<16xf32>,
        %swap3A_379 = vector.shape_cast %swap3A_378 : vector<16xf32> to vector<16xf32>
        %swap3A_380 = vector.shape_cast %exp3A : vector<16xf32> to vector<16xf32>
        tpu.vector_store %arg32[%swap3A], %swap3A_380 {strides = array<i32>} : memref<2000xf32, #tpu.memory_space<vmem>>, vector<16xf32>,
        %sub3A_381 = arith.constant 1.600000e+00 : f32
        %sub3A_382 = vector.broadcast %sub3A_381 : f32 to vector<16xf32>
        %sub3A_383 = arith.subf %sub3A_382, %mul3A_370 : vector<16xf32>
        %mul3A_384 = arith.mulf %sub3A_383, %sub3A_383 : vector<16xf32>
        %mul3A_385 = arith.constant -0.694444418 : f32
        %mul3A_386 = vector.broadcast %mul3A_385 : f32 to vector<16xf32>
        %mul3A_387 = arith.mulf %mul3A_386, %mul3A_384 : vector<16xf32>
        %exp3A_388 = math.exp %mul3A_387 : vector<16xf32>
        %swap3A_389 = arith.index_cast %mul3A_312 : i32 to index
        %swap3A_390 = tpu.vector_load %arg33[%swap3A_389] {strides = array<i32>} : memref<2000xf32, #tpu.memory_space<vmem>>, vector<16xf32>,
        %swap3A_391 = vector.shape_cast %swap3A_390 : vector<16xf32> to vector<16xf32>
        %swap3A_392 = vector.shape_cast %exp3A_388 : vector<16xf32> to vector<16xf32>
        tpu.vector_store %arg33[%swap3A_389], %swap3A_392 {strides = array<i32>} : memref<2000xf32, #tpu.memory_space<vmem>>, vector<16xf32>,
        %sub3A_393 = arith.constant 2.700000e+00 : f32
        %sub3A_394 = vector.broadcast %sub3A_393 : f32 to vector<16xf32>
        %sub3A_395 = arith.subf %sub3A_394, %mul3A_370 : vector<16xf32>
        %mul3A_396 = arith.mulf %sub3A_395, %sub3A_395 : vector<16xf32>
        %mul3A_397 = arith.constant -0.694444418 : f32
        %mul3A_398 = vector.broadcast %mul3A_397 : f32 to vector<16xf32>
        %mul3A_399 = arith.mulf %mul3A_398, %mul3A_396 : vector<16xf32>
        %exp3A_400 = math.exp %mul3A_399 : vector<16xf32>
        %swap3A_401 = arith.index_cast %mul3A_312 : i32 to index
        %swap3A_402 = tpu.vector_load %arg34[%swap3A_401] {strides = array<i32>} : memref<2000xf32, #tpu.memory_space<vmem>>, vector<16xf32>,
        %swap3A_403 = vector.shape_cast %swap3A_402 : vector<16xf32> to vector<16xf32>
        %swap3A_404 = vector.shape_cast %exp3A_400 : vector<16xf32> to vector<16xf32>
        tpu.vector_store %arg34[%swap3A_401], %swap3A_404 {strides = array<i32>} : memref<2000xf32, #tpu.memory_space<vmem>>, vector<16xf32>,
        %sub3A_405 = arith.constant 3.800000e+00 : f32
        %sub3A_406 = vector.broadcast %sub3A_405 : f32 to vector<16xf32>
        %sub3A_407 = arith.subf %sub3A_406, %mul3A_370 : vector<16xf32>
        %mul3A_408 = arith.mulf %sub3A_407, %sub3A_407 : vector<16xf32>
        %mul3A_409 = arith.constant -0.694444418 : f32
        %mul3A_410 = vector.broadcast %mul3A_409 : f32 to vector<16xf32>
        %mul3A_411 = arith.mulf %mul3A_410, %mul3A_408 : vector<16xf32>
        %exp3A_412 = math.exp %mul3A_411 : vector<16xf32>
        %swap3A_413 = arith.index_cast %mul3A_312 : i32 to index
        %swap3A_414 = tpu.vector_load %arg35[%swap3A_413] {strides = array<i32>} : memref<2000xf32, #tpu.memory_space<vmem>>, vector<16xf32>,
        %swap3A_415 = vector.shape_cast %swap3A_414 : vector<16xf32> to vector<16xf32>
        %swap3A_416 = vector.shape_cast %exp3A_412 : vector<16xf32> to vector<16xf32>
        tpu.vector_store %arg35[%swap3A_413], %swap3A_416 {strides = array<i32>} : memref<2000xf32, #tpu.memory_space<vmem>>, vector<16xf32>,
        %sub3A_417 = arith.constant 4.900000e+00 : f32
        %sub3A_418 = vector.broadcast %sub3A_417 : f32 to vector<16xf32>
        %sub3A_419 = arith.subf %sub3A_418, %mul3A_370 : vector<16xf32>
        %mul3A_420 = arith.mulf %sub3A_419, %sub3A_419 : vector<16xf32>
        %mul3A_421 = arith.constant -0.694444418 : f32
        %mul3A_422 = vector.broadcast %mul3A_421 : f32 to vector<16xf32>
        %mul3A_423 = arith.mulf %mul3A_422, %mul3A_420 : vector<16xf32>
        %exp3A_424 = math.exp %mul3A_423 : vector<16xf32>
        %swap3A_425 = arith.index_cast %mul3A_312 : i32 to index
        %swap3A_426 = tpu.vector_load %arg36[%swap3A_425] {strides = array<i32>} : memref<2000xf32, #tpu.memory_space<vmem>>, vector<16xf32>,
        %swap3A_427 = vector.shape_cast %swap3A_426 : vector<16xf32> to vector<16xf32>
        %swap3A_428 = vector.shape_cast %exp3A_424 : vector<16xf32> to vector<16xf32>
        tpu.vector_store %arg36[%swap3A_425], %swap3A_428 {strides = array<i32>} : memref<2000xf32, #tpu.memory_space<vmem>>, vector<16xf32>,
        %scan3A_429 = arith.constant 0 : i32
        scf.yield %scan3A_429 : i32
      }
      %scan3A_105 = arith.constant 125 : i32
      %dma_start3A_106 = arith.constant 0 : i32
      %dma_start3A_107 = tpu.memref_slice %arg9[%dma_start3A_106] : memref<100352xf32, #tpu.memory_space<vmem_shared>> -> memref<100352xf32, #tpu.memory_space<vmem_shared>>
      tpu.enqueue_indirect_dma source(%arg32 : memref<2000xf32, #tpu.memory_space<vmem>>) target(%dma_start3A_107 : memref<100352xf32, #tpu.memory_space<vmem_shared>>) offsets(%arg16 : memref<2000xi32, #tpu.memory_space<vmem>>) semaphore(%arg44 : memref<!tpu.dma_semaphore, #tpu.memory_space<semaphore_mem>>) {add = true}
      %dma_start3A_108 = arith.constant 0 : i32
      %dma_start3A_109 = tpu.memref_slice %arg10[%dma_start3A_108] : memref<100352xf32, #tpu.memory_space<vmem_shared>> -> memref<100352xf32, #tpu.memory_space<vmem_shared>>
      tpu.enqueue_indirect_dma source(%arg33 : memref<2000xf32, #tpu.memory_space<vmem>>) target(%dma_start3A_109 : memref<100352xf32, #tpu.memory_space<vmem_shared>>) offsets(%arg16 : memref<2000xi32, #tpu.memory_space<vmem>>) semaphore(%arg44 : memref<!tpu.dma_semaphore, #tpu.memory_space<semaphore_mem>>) {add = true}
      %dma_start3A_110 = arith.constant 0 : i32
      %dma_start3A_111 = tpu.memref_slice %arg11[%dma_start3A_110] : memref<100352xf32, #tpu.memory_space<vmem_shared>> -> memref<100352xf32, #tpu.memory_space<vmem_shared>>
      tpu.enqueue_indirect_dma source(%arg34 : memref<2000xf32, #tpu.memory_space<vmem>>) target(%dma_start3A_111 : memref<100352xf32, #tpu.memory_space<vmem_shared>>) offsets(%arg16 : memref<2000xi32, #tpu.memory_space<vmem>>) semaphore(%arg44 : memref<!tpu.dma_semaphore, #tpu.memory_space<semaphore_mem>>) {add = true}
      %dma_start3A_112 = arith.constant 0 : i32
      %dma_start3A_113 = tpu.memref_slice %arg12[%dma_start3A_112] : memref<100352xf32, #tpu.memory_space<vmem_shared>> -> memref<100352xf32, #tpu.memory_space<vmem_shared>>
      tpu.enqueue_indirect_dma source(%arg35 : memref<2000xf32, #tpu.memory_space<vmem>>) target(%dma_start3A_113 : memref<100352xf32, #tpu.memory_space<vmem_shared>>) offsets(%arg16 : memref<2000xi32, #tpu.memory_space<vmem>>) semaphore(%arg44 : memref<!tpu.dma_semaphore, #tpu.memory_space<semaphore_mem>>) {add = true}
      %dma_start3A_114 = arith.constant 0 : i32
      %dma_start3A_115 = tpu.memref_slice %arg13[%dma_start3A_114] : memref<100352xf32, #tpu.memory_space<vmem_shared>> -> memref<100352xf32, #tpu.memory_space<vmem_shared>>
      tpu.enqueue_indirect_dma source(%arg36 : memref<2000xf32, #tpu.memory_space<vmem>>) target(%dma_start3A_115 : memref<100352xf32, #tpu.memory_space<vmem_shared>>) offsets(%arg16 : memref<2000xi32, #tpu.memory_space<vmem>>) semaphore(%arg44 : memref<!tpu.dma_semaphore, #tpu.memory_space<semaphore_mem>>) {add = true}
      %mul3A_116 = arith.constant 4 : i32
      %mul3A_117 = arith.muli %mul3A_116, %scan3A_54 : i32
      %add3A_118 = arith.constant 1 : i32
      %add3A_119 = arith.addi %mul3A_117, %add3A_118 : i32
      %dma_wait3A_120 = arith.constant 0 : i32
      %dma_wait3A_121 = tpu.memref_slice %arg2[%dma_wait3A_120] : memref<100000xf32, #tpu.memory_space<hbm>> -> memref<2000xf32, #tpu.memory_space<hbm>>
      %dma_wait3A_122 = arith.constant 0 : i32
      %dma_wait3A_123 = tpu.memref_slice %arg2[%dma_wait3A_122] : memref<100000xf32, #tpu.memory_space<hbm>> -> memref<2000xf32, #tpu.memory_space<hbm>>
      tpu.wait_dma2 semaphore(%arg43 : memref<!tpu.dma_semaphore, #tpu.memory_space<semaphore_mem>>) src(%dma_wait3A_123 : memref<2000xf32, #tpu.memory_space<hbm>>) dst(%arg26 : memref<2000xf32, #tpu.memory_space<vmem>>)
      %dma_wait3A_124 = arith.constant 0 : i32
      %dma_wait3A_125 = tpu.memref_slice %arg2[%dma_wait3A_124] : memref<100000xf32, #tpu.memory_space<hbm>> -> memref<2000xf32, #tpu.memory_space<hbm>>
      %dma_wait3A_126 = arith.constant 0 : i32
      %dma_wait3A_127 = tpu.memref_slice %arg2[%dma_wait3A_126] : memref<100000xf32, #tpu.memory_space<hbm>> -> memref<2000xf32, #tpu.memory_space<hbm>>
      tpu.wait_dma2 semaphore(%arg43 : memref<!tpu.dma_semaphore, #tpu.memory_space<semaphore_mem>>) src(%dma_wait3A_127 : memref<2000xf32, #tpu.memory_space<hbm>>) dst(%arg27 : memref<2000xf32, #tpu.memory_space<vmem>>)
      %dma_wait3A_128 = arith.constant 0 : i32
      %dma_wait3A_129 = tpu.memref_slice %arg2[%dma_wait3A_128] : memref<100000xf32, #tpu.memory_space<hbm>> -> memref<2000xf32, #tpu.memory_space<hbm>>
      %dma_wait3A_130 = arith.constant 0 : i32
      %dma_wait3A_131 = tpu.memref_slice %arg2[%dma_wait3A_130] : memref<100000xf32, #tpu.memory_space<hbm>> -> memref<2000xf32, #tpu.memory_space<hbm>>
      tpu.wait_dma2 semaphore(%arg43 : memref<!tpu.dma_semaphore, #tpu.memory_space<semaphore_mem>>) src(%dma_wait3A_131 : memref<2000xf32, #tpu.memory_space<hbm>>) dst(%arg28 : memref<2000xf32, #tpu.memory_space<vmem>>)
      %dma_wait3A_132 = arith.constant 0 : i32
      %dma_wait3A_133 = tpu.memref_slice %arg2[%dma_wait3A_132] : memref<100000xf32, #tpu.memory_space<hbm>> -> memref<2000xf32, #tpu.memory_space<hbm>>
      %dma_wait3A_134 = arith.constant 0 : i32
      %dma_wait3A_135 = tpu.memref_slice %arg2[%dma_wait3A_134] : memref<100000xf32, #tpu.memory_space<hbm>> -> memref<2000xf32, #tpu.memory_space<hbm>>
      tpu.wait_dma2 semaphore(%arg43 : memref<!tpu.dma_semaphore, #tpu.memory_space<semaphore_mem>>) src(%dma_wait3A_135 : memref<2000xf32, #tpu.memory_space<hbm>>) dst(%arg29 : memref<2000xf32, #tpu.memory_space<vmem>>)
      %dma_wait3A_136 = arith.constant 0 : i32
      %dma_wait3A_137 = tpu.memref_slice %arg2[%dma_wait3A_136] : memref<100000xf32, #tpu.memory_space<hbm>> -> memref<2000xf32, #tpu.memory_space<hbm>>
      %dma_wait3A_138 = arith.constant 0 : i32
      %dma_wait3A_139 = tpu.memref_slice %arg2[%dma_wait3A_138] : memref<100000xf32, #tpu.memory_space<hbm>> -> memref<2000xf32, #tpu.memory_space<hbm>>
      tpu.wait_dma2 semaphore(%arg43 : memref<!tpu.dma_semaphore, #tpu.memory_space<semaphore_mem>>) src(%dma_wait3A_139 : memref<2000xf32, #tpu.memory_space<hbm>>) dst(%arg30 : memref<2000xf32, #tpu.memory_space<vmem>>)
      %dma_wait3A_140 = arith.constant 0 : i32
      %dma_wait3A_141 = tpu.memref_slice %arg2[%dma_wait3A_140] : memref<100000xf32, #tpu.memory_space<hbm>> -> memref<2000xf32, #tpu.memory_space<hbm>>
      %dma_wait3A_142 = arith.constant 0 : i32
      %dma_wait3A_143 = tpu.memref_slice %arg2[%dma_wait3A_142] : memref<100000xf32, #tpu.memory_space<hbm>> -> memref<2000xf32, #tpu.memory_space<hbm>>
      tpu.wait_dma2 semaphore(%arg43 : memref<!tpu.dma_semaphore, #tpu.memory_space<semaphore_mem>>) src(%dma_wait3A_143 : memref<2000xf32, #tpu.memory_space<hbm>>) dst(%arg31 : memref<2000xf32, #tpu.memory_space<vmem>>)
      %ge3A_144 = arith.constant 2 : i32
      %ge3A_145 = arith.cmpi sge, %add3A_119, %ge3A_144 : i32
      %convert_element_type3A_146 = arith.extui %ge3A_145 : i1 to i32
      %cond3A_147 = arith.constant 0 : i32
      %cond3A_148 = arith.cmpi ne, %convert_element_type3A_146, %cond3A_147 : i32
      scf.if %cond3A_148 {
        %dma_wait3A_309 = arith.constant 0 : i32
        %dma_wait3A_310 = tpu.memref_slice %arg9[%dma_wait3A_309] : memref<100352xf32, #tpu.memory_space<vmem_shared>> -> memref<100352xf32, #tpu.memory_space<vmem_shared>>
        tpu.wait_indirect_dma semaphore(%arg45 : memref<!tpu.dma_semaphore, #tpu.memory_space<semaphore_mem>>) src(%arg37 : memref<2000xf32, #tpu.memory_space<vmem>>) dst(%dma_wait3A_310 : memref<100352xf32, #tpu.memory_space<vmem_shared>>)
        %dma_wait3A_311 = arith.constant 0 : i32
        %dma_wait3A_312 = tpu.memref_slice %arg10[%dma_wait3A_311] : memref<100352xf32, #tpu.memory_space<vmem_shared>> -> memref<100352xf32, #tpu.memory_space<vmem_shared>>
        tpu.wait_indirect_dma semaphore(%arg45 : memref<!tpu.dma_semaphore, #tpu.memory_space<semaphore_mem>>) src(%arg38 : memref<2000xf32, #tpu.memory_space<vmem>>) dst(%dma_wait3A_312 : memref<100352xf32, #tpu.memory_space<vmem_shared>>)
        %dma_wait3A_313 = arith.constant 0 : i32
        %dma_wait3A_314 = tpu.memref_slice %arg11[%dma_wait3A_313] : memref<100352xf32, #tpu.memory_space<vmem_shared>> -> memref<100352xf32, #tpu.memory_space<vmem_shared>>
        tpu.wait_indirect_dma semaphore(%arg45 : memref<!tpu.dma_semaphore, #tpu.memory_space<semaphore_mem>>) src(%arg39 : memref<2000xf32, #tpu.memory_space<vmem>>) dst(%dma_wait3A_314 : memref<100352xf32, #tpu.memory_space<vmem_shared>>)
        %dma_wait3A_315 = arith.constant 0 : i32
        %dma_wait3A_316 = tpu.memref_slice %arg12[%dma_wait3A_315] : memref<100352xf32, #tpu.memory_space<vmem_shared>> -> memref<100352xf32, #tpu.memory_space<vmem_shared>>
        tpu.wait_indirect_dma semaphore(%arg45 : memref<!tpu.dma_semaphore, #tpu.memory_space<semaphore_mem>>) src(%arg40 : memref<2000xf32, #tpu.memory_space<vmem>>) dst(%dma_wait3A_316 : memref<100352xf32, #tpu.memory_space<vmem_shared>>)
        %dma_wait3A_317 = arith.constant 0 : i32
        %dma_wait3A_318 = tpu.memref_slice %arg13[%dma_wait3A_317] : memref<100352xf32, #tpu.memory_space<vmem_shared>> -> memref<100352xf32, #tpu.memory_space<vmem_shared>>
        tpu.wait_indirect_dma semaphore(%arg45 : memref<!tpu.dma_semaphore, #tpu.memory_space<semaphore_mem>>) src(%arg41 : memref<2000xf32, #tpu.memory_space<vmem>>) dst(%dma_wait3A_318 : memref<100352xf32, #tpu.memory_space<vmem_shared>>)
      } else {
      }
      %add3A_149 = arith.constant 1 : i32
      %add3A_150 = arith.addi %add3A_119, %add3A_149 : i32
      %lt3A_151 = arith.constant 100 : i32
      %lt3A_152 = arith.cmpi slt, %add3A_150, %lt3A_151 : i32
      %convert_element_type3A_153 = arith.extui %lt3A_152 : i1 to i32
      %cond3A_154 = arith.constant 0 : i32
      %cond3A_155 = arith.cmpi ne, %convert_element_type3A_153, %cond3A_154 : i32
      scf.if %cond3A_155 {
        %dma_wait3A_309 = arith.constant 0 : i32
        %dma_wait3A_310 = tpu.memref_slice %arg5[%dma_wait3A_309] : memref<6400000xi32, #tpu.memory_space<hbm>> -> memref<2000xi32, #tpu.memory_space<hbm>>
        %dma_wait3A_311 = arith.constant 0 : i32
        %dma_wait3A_312 = tpu.memref_slice %arg5[%dma_wait3A_311] : memref<6400000xi32, #tpu.memory_space<hbm>> -> memref<2000xi32, #tpu.memory_space<hbm>>
        tpu.wait_dma2 semaphore(%arg46 : memref<!tpu.dma_semaphore, #tpu.memory_space<semaphore_mem>>) src(%dma_wait3A_312 : memref<2000xi32, #tpu.memory_space<hbm>>) dst(%arg14 : memref<2000xi32, #tpu.memory_space<vmem>>)
        %dma_wait3A_313 = arith.constant 0 : i32
        %dma_wait3A_314 = tpu.memref_slice %arg5[%dma_wait3A_313] : memref<6400000xi32, #tpu.memory_space<hbm>> -> memref<2000xi32, #tpu.memory_space<hbm>>
        %dma_wait3A_315 = arith.constant 0 : i32
        %dma_wait3A_316 = tpu.memref_slice %arg5[%dma_wait3A_315] : memref<6400000xi32, #tpu.memory_space<hbm>> -> memref<2000xi32, #tpu.memory_space<hbm>>
        tpu.wait_dma2 semaphore(%arg46 : memref<!tpu.dma_semaphore, #tpu.memory_space<semaphore_mem>>) src(%dma_wait3A_316 : memref<2000xi32, #tpu.memory_space<hbm>>) dst(%arg16 : memref<2000xi32, #tpu.memory_space<vmem>>)
        %add3A_317 = arith.constant 1 : i32
        %add3A_318 = arith.addi %add3A_119, %add3A_317 : i32
        %dma_start3A_319 = arith.constant 0 : i32
        %dma_start3A_320 = tpu.memref_slice %arg2[%dma_start3A_319] : memref<100000xf32, #tpu.memory_space<hbm>> -> memref<100000xf32, #tpu.memory_space<hbm>>
        tpu.enqueue_indirect_dma source(%dma_start3A_320 : memref<100000xf32, #tpu.memory_space<hbm>>) target(%arg20 : memref<2000xf32, #tpu.memory_space<vmem>>) offsets(%arg14 : memref<2000xi32, #tpu.memory_space<vmem>>) semaphore(%arg42 : memref<!tpu.dma_semaphore, #tpu.memory_space<semaphore_mem>>)
        %dma_start3A_321 = arith.constant 0 : i32
        %dma_start3A_322 = tpu.memref_slice %arg3[%dma_start3A_321] : memref<100000xf32, #tpu.memory_space<hbm>> -> memref<100000xf32, #tpu.memory_space<hbm>>
        tpu.enqueue_indirect_dma source(%dma_start3A_322 : memref<100000xf32, #tpu.memory_space<hbm>>) target(%arg21 : memref<2000xf32, #tpu.memory_space<vmem>>) offsets(%arg14 : memref<2000xi32, #tpu.memory_space<vmem>>) semaphore(%arg42 : memref<!tpu.dma_semaphore, #tpu.memory_space<semaphore_mem>>)
        %dma_start3A_323 = arith.constant 0 : i32
        %dma_start3A_324 = tpu.memref_slice %arg4[%dma_start3A_323] : memref<100000xf32, #tpu.memory_space<hbm>> -> memref<100000xf32, #tpu.memory_space<hbm>>
        tpu.enqueue_indirect_dma source(%dma_start3A_324 : memref<100000xf32, #tpu.memory_space<hbm>>) target(%arg22 : memref<2000xf32, #tpu.memory_space<vmem>>) offsets(%arg14 : memref<2000xi32, #tpu.memory_space<vmem>>) semaphore(%arg42 : memref<!tpu.dma_semaphore, #tpu.memory_space<semaphore_mem>>)
        %dma_start3A_325 = arith.constant 0 : i32
        %dma_start3A_326 = tpu.memref_slice %arg2[%dma_start3A_325] : memref<100000xf32, #tpu.memory_space<hbm>> -> memref<100000xf32, #tpu.memory_space<hbm>>
        tpu.enqueue_indirect_dma source(%dma_start3A_326 : memref<100000xf32, #tpu.memory_space<hbm>>) target(%arg23 : memref<2000xf32, #tpu.memory_space<vmem>>) offsets(%arg18 : memref<2000xi32, #tpu.memory_space<vmem>>) semaphore(%arg42 : memref<!tpu.dma_semaphore, #tpu.memory_space<semaphore_mem>>)
        %dma_start3A_327 = arith.constant 0 : i32
        %dma_start3A_328 = tpu.memref_slice %arg3[%dma_start3A_327] : memref<100000xf32, #tpu.memory_space<hbm>> -> memref<100000xf32, #tpu.memory_space<hbm>>
        tpu.enqueue_indirect_dma source(%dma_start3A_328 : memref<100000xf32, #tpu.memory_space<hbm>>) target(%arg24 : memref<2000xf32, #tpu.memory_space<vmem>>) offsets(%arg18 : memref<2000xi32, #tpu.memory_space<vmem>>) semaphore(%arg42 : memref<!tpu.dma_semaphore, #tpu.memory_space<semaphore_mem>>)
        %dma_start3A_329 = arith.constant 0 : i32
        %dma_start3A_330 = tpu.memref_slice %arg4[%dma_start3A_329] : memref<100000xf32, #tpu.memory_space<hbm>> -> memref<100000xf32, #tpu.memory_space<hbm>>
        tpu.enqueue_indirect_dma source(%dma_start3A_330 : memref<100000xf32, #tpu.memory_space<hbm>>) target(%arg25 : memref<2000xf32, #tpu.memory_space<vmem>>) offsets(%arg18 : memref<2000xi32, #tpu.memory_space<vmem>>) semaphore(%arg42 : memref<!tpu.dma_semaphore, #tpu.memory_space<semaphore_mem>>)
      } else {
      }
      %add3A_156 = arith.constant 2 : i32
      %add3A_157 = arith.addi %add3A_119, %add3A_156 : i32
      %lt3A_158 = arith.constant 100 : i32
      %lt3A_159 = arith.cmpi slt, %add3A_157, %lt3A_158 : i32
      %convert_element_type3A_160 = arith.extui %lt3A_159 : i1 to i32
      %cond3A_161 = arith.constant 0 : i32
      %cond3A_162 = arith.cmpi ne, %convert_element_type3A_160, %cond3A_161 : i32
      scf.if %cond3A_162 {
        %add3A_309 = arith.constant 2 : i32
        %add3A_310 = arith.addi %add3A_119, %add3A_309 : i32
        %mul3A_311 = arith.constant 200000 : i32
        %mul3A_312 = arith.muli %add3A, %mul3A_311 : i32
        %mul3A_313 = arith.constant 2000 : i32
        %mul3A_314 = arith.muli %add3A_310, %mul3A_313 : i32
        %add3A_315 = arith.addi %mul3A_312, %mul3A_314 : i32
        %dma_start3A_316 = tpu.memref_slice %arg5[%add3A_315] : memref<6400000xi32, #tpu.memory_space<hbm>> -> memref<2000xi32, #tpu.memory_space<hbm>>
        %dma_start3A_317 = tpu.memref_slice %arg5[%add3A_315] : memref<6400000xi32, #tpu.memory_space<hbm>> -> memref<2000xi32, #tpu.memory_space<hbm>>
        tpu.enqueue_dma source(%dma_start3A_317 : memref<2000xi32, #tpu.memory_space<hbm>>) target(%arg15 : memref<2000xi32, #tpu.memory_space<vmem>>) target_semaphore(%arg47 : memref<!tpu.dma_semaphore, #tpu.memory_space<semaphore_mem>>)
        %dma_start3A_318 = tpu.memref_slice %arg6[%add3A_315] : memref<6400000xi32, #tpu.memory_space<hbm>> -> memref<2000xi32, #tpu.memory_space<hbm>>
        %dma_start3A_319 = tpu.memref_slice %arg6[%add3A_315] : memref<6400000xi32, #tpu.memory_space<hbm>> -> memref<2000xi32, #tpu.memory_space<hbm>>
        tpu.enqueue_dma source(%dma_start3A_319 : memref<2000xi32, #tpu.memory_space<hbm>>) target(%arg19 : memref<2000xi32, #tpu.memory_space<vmem>>) target_semaphore(%arg47 : memref<!tpu.dma_semaphore, #tpu.memory_space<semaphore_mem>>)
      } else {
      }
      %scan3A_163 = arith.constant 0 : i32
      %scan3A_164 = arith.constant 0 : i32
      %scan3A_165 = arith.constant 125 : i32
      %scan3A_166 = arith.addi %scan3A_164, %scan3A_165 : i32
      %scan3A_167 = arith.constant 1 : i32
      %scan3A_168 = scf.for %scan3A_309 = %scan3A_164 to %scan3A_166 step %scan3A_167 iter_args(%scan3A_310 = %scan3A_163) -> (i32)  : i32 {
        %mul3A_311 = arith.constant 16 : i32
        %mul3A_312 = arith.muli %scan3A_309, %mul3A_311 : i32
        %get3A = arith.index_cast %mul3A_312 : i32 to index
        %get3A_313 = tpu.vector_load %arg26[%get3A] {strides = array<i32>} : memref<2000xf32, #tpu.memory_space<vmem>>, vector<16xf32>,
        %get3A_314 = vector.shape_cast %get3A_313 : vector<16xf32> to vector<16xf32>
        %get3A_315 = arith.index_cast %mul3A_312 : i32 to index
        %get3A_316 = tpu.vector_load %arg29[%get3A_315] {strides = array<i32>} : memref<2000xf32, #tpu.memory_space<vmem>>, vector<16xf32>,
        %get3A_317 = vector.shape_cast %get3A_316 : vector<16xf32> to vector<16xf32>
        %sub3A = arith.subf %get3A_314, %get3A_317 : vector<16xf32>
        %get3A_318 = arith.index_cast %mul3A_312 : i32 to index
        %get3A_319 = tpu.vector_load %arg27[%get3A_318] {strides = array<i32>} : memref<2000xf32, #tpu.memory_space<vmem>>, vector<16xf32>,
        %get3A_320 = vector.shape_cast %get3A_319 : vector<16xf32> to vector<16xf32>
        %get3A_321 = arith.index_cast %mul3A_312 : i32 to index
        %get3A_322 = tpu.vector_load %arg30[%get3A_321] {strides = array<i32>} : memref<2000xf32, #tpu.memory_space<vmem>>, vector<16xf32>,
        %get3A_323 = vector.shape_cast %get3A_322 : vector<16xf32> to vector<16xf32>
        %sub3A_324 = arith.subf %get3A_320, %get3A_323 : vector<16xf32>
        %get3A_325 = arith.index_cast %mul3A_312 : i32 to index
        %get3A_326 = tpu.vector_load %arg28[%get3A_325] {strides = array<i32>} : memref<2000xf32, #tpu.memory_space<vmem>>, vector<16xf32>,
        %get3A_327 = vector.shape_cast %get3A_326 : vector<16xf32> to vector<16xf32>
        %get3A_328 = arith.index_cast %mul3A_312 : i32 to index
        %get3A_329 = tpu.vector_load %arg31[%get3A_328] {strides = array<i32>} : memref<2000xf32, #tpu.memory_space<vmem>>, vector<16xf32>,
        %get3A_330 = vector.shape_cast %get3A_329 : vector<16xf32> to vector<16xf32>
        %sub3A_331 = arith.subf %get3A_327, %get3A_330 : vector<16xf32>
        %mul3A_332 = arith.mulf %sub3A, %sub3A : vector<16xf32>
        %mul3A_333 = arith.mulf %sub3A_324, %sub3A_324 : vector<16xf32>
        %add3A_334 = arith.addf %mul3A_332, %mul3A_333 : vector<16xf32>
        %mul3A_335 = arith.mulf %sub3A_331, %sub3A_331 : vector<16xf32>
        %add3A_336 = arith.addf %add3A_334, %mul3A_335 : vector<16xf32>
        %bitcast_convert_type3A = tpu.bitcast %add3A_336 : vector<16xf32> -> vector<16xi32>
        %shift_right_arithmetic3A = arith.constant 1 : i32
        %shift_right_arithmetic3A_337 = vector.broadcast %shift_right_arithmetic3A : i32 to vector<16xi32>
        %shift_right_arithmetic3A_338 = arith.shrsi %bitcast_convert_type3A, %shift_right_arithmetic3A_337 : vector<16xi32>
        %sub3A_339 = arith.constant 1597463007 : i32
        %sub3A_340 = vector.broadcast %sub3A_339 : i32 to vector<16xi32>
        %sub3A_341 = arith.subi %sub3A_340, %shift_right_arithmetic3A_338 : vector<16xi32>
        %bitcast_convert_type3A_342 = tpu.bitcast %sub3A_341 : vector<16xi32> -> vector<16xf32>
        %mul3A_343 = arith.constant 5.000000e-01 : f32
        %mul3A_344 = vector.broadcast %mul3A_343 : f32 to vector<16xf32>
        %mul3A_345 = arith.mulf %mul3A_344, %add3A_336 : vector<16xf32>
        %mul3A_346 = arith.mulf %mul3A_345, %bitcast_convert_type3A_342 : vector<16xf32>
        %mul3A_347 = arith.mulf %mul3A_346, %bitcast_convert_type3A_342 : vector<16xf32>
        %sub3A_348 = arith.constant 1.500000e+00 : f32
        %sub3A_349 = vector.broadcast %sub3A_348 : f32 to vector<16xf32>
        %sub3A_350 = arith.subf %sub3A_349, %mul3A_347 : vector<16xf32>
        %mul3A_351 = arith.mulf %bitcast_convert_type3A_342, %sub3A_350 : vector<16xf32>
        %mul3A_352 = arith.constant 5.000000e-01 : f32
        %mul3A_353 = vector.broadcast %mul3A_352 : f32 to vector<16xf32>
        %mul3A_354 = arith.mulf %mul3A_353, %add3A_336 : vector<16xf32>
        %mul3A_355 = arith.mulf %mul3A_354, %mul3A_351 : vector<16xf32>
        %mul3A_356 = arith.mulf %mul3A_355, %mul3A_351 : vector<16xf32>
        %sub3A_357 = arith.constant 1.500000e+00 : f32
        %sub3A_358 = vector.broadcast %sub3A_357 : f32 to vector<16xf32>
        %sub3A_359 = arith.subf %sub3A_358, %mul3A_356 : vector<16xf32>
        %mul3A_360 = arith.mulf %mul3A_351, %sub3A_359 : vector<16xf32>
        %mul3A_361 = arith.constant 5.000000e-01 : f32
        %mul3A_362 = vector.broadcast %mul3A_361 : f32 to vector<16xf32>
        %mul3A_363 = arith.mulf %mul3A_362, %add3A_336 : vector<16xf32>
        %mul3A_364 = arith.mulf %mul3A_363, %mul3A_360 : vector<16xf32>
        %mul3A_365 = arith.mulf %mul3A_364, %mul3A_360 : vector<16xf32>
        %sub3A_366 = arith.constant 1.500000e+00 : f32
        %sub3A_367 = vector.broadcast %sub3A_366 : f32 to vector<16xf32>
        %sub3A_368 = arith.subf %sub3A_367, %mul3A_365 : vector<16xf32>
        %mul3A_369 = arith.mulf %mul3A_360, %sub3A_368 : vector<16xf32>
        %mul3A_370 = arith.mulf %add3A_336, %mul3A_369 : vector<16xf32>
        %sub3A_371 = arith.constant 5.000000e-01 : f32
        %sub3A_372 = vector.broadcast %sub3A_371 : f32 to vector<16xf32>
        %sub3A_373 = arith.subf %sub3A_372, %mul3A_370 : vector<16xf32>
        %mul3A_374 = arith.mulf %sub3A_373, %sub3A_373 : vector<16xf32>
        %mul3A_375 = arith.constant -0.694444418 : f32
        %mul3A_376 = vector.broadcast %mul3A_375 : f32 to vector<16xf32>
        %mul3A_377 = arith.mulf %mul3A_376, %mul3A_374 : vector<16xf32>
        %exp3A = math.exp %mul3A_377 : vector<16xf32>
        %swap3A = arith.index_cast %mul3A_312 : i32 to index
        %swap3A_378 = tpu.vector_load %arg37[%swap3A] {strides = array<i32>} : memref<2000xf32, #tpu.memory_space<vmem>>, vector<16xf32>,
        %swap3A_379 = vector.shape_cast %swap3A_378 : vector<16xf32> to vector<16xf32>
        %swap3A_380 = vector.shape_cast %exp3A : vector<16xf32> to vector<16xf32>
        tpu.vector_store %arg37[%swap3A], %swap3A_380 {strides = array<i32>} : memref<2000xf32, #tpu.memory_space<vmem>>, vector<16xf32>,
        %sub3A_381 = arith.constant 1.600000e+00 : f32
        %sub3A_382 = vector.broadcast %sub3A_381 : f32 to vector<16xf32>
        %sub3A_383 = arith.subf %sub3A_382, %mul3A_370 : vector<16xf32>
        %mul3A_384 = arith.mulf %sub3A_383, %sub3A_383 : vector<16xf32>
        %mul3A_385 = arith.constant -0.694444418 : f32
        %mul3A_386 = vector.broadcast %mul3A_385 : f32 to vector<16xf32>
        %mul3A_387 = arith.mulf %mul3A_386, %mul3A_384 : vector<16xf32>
        %exp3A_388 = math.exp %mul3A_387 : vector<16xf32>
        %swap3A_389 = arith.index_cast %mul3A_312 : i32 to index
        %swap3A_390 = tpu.vector_load %arg38[%swap3A_389] {strides = array<i32>} : memref<2000xf32, #tpu.memory_space<vmem>>, vector<16xf32>,
        %swap3A_391 = vector.shape_cast %swap3A_390 : vector<16xf32> to vector<16xf32>
        %swap3A_392 = vector.shape_cast %exp3A_388 : vector<16xf32> to vector<16xf32>
        tpu.vector_store %arg38[%swap3A_389], %swap3A_392 {strides = array<i32>} : memref<2000xf32, #tpu.memory_space<vmem>>, vector<16xf32>,
        %sub3A_393 = arith.constant 2.700000e+00 : f32
        %sub3A_394 = vector.broadcast %sub3A_393 : f32 to vector<16xf32>
        %sub3A_395 = arith.subf %sub3A_394, %mul3A_370 : vector<16xf32>
        %mul3A_396 = arith.mulf %sub3A_395, %sub3A_395 : vector<16xf32>
        %mul3A_397 = arith.constant -0.694444418 : f32
        %mul3A_398 = vector.broadcast %mul3A_397 : f32 to vector<16xf32>
        %mul3A_399 = arith.mulf %mul3A_398, %mul3A_396 : vector<16xf32>
        %exp3A_400 = math.exp %mul3A_399 : vector<16xf32>
        %swap3A_401 = arith.index_cast %mul3A_312 : i32 to index
        %swap3A_402 = tpu.vector_load %arg39[%swap3A_401] {strides = array<i32>} : memref<2000xf32, #tpu.memory_space<vmem>>, vector<16xf32>,
        %swap3A_403 = vector.shape_cast %swap3A_402 : vector<16xf32> to vector<16xf32>
        %swap3A_404 = vector.shape_cast %exp3A_400 : vector<16xf32> to vector<16xf32>
        tpu.vector_store %arg39[%swap3A_401], %swap3A_404 {strides = array<i32>} : memref<2000xf32, #tpu.memory_space<vmem>>, vector<16xf32>,
        %sub3A_405 = arith.constant 3.800000e+00 : f32
        %sub3A_406 = vector.broadcast %sub3A_405 : f32 to vector<16xf32>
        %sub3A_407 = arith.subf %sub3A_406, %mul3A_370 : vector<16xf32>
        %mul3A_408 = arith.mulf %sub3A_407, %sub3A_407 : vector<16xf32>
        %mul3A_409 = arith.constant -0.694444418 : f32
        %mul3A_410 = vector.broadcast %mul3A_409 : f32 to vector<16xf32>
        %mul3A_411 = arith.mulf %mul3A_410, %mul3A_408 : vector<16xf32>
        %exp3A_412 = math.exp %mul3A_411 : vector<16xf32>
        %swap3A_413 = arith.index_cast %mul3A_312 : i32 to index
        %swap3A_414 = tpu.vector_load %arg40[%swap3A_413] {strides = array<i32>} : memref<2000xf32, #tpu.memory_space<vmem>>, vector<16xf32>,
        %swap3A_415 = vector.shape_cast %swap3A_414 : vector<16xf32> to vector<16xf32>
        %swap3A_416 = vector.shape_cast %exp3A_412 : vector<16xf32> to vector<16xf32>
        tpu.vector_store %arg40[%swap3A_413], %swap3A_416 {strides = array<i32>} : memref<2000xf32, #tpu.memory_space<vmem>>, vector<16xf32>,
        %sub3A_417 = arith.constant 4.900000e+00 : f32
        %sub3A_418 = vector.broadcast %sub3A_417 : f32 to vector<16xf32>
        %sub3A_419 = arith.subf %sub3A_418, %mul3A_370 : vector<16xf32>
        %mul3A_420 = arith.mulf %sub3A_419, %sub3A_419 : vector<16xf32>
        %mul3A_421 = arith.constant -0.694444418 : f32
        %mul3A_422 = vector.broadcast %mul3A_421 : f32 to vector<16xf32>
        %mul3A_423 = arith.mulf %mul3A_422, %mul3A_420 : vector<16xf32>
        %exp3A_424 = math.exp %mul3A_423 : vector<16xf32>
        %swap3A_425 = arith.index_cast %mul3A_312 : i32 to index
        %swap3A_426 = tpu.vector_load %arg41[%swap3A_425] {strides = array<i32>} : memref<2000xf32, #tpu.memory_space<vmem>>, vector<16xf32>,
        %swap3A_427 = vector.shape_cast %swap3A_426 : vector<16xf32> to vector<16xf32>
        %swap3A_428 = vector.shape_cast %exp3A_424 : vector<16xf32> to vector<16xf32>
        tpu.vector_store %arg41[%swap3A_425], %swap3A_428 {strides = array<i32>} : memref<2000xf32, #tpu.memory_space<vmem>>, vector<16xf32>,
        %scan3A_429 = arith.constant 0 : i32
        scf.yield %scan3A_429 : i32
      }
      %scan3A_169 = arith.constant 125 : i32
      %dma_start3A_170 = arith.constant 0 : i32
      %dma_start3A_171 = tpu.memref_slice %arg9[%dma_start3A_170] : memref<100352xf32, #tpu.memory_space<vmem_shared>> -> memref<100352xf32, #tpu.memory_space<vmem_shared>>
      tpu.enqueue_indirect_dma source(%arg37 : memref<2000xf32, #tpu.memory_space<vmem>>) target(%dma_start3A_171 : memref<100352xf32, #tpu.memory_space<vmem_shared>>) offsets(%arg17 : memref<2000xi32, #tpu.memory_space<vmem>>) semaphore(%arg45 : memref<!tpu.dma_semaphore, #tpu.memory_space<semaphore_mem>>) {add = true}
      %dma_start3A_172 = arith.constant 0 : i32
      %dma_start3A_173 = tpu.memref_slice %arg10[%dma_start3A_172] : memref<100352xf32, #tpu.memory_space<vmem_shared>> -> memref<100352xf32, #tpu.memory_space<vmem_shared>>
      tpu.enqueue_indirect_dma source(%arg38 : memref<2000xf32, #tpu.memory_space<vmem>>) target(%dma_start3A_173 : memref<100352xf32, #tpu.memory_space<vmem_shared>>) offsets(%arg17 : memref<2000xi32, #tpu.memory_space<vmem>>) semaphore(%arg45 : memref<!tpu.dma_semaphore, #tpu.memory_space<semaphore_mem>>) {add = true}
      %dma_start3A_174 = arith.constant 0 : i32
      %dma_start3A_175 = tpu.memref_slice %arg11[%dma_start3A_174] : memref<100352xf32, #tpu.memory_space<vmem_shared>> -> memref<100352xf32, #tpu.memory_space<vmem_shared>>
      tpu.enqueue_indirect_dma source(%arg39 : memref<2000xf32, #tpu.memory_space<vmem>>) target(%dma_start3A_175 : memref<100352xf32, #tpu.memory_space<vmem_shared>>) offsets(%arg17 : memref<2000xi32, #tpu.memory_space<vmem>>) semaphore(%arg45 : memref<!tpu.dma_semaphore, #tpu.memory_space<semaphore_mem>>) {add = true}
      %dma_start3A_176 = arith.constant 0 : i32
      %dma_start3A_177 = tpu.memref_slice %arg12[%dma_start3A_176] : memref<100352xf32, #tpu.memory_space<vmem_shared>> -> memref<100352xf32, #tpu.memory_space<vmem_shared>>
      tpu.enqueue_indirect_dma source(%arg40 : memref<2000xf32, #tpu.memory_space<vmem>>) target(%dma_start3A_177 : memref<100352xf32, #tpu.memory_space<vmem_shared>>) offsets(%arg17 : memref<2000xi32, #tpu.memory_space<vmem>>) semaphore(%arg45 : memref<!tpu.dma_semaphore, #tpu.memory_space<semaphore_mem>>) {add = true}
      %dma_start3A_178 = arith.constant 0 : i32
      %dma_start3A_179 = tpu.memref_slice %arg13[%dma_start3A_178] : memref<100352xf32, #tpu.memory_space<vmem_shared>> -> memref<100352xf32, #tpu.memory_space<vmem_shared>>
      tpu.enqueue_indirect_dma source(%arg41 : memref<2000xf32, #tpu.memory_space<vmem>>) target(%dma_start3A_179 : memref<100352xf32, #tpu.memory_space<vmem_shared>>) offsets(%arg17 : memref<2000xi32, #tpu.memory_space<vmem>>) semaphore(%arg45 : memref<!tpu.dma_semaphore, #tpu.memory_space<semaphore_mem>>) {add = true}
      %mul3A_180 = arith.constant 4 : i32
      %mul3A_181 = arith.muli %mul3A_180, %scan3A_54 : i32
      %add3A_182 = arith.constant 2 : i32
      %add3A_183 = arith.addi %mul3A_181, %add3A_182 : i32
      %dma_wait3A_184 = arith.constant 0 : i32
      %dma_wait3A_185 = tpu.memref_slice %arg2[%dma_wait3A_184] : memref<100000xf32, #tpu.memory_space<hbm>> -> memref<2000xf32, #tpu.memory_space<hbm>>
      %dma_wait3A_186 = arith.constant 0 : i32
      %dma_wait3A_187 = tpu.memref_slice %arg2[%dma_wait3A_186] : memref<100000xf32, #tpu.memory_space<hbm>> -> memref<2000xf32, #tpu.memory_space<hbm>>
      tpu.wait_dma2 semaphore(%arg42 : memref<!tpu.dma_semaphore, #tpu.memory_space<semaphore_mem>>) src(%dma_wait3A_187 : memref<2000xf32, #tpu.memory_space<hbm>>) dst(%arg20 : memref<2000xf32, #tpu.memory_space<vmem>>)
      %dma_wait3A_188 = arith.constant 0 : i32
      %dma_wait3A_189 = tpu.memref_slice %arg2[%dma_wait3A_188] : memref<100000xf32, #tpu.memory_space<hbm>> -> memref<2000xf32, #tpu.memory_space<hbm>>
      %dma_wait3A_190 = arith.constant 0 : i32
      %dma_wait3A_191 = tpu.memref_slice %arg2[%dma_wait3A_190] : memref<100000xf32, #tpu.memory_space<hbm>> -> memref<2000xf32, #tpu.memory_space<hbm>>
      tpu.wait_dma2 semaphore(%arg42 : memref<!tpu.dma_semaphore, #tpu.memory_space<semaphore_mem>>) src(%dma_wait3A_191 : memref<2000xf32, #tpu.memory_space<hbm>>) dst(%arg21 : memref<2000xf32, #tpu.memory_space<vmem>>)
      %dma_wait3A_192 = arith.constant 0 : i32
      %dma_wait3A_193 = tpu.memref_slice %arg2[%dma_wait3A_192] : memref<100000xf32, #tpu.memory_space<hbm>> -> memref<2000xf32, #tpu.memory_space<hbm>>
      %dma_wait3A_194 = arith.constant 0 : i32
      %dma_wait3A_195 = tpu.memref_slice %arg2[%dma_wait3A_194] : memref<100000xf32, #tpu.memory_space<hbm>> -> memref<2000xf32, #tpu.memory_space<hbm>>
      tpu.wait_dma2 semaphore(%arg42 : memref<!tpu.dma_semaphore, #tpu.memory_space<semaphore_mem>>) src(%dma_wait3A_195 : memref<2000xf32, #tpu.memory_space<hbm>>) dst(%arg22 : memref<2000xf32, #tpu.memory_space<vmem>>)
      %dma_wait3A_196 = arith.constant 0 : i32
      %dma_wait3A_197 = tpu.memref_slice %arg2[%dma_wait3A_196] : memref<100000xf32, #tpu.memory_space<hbm>> -> memref<2000xf32, #tpu.memory_space<hbm>>
      %dma_wait3A_198 = arith.constant 0 : i32
      %dma_wait3A_199 = tpu.memref_slice %arg2[%dma_wait3A_198] : memref<100000xf32, #tpu.memory_space<hbm>> -> memref<2000xf32, #tpu.memory_space<hbm>>
      tpu.wait_dma2 semaphore(%arg42 : memref<!tpu.dma_semaphore, #tpu.memory_space<semaphore_mem>>) src(%dma_wait3A_199 : memref<2000xf32, #tpu.memory_space<hbm>>) dst(%arg23 : memref<2000xf32, #tpu.memory_space<vmem>>)
      %dma_wait3A_200 = arith.constant 0 : i32
      %dma_wait3A_201 = tpu.memref_slice %arg2[%dma_wait3A_200] : memref<100000xf32, #tpu.memory_space<hbm>> -> memref<2000xf32, #tpu.memory_space<hbm>>
      %dma_wait3A_202 = arith.constant 0 : i32
      %dma_wait3A_203 = tpu.memref_slice %arg2[%dma_wait3A_202] : memref<100000xf32, #tpu.memory_space<hbm>> -> memref<2000xf32, #tpu.memory_space<hbm>>
      tpu.wait_dma2 semaphore(%arg42 : memref<!tpu.dma_semaphore, #tpu.memory_space<semaphore_mem>>) src(%dma_wait3A_203 : memref<2000xf32, #tpu.memory_space<hbm>>) dst(%arg24 : memref<2000xf32, #tpu.memory_space<vmem>>)
      %dma_wait3A_204 = arith.constant 0 : i32
      %dma_wait3A_205 = tpu.memref_slice %arg2[%dma_wait3A_204] : memref<100000xf32, #tpu.memory_space<hbm>> -> memref<2000xf32, #tpu.memory_space<hbm>>
      %dma_wait3A_206 = arith.constant 0 : i32
      %dma_wait3A_207 = tpu.memref_slice %arg2[%dma_wait3A_206] : memref<100000xf32, #tpu.memory_space<hbm>> -> memref<2000xf32, #tpu.memory_space<hbm>>
      tpu.wait_dma2 semaphore(%arg42 : memref<!tpu.dma_semaphore, #tpu.memory_space<semaphore_mem>>) src(%dma_wait3A_207 : memref<2000xf32, #tpu.memory_space<hbm>>) dst(%arg25 : memref<2000xf32, #tpu.memory_space<vmem>>)
      %ge3A_208 = arith.constant 2 : i32
      %ge3A_209 = arith.cmpi sge, %add3A_183, %ge3A_208 : i32
      %convert_element_type3A_210 = arith.extui %ge3A_209 : i1 to i32
      %cond3A_211 = arith.constant 0 : i32
      %cond3A_212 = arith.cmpi ne, %convert_element_type3A_210, %cond3A_211 : i32
      scf.if %cond3A_212 {
        %dma_wait3A_309 = arith.constant 0 : i32
        %dma_wait3A_310 = tpu.memref_slice %arg9[%dma_wait3A_309] : memref<100352xf32, #tpu.memory_space<vmem_shared>> -> memref<100352xf32, #tpu.memory_space<vmem_shared>>
        tpu.wait_indirect_dma semaphore(%arg44 : memref<!tpu.dma_semaphore, #tpu.memory_space<semaphore_mem>>) src(%arg32 : memref<2000xf32, #tpu.memory_space<vmem>>) dst(%dma_wait3A_310 : memref<100352xf32, #tpu.memory_space<vmem_shared>>)
        %dma_wait3A_311 = arith.constant 0 : i32
        %dma_wait3A_312 = tpu.memref_slice %arg10[%dma_wait3A_311] : memref<100352xf32, #tpu.memory_space<vmem_shared>> -> memref<100352xf32, #tpu.memory_space<vmem_shared>>
        tpu.wait_indirect_dma semaphore(%arg44 : memref<!tpu.dma_semaphore, #tpu.memory_space<semaphore_mem>>) src(%arg33 : memref<2000xf32, #tpu.memory_space<vmem>>) dst(%dma_wait3A_312 : memref<100352xf32, #tpu.memory_space<vmem_shared>>)
        %dma_wait3A_313 = arith.constant 0 : i32
        %dma_wait3A_314 = tpu.memref_slice %arg11[%dma_wait3A_313] : memref<100352xf32, #tpu.memory_space<vmem_shared>> -> memref<100352xf32, #tpu.memory_space<vmem_shared>>
        tpu.wait_indirect_dma semaphore(%arg44 : memref<!tpu.dma_semaphore, #tpu.memory_space<semaphore_mem>>) src(%arg34 : memref<2000xf32, #tpu.memory_space<vmem>>) dst(%dma_wait3A_314 : memref<100352xf32, #tpu.memory_space<vmem_shared>>)
        %dma_wait3A_315 = arith.constant 0 : i32
        %dma_wait3A_316 = tpu.memref_slice %arg12[%dma_wait3A_315] : memref<100352xf32, #tpu.memory_space<vmem_shared>> -> memref<100352xf32, #tpu.memory_space<vmem_shared>>
        tpu.wait_indirect_dma semaphore(%arg44 : memref<!tpu.dma_semaphore, #tpu.memory_space<semaphore_mem>>) src(%arg35 : memref<2000xf32, #tpu.memory_space<vmem>>) dst(%dma_wait3A_316 : memref<100352xf32, #tpu.memory_space<vmem_shared>>)
        %dma_wait3A_317 = arith.constant 0 : i32
        %dma_wait3A_318 = tpu.memref_slice %arg13[%dma_wait3A_317] : memref<100352xf32, #tpu.memory_space<vmem_shared>> -> memref<100352xf32, #tpu.memory_space<vmem_shared>>
        tpu.wait_indirect_dma semaphore(%arg44 : memref<!tpu.dma_semaphore, #tpu.memory_space<semaphore_mem>>) src(%arg36 : memref<2000xf32, #tpu.memory_space<vmem>>) dst(%dma_wait3A_318 : memref<100352xf32, #tpu.memory_space<vmem_shared>>)
      } else {
      }
      %add3A_213 = arith.constant 1 : i32
      %add3A_214 = arith.addi %add3A_183, %add3A_213 : i32
      %lt3A_215 = arith.constant 100 : i32
      %lt3A_216 = arith.cmpi slt, %add3A_214, %lt3A_215 : i32
      %convert_element_type3A_217 = arith.extui %lt3A_216 : i1 to i32
      %cond3A_218 = arith.constant 0 : i32
      %cond3A_219 = arith.cmpi ne, %convert_element_type3A_217, %cond3A_218 : i32
      scf.if %cond3A_219 {
        %dma_wait3A_309 = arith.constant 0 : i32
        %dma_wait3A_310 = tpu.memref_slice %arg5[%dma_wait3A_309] : memref<6400000xi32, #tpu.memory_space<hbm>> -> memref<2000xi32, #tpu.memory_space<hbm>>
        %dma_wait3A_311 = arith.constant 0 : i32
        %dma_wait3A_312 = tpu.memref_slice %arg5[%dma_wait3A_311] : memref<6400000xi32, #tpu.memory_space<hbm>> -> memref<2000xi32, #tpu.memory_space<hbm>>
        tpu.wait_dma2 semaphore(%arg47 : memref<!tpu.dma_semaphore, #tpu.memory_space<semaphore_mem>>) src(%dma_wait3A_312 : memref<2000xi32, #tpu.memory_space<hbm>>) dst(%arg15 : memref<2000xi32, #tpu.memory_space<vmem>>)
        %dma_wait3A_313 = arith.constant 0 : i32
        %dma_wait3A_314 = tpu.memref_slice %arg5[%dma_wait3A_313] : memref<6400000xi32, #tpu.memory_space<hbm>> -> memref<2000xi32, #tpu.memory_space<hbm>>
        %dma_wait3A_315 = arith.constant 0 : i32
        %dma_wait3A_316 = tpu.memref_slice %arg5[%dma_wait3A_315] : memref<6400000xi32, #tpu.memory_space<hbm>> -> memref<2000xi32, #tpu.memory_space<hbm>>
        tpu.wait_dma2 semaphore(%arg47 : memref<!tpu.dma_semaphore, #tpu.memory_space<semaphore_mem>>) src(%dma_wait3A_316 : memref<2000xi32, #tpu.memory_space<hbm>>) dst(%arg16 : memref<2000xi32, #tpu.memory_space<vmem>>)
        %add3A_317 = arith.constant 1 : i32
        %add3A_318 = arith.addi %add3A_183, %add3A_317 : i32
        %dma_start3A_319 = arith.constant 0 : i32
        %dma_start3A_320 = tpu.memref_slice %arg2[%dma_start3A_319] : memref<100000xf32, #tpu.memory_space<hbm>> -> memref<100000xf32, #tpu.memory_space<hbm>>
        tpu.enqueue_indirect_dma source(%dma_start3A_320 : memref<100000xf32, #tpu.memory_space<hbm>>) target(%arg26 : memref<2000xf32, #tpu.memory_space<vmem>>) offsets(%arg15 : memref<2000xi32, #tpu.memory_space<vmem>>) semaphore(%arg43 : memref<!tpu.dma_semaphore, #tpu.memory_space<semaphore_mem>>)
        %dma_start3A_321 = arith.constant 0 : i32
        %dma_start3A_322 = tpu.memref_slice %arg3[%dma_start3A_321] : memref<100000xf32, #tpu.memory_space<hbm>> -> memref<100000xf32, #tpu.memory_space<hbm>>
        tpu.enqueue_indirect_dma source(%dma_start3A_322 : memref<100000xf32, #tpu.memory_space<hbm>>) target(%arg27 : memref<2000xf32, #tpu.memory_space<vmem>>) offsets(%arg15 : memref<2000xi32, #tpu.memory_space<vmem>>) semaphore(%arg43 : memref<!tpu.dma_semaphore, #tpu.memory_space<semaphore_mem>>)
        %dma_start3A_323 = arith.constant 0 : i32
        %dma_start3A_324 = tpu.memref_slice %arg4[%dma_start3A_323] : memref<100000xf32, #tpu.memory_space<hbm>> -> memref<100000xf32, #tpu.memory_space<hbm>>
        tpu.enqueue_indirect_dma source(%dma_start3A_324 : memref<100000xf32, #tpu.memory_space<hbm>>) target(%arg28 : memref<2000xf32, #tpu.memory_space<vmem>>) offsets(%arg15 : memref<2000xi32, #tpu.memory_space<vmem>>) semaphore(%arg43 : memref<!tpu.dma_semaphore, #tpu.memory_space<semaphore_mem>>)
        %dma_start3A_325 = arith.constant 0 : i32
        %dma_start3A_326 = tpu.memref_slice %arg2[%dma_start3A_325] : memref<100000xf32, #tpu.memory_space<hbm>> -> memref<100000xf32, #tpu.memory_space<hbm>>
        tpu.enqueue_indirect_dma source(%dma_start3A_326 : memref<100000xf32, #tpu.memory_space<hbm>>) target(%arg29 : memref<2000xf32, #tpu.memory_space<vmem>>) offsets(%arg19 : memref<2000xi32, #tpu.memory_space<vmem>>) semaphore(%arg43 : memref<!tpu.dma_semaphore, #tpu.memory_space<semaphore_mem>>)
        %dma_start3A_327 = arith.constant 0 : i32
        %dma_start3A_328 = tpu.memref_slice %arg3[%dma_start3A_327] : memref<100000xf32, #tpu.memory_space<hbm>> -> memref<100000xf32, #tpu.memory_space<hbm>>
        tpu.enqueue_indirect_dma source(%dma_start3A_328 : memref<100000xf32, #tpu.memory_space<hbm>>) target(%arg30 : memref<2000xf32, #tpu.memory_space<vmem>>) offsets(%arg19 : memref<2000xi32, #tpu.memory_space<vmem>>) semaphore(%arg43 : memref<!tpu.dma_semaphore, #tpu.memory_space<semaphore_mem>>)
        %dma_start3A_329 = arith.constant 0 : i32
        %dma_start3A_330 = tpu.memref_slice %arg4[%dma_start3A_329] : memref<100000xf32, #tpu.memory_space<hbm>> -> memref<100000xf32, #tpu.memory_space<hbm>>
        tpu.enqueue_indirect_dma source(%dma_start3A_330 : memref<100000xf32, #tpu.memory_space<hbm>>) target(%arg31 : memref<2000xf32, #tpu.memory_space<vmem>>) offsets(%arg19 : memref<2000xi32, #tpu.memory_space<vmem>>) semaphore(%arg43 : memref<!tpu.dma_semaphore, #tpu.memory_space<semaphore_mem>>)
      } else {
      }
      %add3A_220 = arith.constant 2 : i32
      %add3A_221 = arith.addi %add3A_183, %add3A_220 : i32
      %lt3A_222 = arith.constant 100 : i32
      %lt3A_223 = arith.cmpi slt, %add3A_221, %lt3A_222 : i32
      %convert_element_type3A_224 = arith.extui %lt3A_223 : i1 to i32
      %cond3A_225 = arith.constant 0 : i32
      %cond3A_226 = arith.cmpi ne, %convert_element_type3A_224, %cond3A_225 : i32
      scf.if %cond3A_226 {
        %add3A_309 = arith.constant 2 : i32
        %add3A_310 = arith.addi %add3A_183, %add3A_309 : i32
        %mul3A_311 = arith.constant 200000 : i32
        %mul3A_312 = arith.muli %add3A, %mul3A_311 : i32
        %mul3A_313 = arith.constant 2000 : i32
        %mul3A_314 = arith.muli %add3A_310, %mul3A_313 : i32
        %add3A_315 = arith.addi %mul3A_312, %mul3A_314 : i32
        %dma_start3A_316 = tpu.memref_slice %arg5[%add3A_315] : memref<6400000xi32, #tpu.memory_space<hbm>> -> memref<2000xi32, #tpu.memory_space<hbm>>
        %dma_start3A_317 = tpu.memref_slice %arg5[%add3A_315] : memref<6400000xi32, #tpu.memory_space<hbm>> -> memref<2000xi32, #tpu.memory_space<hbm>>
        tpu.enqueue_dma source(%dma_start3A_317 : memref<2000xi32, #tpu.memory_space<hbm>>) target(%arg14 : memref<2000xi32, #tpu.memory_space<vmem>>) target_semaphore(%arg46 : memref<!tpu.dma_semaphore, #tpu.memory_space<semaphore_mem>>)
        %dma_start3A_318 = tpu.memref_slice %arg6[%add3A_315] : memref<6400000xi32, #tpu.memory_space<hbm>> -> memref<2000xi32, #tpu.memory_space<hbm>>
        %dma_start3A_319 = tpu.memref_slice %arg6[%add3A_315] : memref<6400000xi32, #tpu.memory_space<hbm>> -> memref<2000xi32, #tpu.memory_space<hbm>>
        tpu.enqueue_dma source(%dma_start3A_319 : memref<2000xi32, #tpu.memory_space<hbm>>) target(%arg16 : memref<2000xi32, #tpu.memory_space<vmem>>) target_semaphore(%arg46 : memref<!tpu.dma_semaphore, #tpu.memory_space<semaphore_mem>>)
      } else {
      }
      %scan3A_227 = arith.constant 0 : i32
      %scan3A_228 = arith.constant 0 : i32
      %scan3A_229 = arith.constant 125 : i32
      %scan3A_230 = arith.addi %scan3A_228, %scan3A_229 : i32
      %scan3A_231 = arith.constant 1 : i32
      %scan3A_232 = scf.for %scan3A_309 = %scan3A_228 to %scan3A_230 step %scan3A_231 iter_args(%scan3A_310 = %scan3A_227) -> (i32)  : i32 {
        %mul3A_311 = arith.constant 16 : i32
        %mul3A_312 = arith.muli %scan3A_309, %mul3A_311 : i32
        %get3A = arith.index_cast %mul3A_312 : i32 to index
        %get3A_313 = tpu.vector_load %arg20[%get3A] {strides = array<i32>} : memref<2000xf32, #tpu.memory_space<vmem>>, vector<16xf32>,
        %get3A_314 = vector.shape_cast %get3A_313 : vector<16xf32> to vector<16xf32>
        %get3A_315 = arith.index_cast %mul3A_312 : i32 to index
        %get3A_316 = tpu.vector_load %arg23[%get3A_315] {strides = array<i32>} : memref<2000xf32, #tpu.memory_space<vmem>>, vector<16xf32>,
        %get3A_317 = vector.shape_cast %get3A_316 : vector<16xf32> to vector<16xf32>
        %sub3A = arith.subf %get3A_314, %get3A_317 : vector<16xf32>
        %get3A_318 = arith.index_cast %mul3A_312 : i32 to index
        %get3A_319 = tpu.vector_load %arg21[%get3A_318] {strides = array<i32>} : memref<2000xf32, #tpu.memory_space<vmem>>, vector<16xf32>,
        %get3A_320 = vector.shape_cast %get3A_319 : vector<16xf32> to vector<16xf32>
        %get3A_321 = arith.index_cast %mul3A_312 : i32 to index
        %get3A_322 = tpu.vector_load %arg24[%get3A_321] {strides = array<i32>} : memref<2000xf32, #tpu.memory_space<vmem>>, vector<16xf32>,
        %get3A_323 = vector.shape_cast %get3A_322 : vector<16xf32> to vector<16xf32>
        %sub3A_324 = arith.subf %get3A_320, %get3A_323 : vector<16xf32>
        %get3A_325 = arith.index_cast %mul3A_312 : i32 to index
        %get3A_326 = tpu.vector_load %arg22[%get3A_325] {strides = array<i32>} : memref<2000xf32, #tpu.memory_space<vmem>>, vector<16xf32>,
        %get3A_327 = vector.shape_cast %get3A_326 : vector<16xf32> to vector<16xf32>
        %get3A_328 = arith.index_cast %mul3A_312 : i32 to index
        %get3A_329 = tpu.vector_load %arg25[%get3A_328] {strides = array<i32>} : memref<2000xf32, #tpu.memory_space<vmem>>, vector<16xf32>,
        %get3A_330 = vector.shape_cast %get3A_329 : vector<16xf32> to vector<16xf32>
        %sub3A_331 = arith.subf %get3A_327, %get3A_330 : vector<16xf32>
        %mul3A_332 = arith.mulf %sub3A, %sub3A : vector<16xf32>
        %mul3A_333 = arith.mulf %sub3A_324, %sub3A_324 : vector<16xf32>
        %add3A_334 = arith.addf %mul3A_332, %mul3A_333 : vector<16xf32>
        %mul3A_335 = arith.mulf %sub3A_331, %sub3A_331 : vector<16xf32>
        %add3A_336 = arith.addf %add3A_334, %mul3A_335 : vector<16xf32>
        %bitcast_convert_type3A = tpu.bitcast %add3A_336 : vector<16xf32> -> vector<16xi32>
        %shift_right_arithmetic3A = arith.constant 1 : i32
        %shift_right_arithmetic3A_337 = vector.broadcast %shift_right_arithmetic3A : i32 to vector<16xi32>
        %shift_right_arithmetic3A_338 = arith.shrsi %bitcast_convert_type3A, %shift_right_arithmetic3A_337 : vector<16xi32>
        %sub3A_339 = arith.constant 1597463007 : i32
        %sub3A_340 = vector.broadcast %sub3A_339 : i32 to vector<16xi32>
        %sub3A_341 = arith.subi %sub3A_340, %shift_right_arithmetic3A_338 : vector<16xi32>
        %bitcast_convert_type3A_342 = tpu.bitcast %sub3A_341 : vector<16xi32> -> vector<16xf32>
        %mul3A_343 = arith.constant 5.000000e-01 : f32
        %mul3A_344 = vector.broadcast %mul3A_343 : f32 to vector<16xf32>
        %mul3A_345 = arith.mulf %mul3A_344, %add3A_336 : vector<16xf32>
        %mul3A_346 = arith.mulf %mul3A_345, %bitcast_convert_type3A_342 : vector<16xf32>
        %mul3A_347 = arith.mulf %mul3A_346, %bitcast_convert_type3A_342 : vector<16xf32>
        %sub3A_348 = arith.constant 1.500000e+00 : f32
        %sub3A_349 = vector.broadcast %sub3A_348 : f32 to vector<16xf32>
        %sub3A_350 = arith.subf %sub3A_349, %mul3A_347 : vector<16xf32>
        %mul3A_351 = arith.mulf %bitcast_convert_type3A_342, %sub3A_350 : vector<16xf32>
        %mul3A_352 = arith.constant 5.000000e-01 : f32
        %mul3A_353 = vector.broadcast %mul3A_352 : f32 to vector<16xf32>
        %mul3A_354 = arith.mulf %mul3A_353, %add3A_336 : vector<16xf32>
        %mul3A_355 = arith.mulf %mul3A_354, %mul3A_351 : vector<16xf32>
        %mul3A_356 = arith.mulf %mul3A_355, %mul3A_351 : vector<16xf32>
        %sub3A_357 = arith.constant 1.500000e+00 : f32
        %sub3A_358 = vector.broadcast %sub3A_357 : f32 to vector<16xf32>
        %sub3A_359 = arith.subf %sub3A_358, %mul3A_356 : vector<16xf32>
        %mul3A_360 = arith.mulf %mul3A_351, %sub3A_359 : vector<16xf32>
        %mul3A_361 = arith.constant 5.000000e-01 : f32
        %mul3A_362 = vector.broadcast %mul3A_361 : f32 to vector<16xf32>
        %mul3A_363 = arith.mulf %mul3A_362, %add3A_336 : vector<16xf32>
        %mul3A_364 = arith.mulf %mul3A_363, %mul3A_360 : vector<16xf32>
        %mul3A_365 = arith.mulf %mul3A_364, %mul3A_360 : vector<16xf32>
        %sub3A_366 = arith.constant 1.500000e+00 : f32
        %sub3A_367 = vector.broadcast %sub3A_366 : f32 to vector<16xf32>
        %sub3A_368 = arith.subf %sub3A_367, %mul3A_365 : vector<16xf32>
        %mul3A_369 = arith.mulf %mul3A_360, %sub3A_368 : vector<16xf32>
        %mul3A_370 = arith.mulf %add3A_336, %mul3A_369 : vector<16xf32>
        %sub3A_371 = arith.constant 5.000000e-01 : f32
        %sub3A_372 = vector.broadcast %sub3A_371 : f32 to vector<16xf32>
        %sub3A_373 = arith.subf %sub3A_372, %mul3A_370 : vector<16xf32>
        %mul3A_374 = arith.mulf %sub3A_373, %sub3A_373 : vector<16xf32>
        %mul3A_375 = arith.constant -0.694444418 : f32
        %mul3A_376 = vector.broadcast %mul3A_375 : f32 to vector<16xf32>
        %mul3A_377 = arith.mulf %mul3A_376, %mul3A_374 : vector<16xf32>
        %exp3A = math.exp %mul3A_377 : vector<16xf32>
        %swap3A = arith.index_cast %mul3A_312 : i32 to index
        %swap3A_378 = tpu.vector_load %arg32[%swap3A] {strides = array<i32>} : memref<2000xf32, #tpu.memory_space<vmem>>, vector<16xf32>,
        %swap3A_379 = vector.shape_cast %swap3A_378 : vector<16xf32> to vector<16xf32>
        %swap3A_380 = vector.shape_cast %exp3A : vector<16xf32> to vector<16xf32>
        tpu.vector_store %arg32[%swap3A], %swap3A_380 {strides = array<i32>} : memref<2000xf32, #tpu.memory_space<vmem>>, vector<16xf32>,
        %sub3A_381 = arith.constant 1.600000e+00 : f32
        %sub3A_382 = vector.broadcast %sub3A_381 : f32 to vector<16xf32>
        %sub3A_383 = arith.subf %sub3A_382, %mul3A_370 : vector<16xf32>
        %mul3A_384 = arith.mulf %sub3A_383, %sub3A_383 : vector<16xf32>
        %mul3A_385 = arith.constant -0.694444418 : f32
        %mul3A_386 = vector.broadcast %mul3A_385 : f32 to vector<16xf32>
        %mul3A_387 = arith.mulf %mul3A_386, %mul3A_384 : vector<16xf32>
        %exp3A_388 = math.exp %mul3A_387 : vector<16xf32>
        %swap3A_389 = arith.index_cast %mul3A_312 : i32 to index
        %swap3A_390 = tpu.vector_load %arg33[%swap3A_389] {strides = array<i32>} : memref<2000xf32, #tpu.memory_space<vmem>>, vector<16xf32>,
        %swap3A_391 = vector.shape_cast %swap3A_390 : vector<16xf32> to vector<16xf32>
        %swap3A_392 = vector.shape_cast %exp3A_388 : vector<16xf32> to vector<16xf32>
        tpu.vector_store %arg33[%swap3A_389], %swap3A_392 {strides = array<i32>} : memref<2000xf32, #tpu.memory_space<vmem>>, vector<16xf32>,
        %sub3A_393 = arith.constant 2.700000e+00 : f32
        %sub3A_394 = vector.broadcast %sub3A_393 : f32 to vector<16xf32>
        %sub3A_395 = arith.subf %sub3A_394, %mul3A_370 : vector<16xf32>
        %mul3A_396 = arith.mulf %sub3A_395, %sub3A_395 : vector<16xf32>
        %mul3A_397 = arith.constant -0.694444418 : f32
        %mul3A_398 = vector.broadcast %mul3A_397 : f32 to vector<16xf32>
        %mul3A_399 = arith.mulf %mul3A_398, %mul3A_396 : vector<16xf32>
        %exp3A_400 = math.exp %mul3A_399 : vector<16xf32>
        %swap3A_401 = arith.index_cast %mul3A_312 : i32 to index
        %swap3A_402 = tpu.vector_load %arg34[%swap3A_401] {strides = array<i32>} : memref<2000xf32, #tpu.memory_space<vmem>>, vector<16xf32>,
        %swap3A_403 = vector.shape_cast %swap3A_402 : vector<16xf32> to vector<16xf32>
        %swap3A_404 = vector.shape_cast %exp3A_400 : vector<16xf32> to vector<16xf32>
        tpu.vector_store %arg34[%swap3A_401], %swap3A_404 {strides = array<i32>} : memref<2000xf32, #tpu.memory_space<vmem>>, vector<16xf32>,
        %sub3A_405 = arith.constant 3.800000e+00 : f32
        %sub3A_406 = vector.broadcast %sub3A_405 : f32 to vector<16xf32>
        %sub3A_407 = arith.subf %sub3A_406, %mul3A_370 : vector<16xf32>
        %mul3A_408 = arith.mulf %sub3A_407, %sub3A_407 : vector<16xf32>
        %mul3A_409 = arith.constant -0.694444418 : f32
        %mul3A_410 = vector.broadcast %mul3A_409 : f32 to vector<16xf32>
        %mul3A_411 = arith.mulf %mul3A_410, %mul3A_408 : vector<16xf32>
        %exp3A_412 = math.exp %mul3A_411 : vector<16xf32>
        %swap3A_413 = arith.index_cast %mul3A_312 : i32 to index
        %swap3A_414 = tpu.vector_load %arg35[%swap3A_413] {strides = array<i32>} : memref<2000xf32, #tpu.memory_space<vmem>>, vector<16xf32>,
        %swap3A_415 = vector.shape_cast %swap3A_414 : vector<16xf32> to vector<16xf32>
        %swap3A_416 = vector.shape_cast %exp3A_412 : vector<16xf32> to vector<16xf32>
        tpu.vector_store %arg35[%swap3A_413], %swap3A_416 {strides = array<i32>} : memref<2000xf32, #tpu.memory_space<vmem>>, vector<16xf32>,
        %sub3A_417 = arith.constant 4.900000e+00 : f32
        %sub3A_418 = vector.broadcast %sub3A_417 : f32 to vector<16xf32>
        %sub3A_419 = arith.subf %sub3A_418, %mul3A_370 : vector<16xf32>
        %mul3A_420 = arith.mulf %sub3A_419, %sub3A_419 : vector<16xf32>
        %mul3A_421 = arith.constant -0.694444418 : f32
        %mul3A_422 = vector.broadcast %mul3A_421 : f32 to vector<16xf32>
        %mul3A_423 = arith.mulf %mul3A_422, %mul3A_420 : vector<16xf32>
        %exp3A_424 = math.exp %mul3A_423 : vector<16xf32>
        %swap3A_425 = arith.index_cast %mul3A_312 : i32 to index
        %swap3A_426 = tpu.vector_load %arg36[%swap3A_425] {strides = array<i32>} : memref<2000xf32, #tpu.memory_space<vmem>>, vector<16xf32>,
        %swap3A_427 = vector.shape_cast %swap3A_426 : vector<16xf32> to vector<16xf32>
        %swap3A_428 = vector.shape_cast %exp3A_424 : vector<16xf32> to vector<16xf32>
        tpu.vector_store %arg36[%swap3A_425], %swap3A_428 {strides = array<i32>} : memref<2000xf32, #tpu.memory_space<vmem>>, vector<16xf32>,
        %scan3A_429 = arith.constant 0 : i32
        scf.yield %scan3A_429 : i32
      }
      %scan3A_233 = arith.constant 125 : i32
      %dma_start3A_234 = arith.constant 0 : i32
      %dma_start3A_235 = tpu.memref_slice %arg9[%dma_start3A_234] : memref<100352xf32, #tpu.memory_space<vmem_shared>> -> memref<100352xf32, #tpu.memory_space<vmem_shared>>
      tpu.enqueue_indirect_dma source(%arg32 : memref<2000xf32, #tpu.memory_space<vmem>>) target(%dma_start3A_235 : memref<100352xf32, #tpu.memory_space<vmem_shared>>) offsets(%arg18 : memref<2000xi32, #tpu.memory_space<vmem>>) semaphore(%arg44 : memref<!tpu.dma_semaphore, #tpu.memory_space<semaphore_mem>>) {add = true}
      %dma_start3A_236 = arith.constant 0 : i32
      %dma_start3A_237 = tpu.memref_slice %arg10[%dma_start3A_236] : memref<100352xf32, #tpu.memory_space<vmem_shared>> -> memref<100352xf32, #tpu.memory_space<vmem_shared>>
      tpu.enqueue_indirect_dma source(%arg33 : memref<2000xf32, #tpu.memory_space<vmem>>) target(%dma_start3A_237 : memref<100352xf32, #tpu.memory_space<vmem_shared>>) offsets(%arg18 : memref<2000xi32, #tpu.memory_space<vmem>>) semaphore(%arg44 : memref<!tpu.dma_semaphore, #tpu.memory_space<semaphore_mem>>) {add = true}
      %dma_start3A_238 = arith.constant 0 : i32
      %dma_start3A_239 = tpu.memref_slice %arg11[%dma_start3A_238] : memref<100352xf32, #tpu.memory_space<vmem_shared>> -> memref<100352xf32, #tpu.memory_space<vmem_shared>>
      tpu.enqueue_indirect_dma source(%arg34 : memref<2000xf32, #tpu.memory_space<vmem>>) target(%dma_start3A_239 : memref<100352xf32, #tpu.memory_space<vmem_shared>>) offsets(%arg18 : memref<2000xi32, #tpu.memory_space<vmem>>) semaphore(%arg44 : memref<!tpu.dma_semaphore, #tpu.memory_space<semaphore_mem>>) {add = true}
      %dma_start3A_240 = arith.constant 0 : i32
      %dma_start3A_241 = tpu.memref_slice %arg12[%dma_start3A_240] : memref<100352xf32, #tpu.memory_space<vmem_shared>> -> memref<100352xf32, #tpu.memory_space<vmem_shared>>
      tpu.enqueue_indirect_dma source(%arg35 : memref<2000xf32, #tpu.memory_space<vmem>>) target(%dma_start3A_241 : memref<100352xf32, #tpu.memory_space<vmem_shared>>) offsets(%arg18 : memref<2000xi32, #tpu.memory_space<vmem>>) semaphore(%arg44 : memref<!tpu.dma_semaphore, #tpu.memory_space<semaphore_mem>>) {add = true}
      %dma_start3A_242 = arith.constant 0 : i32
      %dma_start3A_243 = tpu.memref_slice %arg13[%dma_start3A_242] : memref<100352xf32, #tpu.memory_space<vmem_shared>> -> memref<100352xf32, #tpu.memory_space<vmem_shared>>
      tpu.enqueue_indirect_dma source(%arg36 : memref<2000xf32, #tpu.memory_space<vmem>>) target(%dma_start3A_243 : memref<100352xf32, #tpu.memory_space<vmem_shared>>) offsets(%arg18 : memref<2000xi32, #tpu.memory_space<vmem>>) semaphore(%arg44 : memref<!tpu.dma_semaphore, #tpu.memory_space<semaphore_mem>>) {add = true}
      %mul3A_244 = arith.constant 4 : i32
      %mul3A_245 = arith.muli %mul3A_244, %scan3A_54 : i32
      %add3A_246 = arith.constant 3 : i32
      %add3A_247 = arith.addi %mul3A_245, %add3A_246 : i32
      %dma_wait3A_248 = arith.constant 0 : i32
      %dma_wait3A_249 = tpu.memref_slice %arg2[%dma_wait3A_248] : memref<100000xf32, #tpu.memory_space<hbm>> -> memref<2000xf32, #tpu.memory_space<hbm>>
      %dma_wait3A_250 = arith.constant 0 : i32
      %dma_wait3A_251 = tpu.memref_slice %arg2[%dma_wait3A_250] : memref<100000xf32, #tpu.memory_space<hbm>> -> memref<2000xf32, #tpu.memory_space<hbm>>
      tpu.wait_dma2 semaphore(%arg43 : memref<!tpu.dma_semaphore, #tpu.memory_space<semaphore_mem>>) src(%dma_wait3A_251 : memref<2000xf32, #tpu.memory_space<hbm>>) dst(%arg26 : memref<2000xf32, #tpu.memory_space<vmem>>)
      %dma_wait3A_252 = arith.constant 0 : i32
      %dma_wait3A_253 = tpu.memref_slice %arg2[%dma_wait3A_252] : memref<100000xf32, #tpu.memory_space<hbm>> -> memref<2000xf32, #tpu.memory_space<hbm>>
      %dma_wait3A_254 = arith.constant 0 : i32
      %dma_wait3A_255 = tpu.memref_slice %arg2[%dma_wait3A_254] : memref<100000xf32, #tpu.memory_space<hbm>> -> memref<2000xf32, #tpu.memory_space<hbm>>
      tpu.wait_dma2 semaphore(%arg43 : memref<!tpu.dma_semaphore, #tpu.memory_space<semaphore_mem>>) src(%dma_wait3A_255 : memref<2000xf32, #tpu.memory_space<hbm>>) dst(%arg27 : memref<2000xf32, #tpu.memory_space<vmem>>)
      %dma_wait3A_256 = arith.constant 0 : i32
      %dma_wait3A_257 = tpu.memref_slice %arg2[%dma_wait3A_256] : memref<100000xf32, #tpu.memory_space<hbm>> -> memref<2000xf32, #tpu.memory_space<hbm>>
      %dma_wait3A_258 = arith.constant 0 : i32
      %dma_wait3A_259 = tpu.memref_slice %arg2[%dma_wait3A_258] : memref<100000xf32, #tpu.memory_space<hbm>> -> memref<2000xf32, #tpu.memory_space<hbm>>
      tpu.wait_dma2 semaphore(%arg43 : memref<!tpu.dma_semaphore, #tpu.memory_space<semaphore_mem>>) src(%dma_wait3A_259 : memref<2000xf32, #tpu.memory_space<hbm>>) dst(%arg28 : memref<2000xf32, #tpu.memory_space<vmem>>)
      %dma_wait3A_260 = arith.constant 0 : i32
      %dma_wait3A_261 = tpu.memref_slice %arg2[%dma_wait3A_260] : memref<100000xf32, #tpu.memory_space<hbm>> -> memref<2000xf32, #tpu.memory_space<hbm>>
      %dma_wait3A_262 = arith.constant 0 : i32
      %dma_wait3A_263 = tpu.memref_slice %arg2[%dma_wait3A_262] : memref<100000xf32, #tpu.memory_space<hbm>> -> memref<2000xf32, #tpu.memory_space<hbm>>
      tpu.wait_dma2 semaphore(%arg43 : memref<!tpu.dma_semaphore, #tpu.memory_space<semaphore_mem>>) src(%dma_wait3A_263 : memref<2000xf32, #tpu.memory_space<hbm>>) dst(%arg29 : memref<2000xf32, #tpu.memory_space<vmem>>)
      %dma_wait3A_264 = arith.constant 0 : i32
      %dma_wait3A_265 = tpu.memref_slice %arg2[%dma_wait3A_264] : memref<100000xf32, #tpu.memory_space<hbm>> -> memref<2000xf32, #tpu.memory_space<hbm>>
      %dma_wait3A_266 = arith.constant 0 : i32
      %dma_wait3A_267 = tpu.memref_slice %arg2[%dma_wait3A_266] : memref<100000xf32, #tpu.memory_space<hbm>> -> memref<2000xf32, #tpu.memory_space<hbm>>
      tpu.wait_dma2 semaphore(%arg43 : memref<!tpu.dma_semaphore, #tpu.memory_space<semaphore_mem>>) src(%dma_wait3A_267 : memref<2000xf32, #tpu.memory_space<hbm>>) dst(%arg30 : memref<2000xf32, #tpu.memory_space<vmem>>)
      %dma_wait3A_268 = arith.constant 0 : i32
      %dma_wait3A_269 = tpu.memref_slice %arg2[%dma_wait3A_268] : memref<100000xf32, #tpu.memory_space<hbm>> -> memref<2000xf32, #tpu.memory_space<hbm>>
      %dma_wait3A_270 = arith.constant 0 : i32
      %dma_wait3A_271 = tpu.memref_slice %arg2[%dma_wait3A_270] : memref<100000xf32, #tpu.memory_space<hbm>> -> memref<2000xf32, #tpu.memory_space<hbm>>
      tpu.wait_dma2 semaphore(%arg43 : memref<!tpu.dma_semaphore, #tpu.memory_space<semaphore_mem>>) src(%dma_wait3A_271 : memref<2000xf32, #tpu.memory_space<hbm>>) dst(%arg31 : memref<2000xf32, #tpu.memory_space<vmem>>)
      %ge3A_272 = arith.constant 2 : i32
      %ge3A_273 = arith.cmpi sge, %add3A_247, %ge3A_272 : i32
      %convert_element_type3A_274 = arith.extui %ge3A_273 : i1 to i32
      %cond3A_275 = arith.constant 0 : i32
      %cond3A_276 = arith.cmpi ne, %convert_element_type3A_274, %cond3A_275 : i32
      scf.if %cond3A_276 {
        %dma_wait3A_309 = arith.constant 0 : i32
        %dma_wait3A_310 = tpu.memref_slice %arg9[%dma_wait3A_309] : memref<100352xf32, #tpu.memory_space<vmem_shared>> -> memref<100352xf32, #tpu.memory_space<vmem_shared>>
        tpu.wait_indirect_dma semaphore(%arg45 : memref<!tpu.dma_semaphore, #tpu.memory_space<semaphore_mem>>) src(%arg37 : memref<2000xf32, #tpu.memory_space<vmem>>) dst(%dma_wait3A_310 : memref<100352xf32, #tpu.memory_space<vmem_shared>>)
        %dma_wait3A_311 = arith.constant 0 : i32
        %dma_wait3A_312 = tpu.memref_slice %arg10[%dma_wait3A_311] : memref<100352xf32, #tpu.memory_space<vmem_shared>> -> memref<100352xf32, #tpu.memory_space<vmem_shared>>
        tpu.wait_indirect_dma semaphore(%arg45 : memref<!tpu.dma_semaphore, #tpu.memory_space<semaphore_mem>>) src(%arg38 : memref<2000xf32, #tpu.memory_space<vmem>>) dst(%dma_wait3A_312 : memref<100352xf32, #tpu.memory_space<vmem_shared>>)
        %dma_wait3A_313 = arith.constant 0 : i32
        %dma_wait3A_314 = tpu.memref_slice %arg11[%dma_wait3A_313] : memref<100352xf32, #tpu.memory_space<vmem_shared>> -> memref<100352xf32, #tpu.memory_space<vmem_shared>>
        tpu.wait_indirect_dma semaphore(%arg45 : memref<!tpu.dma_semaphore, #tpu.memory_space<semaphore_mem>>) src(%arg39 : memref<2000xf32, #tpu.memory_space<vmem>>) dst(%dma_wait3A_314 : memref<100352xf32, #tpu.memory_space<vmem_shared>>)
        %dma_wait3A_315 = arith.constant 0 : i32
        %dma_wait3A_316 = tpu.memref_slice %arg12[%dma_wait3A_315] : memref<100352xf32, #tpu.memory_space<vmem_shared>> -> memref<100352xf32, #tpu.memory_space<vmem_shared>>
        tpu.wait_indirect_dma semaphore(%arg45 : memref<!tpu.dma_semaphore, #tpu.memory_space<semaphore_mem>>) src(%arg40 : memref<2000xf32, #tpu.memory_space<vmem>>) dst(%dma_wait3A_316 : memref<100352xf32, #tpu.memory_space<vmem_shared>>)
        %dma_wait3A_317 = arith.constant 0 : i32
        %dma_wait3A_318 = tpu.memref_slice %arg13[%dma_wait3A_317] : memref<100352xf32, #tpu.memory_space<vmem_shared>> -> memref<100352xf32, #tpu.memory_space<vmem_shared>>
        tpu.wait_indirect_dma semaphore(%arg45 : memref<!tpu.dma_semaphore, #tpu.memory_space<semaphore_mem>>) src(%arg41 : memref<2000xf32, #tpu.memory_space<vmem>>) dst(%dma_wait3A_318 : memref<100352xf32, #tpu.memory_space<vmem_shared>>)
      } else {
      }
      %add3A_277 = arith.constant 1 : i32
      %add3A_278 = arith.addi %add3A_247, %add3A_277 : i32
      %lt3A_279 = arith.constant 100 : i32
      %lt3A_280 = arith.cmpi slt, %add3A_278, %lt3A_279 : i32
      %convert_element_type3A_281 = arith.extui %lt3A_280 : i1 to i32
      %cond3A_282 = arith.constant 0 : i32
      %cond3A_283 = arith.cmpi ne, %convert_element_type3A_281, %cond3A_282 : i32
      scf.if %cond3A_283 {
        %dma_wait3A_309 = arith.constant 0 : i32
        %dma_wait3A_310 = tpu.memref_slice %arg5[%dma_wait3A_309] : memref<6400000xi32, #tpu.memory_space<hbm>> -> memref<2000xi32, #tpu.memory_space<hbm>>
        %dma_wait3A_311 = arith.constant 0 : i32
        %dma_wait3A_312 = tpu.memref_slice %arg5[%dma_wait3A_311] : memref<6400000xi32, #tpu.memory_space<hbm>> -> memref<2000xi32, #tpu.memory_space<hbm>>
        tpu.wait_dma2 semaphore(%arg46 : memref<!tpu.dma_semaphore, #tpu.memory_space<semaphore_mem>>) src(%dma_wait3A_312 : memref<2000xi32, #tpu.memory_space<hbm>>) dst(%arg14 : memref<2000xi32, #tpu.memory_space<vmem>>)
        %dma_wait3A_313 = arith.constant 0 : i32
        %dma_wait3A_314 = tpu.memref_slice %arg5[%dma_wait3A_313] : memref<6400000xi32, #tpu.memory_space<hbm>> -> memref<2000xi32, #tpu.memory_space<hbm>>
        %dma_wait3A_315 = arith.constant 0 : i32
        %dma_wait3A_316 = tpu.memref_slice %arg5[%dma_wait3A_315] : memref<6400000xi32, #tpu.memory_space<hbm>> -> memref<2000xi32, #tpu.memory_space<hbm>>
        tpu.wait_dma2 semaphore(%arg46 : memref<!tpu.dma_semaphore, #tpu.memory_space<semaphore_mem>>) src(%dma_wait3A_316 : memref<2000xi32, #tpu.memory_space<hbm>>) dst(%arg16 : memref<2000xi32, #tpu.memory_space<vmem>>)
        %add3A_317 = arith.constant 1 : i32
        %add3A_318 = arith.addi %add3A_247, %add3A_317 : i32
        %dma_start3A_319 = arith.constant 0 : i32
        %dma_start3A_320 = tpu.memref_slice %arg2[%dma_start3A_319] : memref<100000xf32, #tpu.memory_space<hbm>> -> memref<100000xf32, #tpu.memory_space<hbm>>
        tpu.enqueue_indirect_dma source(%dma_start3A_320 : memref<100000xf32, #tpu.memory_space<hbm>>) target(%arg20 : memref<2000xf32, #tpu.memory_space<vmem>>) offsets(%arg14 : memref<2000xi32, #tpu.memory_space<vmem>>) semaphore(%arg42 : memref<!tpu.dma_semaphore, #tpu.memory_space<semaphore_mem>>)
        %dma_start3A_321 = arith.constant 0 : i32
        %dma_start3A_322 = tpu.memref_slice %arg3[%dma_start3A_321] : memref<100000xf32, #tpu.memory_space<hbm>> -> memref<100000xf32, #tpu.memory_space<hbm>>
        tpu.enqueue_indirect_dma source(%dma_start3A_322 : memref<100000xf32, #tpu.memory_space<hbm>>) target(%arg21 : memref<2000xf32, #tpu.memory_space<vmem>>) offsets(%arg14 : memref<2000xi32, #tpu.memory_space<vmem>>) semaphore(%arg42 : memref<!tpu.dma_semaphore, #tpu.memory_space<semaphore_mem>>)
        %dma_start3A_323 = arith.constant 0 : i32
        %dma_start3A_324 = tpu.memref_slice %arg4[%dma_start3A_323] : memref<100000xf32, #tpu.memory_space<hbm>> -> memref<100000xf32, #tpu.memory_space<hbm>>
        tpu.enqueue_indirect_dma source(%dma_start3A_324 : memref<100000xf32, #tpu.memory_space<hbm>>) target(%arg22 : memref<2000xf32, #tpu.memory_space<vmem>>) offsets(%arg14 : memref<2000xi32, #tpu.memory_space<vmem>>) semaphore(%arg42 : memref<!tpu.dma_semaphore, #tpu.memory_space<semaphore_mem>>)
        %dma_start3A_325 = arith.constant 0 : i32
        %dma_start3A_326 = tpu.memref_slice %arg2[%dma_start3A_325] : memref<100000xf32, #tpu.memory_space<hbm>> -> memref<100000xf32, #tpu.memory_space<hbm>>
        tpu.enqueue_indirect_dma source(%dma_start3A_326 : memref<100000xf32, #tpu.memory_space<hbm>>) target(%arg23 : memref<2000xf32, #tpu.memory_space<vmem>>) offsets(%arg16 : memref<2000xi32, #tpu.memory_space<vmem>>) semaphore(%arg42 : memref<!tpu.dma_semaphore, #tpu.memory_space<semaphore_mem>>)
        %dma_start3A_327 = arith.constant 0 : i32
        %dma_start3A_328 = tpu.memref_slice %arg3[%dma_start3A_327] : memref<100000xf32, #tpu.memory_space<hbm>> -> memref<100000xf32, #tpu.memory_space<hbm>>
        tpu.enqueue_indirect_dma source(%dma_start3A_328 : memref<100000xf32, #tpu.memory_space<hbm>>) target(%arg24 : memref<2000xf32, #tpu.memory_space<vmem>>) offsets(%arg16 : memref<2000xi32, #tpu.memory_space<vmem>>) semaphore(%arg42 : memref<!tpu.dma_semaphore, #tpu.memory_space<semaphore_mem>>)
        %dma_start3A_329 = arith.constant 0 : i32
        %dma_start3A_330 = tpu.memref_slice %arg4[%dma_start3A_329] : memref<100000xf32, #tpu.memory_space<hbm>> -> memref<100000xf32, #tpu.memory_space<hbm>>
        tpu.enqueue_indirect_dma source(%dma_start3A_330 : memref<100000xf32, #tpu.memory_space<hbm>>) target(%arg25 : memref<2000xf32, #tpu.memory_space<vmem>>) offsets(%arg16 : memref<2000xi32, #tpu.memory_space<vmem>>) semaphore(%arg42 : memref<!tpu.dma_semaphore, #tpu.memory_space<semaphore_mem>>)
      } else {
      }
      %add3A_284 = arith.constant 2 : i32
      %add3A_285 = arith.addi %add3A_247, %add3A_284 : i32
      %lt3A_286 = arith.constant 100 : i32
      %lt3A_287 = arith.cmpi slt, %add3A_285, %lt3A_286 : i32
      %convert_element_type3A_288 = arith.extui %lt3A_287 : i1 to i32
      %cond3A_289 = arith.constant 0 : i32
      %cond3A_290 = arith.cmpi ne, %convert_element_type3A_288, %cond3A_289 : i32
      scf.if %cond3A_290 {
        %add3A_309 = arith.constant 2 : i32
        %add3A_310 = arith.addi %add3A_247, %add3A_309 : i32
        %mul3A_311 = arith.constant 200000 : i32
        %mul3A_312 = arith.muli %add3A, %mul3A_311 : i32
        %mul3A_313 = arith.constant 2000 : i32
        %mul3A_314 = arith.muli %add3A_310, %mul3A_313 : i32
        %add3A_315 = arith.addi %mul3A_312, %mul3A_314 : i32
        %dma_start3A_316 = tpu.memref_slice %arg5[%add3A_315] : memref<6400000xi32, #tpu.memory_space<hbm>> -> memref<2000xi32, #tpu.memory_space<hbm>>
        %dma_start3A_317 = tpu.memref_slice %arg5[%add3A_315] : memref<6400000xi32, #tpu.memory_space<hbm>> -> memref<2000xi32, #tpu.memory_space<hbm>>
        tpu.enqueue_dma source(%dma_start3A_317 : memref<2000xi32, #tpu.memory_space<hbm>>) target(%arg15 : memref<2000xi32, #tpu.memory_space<vmem>>) target_semaphore(%arg47 : memref<!tpu.dma_semaphore, #tpu.memory_space<semaphore_mem>>)
        %dma_start3A_318 = tpu.memref_slice %arg6[%add3A_315] : memref<6400000xi32, #tpu.memory_space<hbm>> -> memref<2000xi32, #tpu.memory_space<hbm>>
        %dma_start3A_319 = tpu.memref_slice %arg6[%add3A_315] : memref<6400000xi32, #tpu.memory_space<hbm>> -> memref<2000xi32, #tpu.memory_space<hbm>>
        tpu.enqueue_dma source(%dma_start3A_319 : memref<2000xi32, #tpu.memory_space<hbm>>) target(%arg17 : memref<2000xi32, #tpu.memory_space<vmem>>) target_semaphore(%arg47 : memref<!tpu.dma_semaphore, #tpu.memory_space<semaphore_mem>>)
      } else {
      }
      %scan3A_291 = arith.constant 0 : i32
      %scan3A_292 = arith.constant 0 : i32
      %scan3A_293 = arith.constant 125 : i32
      %scan3A_294 = arith.addi %scan3A_292, %scan3A_293 : i32
      %scan3A_295 = arith.constant 1 : i32
      %scan3A_296 = scf.for %scan3A_309 = %scan3A_292 to %scan3A_294 step %scan3A_295 iter_args(%scan3A_310 = %scan3A_291) -> (i32)  : i32 {
        %mul3A_311 = arith.constant 16 : i32
        %mul3A_312 = arith.muli %scan3A_309, %mul3A_311 : i32
        %get3A = arith.index_cast %mul3A_312 : i32 to index
        %get3A_313 = tpu.vector_load %arg26[%get3A] {strides = array<i32>} : memref<2000xf32, #tpu.memory_space<vmem>>, vector<16xf32>,
        %get3A_314 = vector.shape_cast %get3A_313 : vector<16xf32> to vector<16xf32>
        %get3A_315 = arith.index_cast %mul3A_312 : i32 to index
        %get3A_316 = tpu.vector_load %arg29[%get3A_315] {strides = array<i32>} : memref<2000xf32, #tpu.memory_space<vmem>>, vector<16xf32>,
        %get3A_317 = vector.shape_cast %get3A_316 : vector<16xf32> to vector<16xf32>
        %sub3A = arith.subf %get3A_314, %get3A_317 : vector<16xf32>
        %get3A_318 = arith.index_cast %mul3A_312 : i32 to index
        %get3A_319 = tpu.vector_load %arg27[%get3A_318] {strides = array<i32>} : memref<2000xf32, #tpu.memory_space<vmem>>, vector<16xf32>,
        %get3A_320 = vector.shape_cast %get3A_319 : vector<16xf32> to vector<16xf32>
        %get3A_321 = arith.index_cast %mul3A_312 : i32 to index
        %get3A_322 = tpu.vector_load %arg30[%get3A_321] {strides = array<i32>} : memref<2000xf32, #tpu.memory_space<vmem>>, vector<16xf32>,
        %get3A_323 = vector.shape_cast %get3A_322 : vector<16xf32> to vector<16xf32>
        %sub3A_324 = arith.subf %get3A_320, %get3A_323 : vector<16xf32>
        %get3A_325 = arith.index_cast %mul3A_312 : i32 to index
        %get3A_326 = tpu.vector_load %arg28[%get3A_325] {strides = array<i32>} : memref<2000xf32, #tpu.memory_space<vmem>>, vector<16xf32>,
        %get3A_327 = vector.shape_cast %get3A_326 : vector<16xf32> to vector<16xf32>
        %get3A_328 = arith.index_cast %mul3A_312 : i32 to index
        %get3A_329 = tpu.vector_load %arg31[%get3A_328] {strides = array<i32>} : memref<2000xf32, #tpu.memory_space<vmem>>, vector<16xf32>,
        %get3A_330 = vector.shape_cast %get3A_329 : vector<16xf32> to vector<16xf32>
        %sub3A_331 = arith.subf %get3A_327, %get3A_330 : vector<16xf32>
        %mul3A_332 = arith.mulf %sub3A, %sub3A : vector<16xf32>
        %mul3A_333 = arith.mulf %sub3A_324, %sub3A_324 : vector<16xf32>
        %add3A_334 = arith.addf %mul3A_332, %mul3A_333 : vector<16xf32>
        %mul3A_335 = arith.mulf %sub3A_331, %sub3A_331 : vector<16xf32>
        %add3A_336 = arith.addf %add3A_334, %mul3A_335 : vector<16xf32>
        %bitcast_convert_type3A = tpu.bitcast %add3A_336 : vector<16xf32> -> vector<16xi32>
        %shift_right_arithmetic3A = arith.constant 1 : i32
        %shift_right_arithmetic3A_337 = vector.broadcast %shift_right_arithmetic3A : i32 to vector<16xi32>
        %shift_right_arithmetic3A_338 = arith.shrsi %bitcast_convert_type3A, %shift_right_arithmetic3A_337 : vector<16xi32>
        %sub3A_339 = arith.constant 1597463007 : i32
        %sub3A_340 = vector.broadcast %sub3A_339 : i32 to vector<16xi32>
        %sub3A_341 = arith.subi %sub3A_340, %shift_right_arithmetic3A_338 : vector<16xi32>
        %bitcast_convert_type3A_342 = tpu.bitcast %sub3A_341 : vector<16xi32> -> vector<16xf32>
        %mul3A_343 = arith.constant 5.000000e-01 : f32
        %mul3A_344 = vector.broadcast %mul3A_343 : f32 to vector<16xf32>
        %mul3A_345 = arith.mulf %mul3A_344, %add3A_336 : vector<16xf32>
        %mul3A_346 = arith.mulf %mul3A_345, %bitcast_convert_type3A_342 : vector<16xf32>
        %mul3A_347 = arith.mulf %mul3A_346, %bitcast_convert_type3A_342 : vector<16xf32>
        %sub3A_348 = arith.constant 1.500000e+00 : f32
        %sub3A_349 = vector.broadcast %sub3A_348 : f32 to vector<16xf32>
        %sub3A_350 = arith.subf %sub3A_349, %mul3A_347 : vector<16xf32>
        %mul3A_351 = arith.mulf %bitcast_convert_type3A_342, %sub3A_350 : vector<16xf32>
        %mul3A_352 = arith.constant 5.000000e-01 : f32
        %mul3A_353 = vector.broadcast %mul3A_352 : f32 to vector<16xf32>
        %mul3A_354 = arith.mulf %mul3A_353, %add3A_336 : vector<16xf32>
        %mul3A_355 = arith.mulf %mul3A_354, %mul3A_351 : vector<16xf32>
        %mul3A_356 = arith.mulf %mul3A_355, %mul3A_351 : vector<16xf32>
        %sub3A_357 = arith.constant 1.500000e+00 : f32
        %sub3A_358 = vector.broadcast %sub3A_357 : f32 to vector<16xf32>
        %sub3A_359 = arith.subf %sub3A_358, %mul3A_356 : vector<16xf32>
        %mul3A_360 = arith.mulf %mul3A_351, %sub3A_359 : vector<16xf32>
        %mul3A_361 = arith.constant 5.000000e-01 : f32
        %mul3A_362 = vector.broadcast %mul3A_361 : f32 to vector<16xf32>
        %mul3A_363 = arith.mulf %mul3A_362, %add3A_336 : vector<16xf32>
        %mul3A_364 = arith.mulf %mul3A_363, %mul3A_360 : vector<16xf32>
        %mul3A_365 = arith.mulf %mul3A_364, %mul3A_360 : vector<16xf32>
        %sub3A_366 = arith.constant 1.500000e+00 : f32
        %sub3A_367 = vector.broadcast %sub3A_366 : f32 to vector<16xf32>
        %sub3A_368 = arith.subf %sub3A_367, %mul3A_365 : vector<16xf32>
        %mul3A_369 = arith.mulf %mul3A_360, %sub3A_368 : vector<16xf32>
        %mul3A_370 = arith.mulf %add3A_336, %mul3A_369 : vector<16xf32>
        %sub3A_371 = arith.constant 5.000000e-01 : f32
        %sub3A_372 = vector.broadcast %sub3A_371 : f32 to vector<16xf32>
        %sub3A_373 = arith.subf %sub3A_372, %mul3A_370 : vector<16xf32>
        %mul3A_374 = arith.mulf %sub3A_373, %sub3A_373 : vector<16xf32>
        %mul3A_375 = arith.constant -0.694444418 : f32
        %mul3A_376 = vector.broadcast %mul3A_375 : f32 to vector<16xf32>
        %mul3A_377 = arith.mulf %mul3A_376, %mul3A_374 : vector<16xf32>
        %exp3A = math.exp %mul3A_377 : vector<16xf32>
        %swap3A = arith.index_cast %mul3A_312 : i32 to index
        %swap3A_378 = tpu.vector_load %arg37[%swap3A] {strides = array<i32>} : memref<2000xf32, #tpu.memory_space<vmem>>, vector<16xf32>,
        %swap3A_379 = vector.shape_cast %swap3A_378 : vector<16xf32> to vector<16xf32>
        %swap3A_380 = vector.shape_cast %exp3A : vector<16xf32> to vector<16xf32>
        tpu.vector_store %arg37[%swap3A], %swap3A_380 {strides = array<i32>} : memref<2000xf32, #tpu.memory_space<vmem>>, vector<16xf32>,
        %sub3A_381 = arith.constant 1.600000e+00 : f32
        %sub3A_382 = vector.broadcast %sub3A_381 : f32 to vector<16xf32>
        %sub3A_383 = arith.subf %sub3A_382, %mul3A_370 : vector<16xf32>
        %mul3A_384 = arith.mulf %sub3A_383, %sub3A_383 : vector<16xf32>
        %mul3A_385 = arith.constant -0.694444418 : f32
        %mul3A_386 = vector.broadcast %mul3A_385 : f32 to vector<16xf32>
        %mul3A_387 = arith.mulf %mul3A_386, %mul3A_384 : vector<16xf32>
        %exp3A_388 = math.exp %mul3A_387 : vector<16xf32>
        %swap3A_389 = arith.index_cast %mul3A_312 : i32 to index
        %swap3A_390 = tpu.vector_load %arg38[%swap3A_389] {strides = array<i32>} : memref<2000xf32, #tpu.memory_space<vmem>>, vector<16xf32>,
        %swap3A_391 = vector.shape_cast %swap3A_390 : vector<16xf32> to vector<16xf32>
        %swap3A_392 = vector.shape_cast %exp3A_388 : vector<16xf32> to vector<16xf32>
        tpu.vector_store %arg38[%swap3A_389], %swap3A_392 {strides = array<i32>} : memref<2000xf32, #tpu.memory_space<vmem>>, vector<16xf32>,
        %sub3A_393 = arith.constant 2.700000e+00 : f32
        %sub3A_394 = vector.broadcast %sub3A_393 : f32 to vector<16xf32>
        %sub3A_395 = arith.subf %sub3A_394, %mul3A_370 : vector<16xf32>
        %mul3A_396 = arith.mulf %sub3A_395, %sub3A_395 : vector<16xf32>
        %mul3A_397 = arith.constant -0.694444418 : f32
        %mul3A_398 = vector.broadcast %mul3A_397 : f32 to vector<16xf32>
        %mul3A_399 = arith.mulf %mul3A_398, %mul3A_396 : vector<16xf32>
        %exp3A_400 = math.exp %mul3A_399 : vector<16xf32>
        %swap3A_401 = arith.index_cast %mul3A_312 : i32 to index
        %swap3A_402 = tpu.vector_load %arg39[%swap3A_401] {strides = array<i32>} : memref<2000xf32, #tpu.memory_space<vmem>>, vector<16xf32>,
        %swap3A_403 = vector.shape_cast %swap3A_402 : vector<16xf32> to vector<16xf32>
        %swap3A_404 = vector.shape_cast %exp3A_400 : vector<16xf32> to vector<16xf32>
        tpu.vector_store %arg39[%swap3A_401], %swap3A_404 {strides = array<i32>} : memref<2000xf32, #tpu.memory_space<vmem>>, vector<16xf32>,
        %sub3A_405 = arith.constant 3.800000e+00 : f32
        %sub3A_406 = vector.broadcast %sub3A_405 : f32 to vector<16xf32>
        %sub3A_407 = arith.subf %sub3A_406, %mul3A_370 : vector<16xf32>
        %mul3A_408 = arith.mulf %sub3A_407, %sub3A_407 : vector<16xf32>
        %mul3A_409 = arith.constant -0.694444418 : f32
        %mul3A_410 = vector.broadcast %mul3A_409 : f32 to vector<16xf32>
        %mul3A_411 = arith.mulf %mul3A_410, %mul3A_408 : vector<16xf32>
        %exp3A_412 = math.exp %mul3A_411 : vector<16xf32>
        %swap3A_413 = arith.index_cast %mul3A_312 : i32 to index
        %swap3A_414 = tpu.vector_load %arg40[%swap3A_413] {strides = array<i32>} : memref<2000xf32, #tpu.memory_space<vmem>>, vector<16xf32>,
        %swap3A_415 = vector.shape_cast %swap3A_414 : vector<16xf32> to vector<16xf32>
        %swap3A_416 = vector.shape_cast %exp3A_412 : vector<16xf32> to vector<16xf32>
        tpu.vector_store %arg40[%swap3A_413], %swap3A_416 {strides = array<i32>} : memref<2000xf32, #tpu.memory_space<vmem>>, vector<16xf32>,
        %sub3A_417 = arith.constant 4.900000e+00 : f32
        %sub3A_418 = vector.broadcast %sub3A_417 : f32 to vector<16xf32>
        %sub3A_419 = arith.subf %sub3A_418, %mul3A_370 : vector<16xf32>
        %mul3A_420 = arith.mulf %sub3A_419, %sub3A_419 : vector<16xf32>
        %mul3A_421 = arith.constant -0.694444418 : f32
        %mul3A_422 = vector.broadcast %mul3A_421 : f32 to vector<16xf32>
        %mul3A_423 = arith.mulf %mul3A_422, %mul3A_420 : vector<16xf32>
        %exp3A_424 = math.exp %mul3A_423 : vector<16xf32>
        %swap3A_425 = arith.index_cast %mul3A_312 : i32 to index
        %swap3A_426 = tpu.vector_load %arg41[%swap3A_425] {strides = array<i32>} : memref<2000xf32, #tpu.memory_space<vmem>>, vector<16xf32>,
        %swap3A_427 = vector.shape_cast %swap3A_426 : vector<16xf32> to vector<16xf32>
        %swap3A_428 = vector.shape_cast %exp3A_424 : vector<16xf32> to vector<16xf32>
        tpu.vector_store %arg41[%swap3A_425], %swap3A_428 {strides = array<i32>} : memref<2000xf32, #tpu.memory_space<vmem>>, vector<16xf32>,
        %scan3A_429 = arith.constant 0 : i32
        scf.yield %scan3A_429 : i32
      }
      %scan3A_297 = arith.constant 125 : i32
      %dma_start3A_298 = arith.constant 0 : i32
      %dma_start3A_299 = tpu.memref_slice %arg9[%dma_start3A_298] : memref<100352xf32, #tpu.memory_space<vmem_shared>> -> memref<100352xf32, #tpu.memory_space<vmem_shared>>
      tpu.enqueue_indirect_dma source(%arg37 : memref<2000xf32, #tpu.memory_space<vmem>>) target(%dma_start3A_299 : memref<100352xf32, #tpu.memory_space<vmem_shared>>) offsets(%arg19 : memref<2000xi32, #tpu.memory_space<vmem>>) semaphore(%arg45 : memref<!tpu.dma_semaphore, #tpu.memory_space<semaphore_mem>>) {add = true}
      %dma_start3A_300 = arith.constant 0 : i32
      %dma_start3A_301 = tpu.memref_slice %arg10[%dma_start3A_300] : memref<100352xf32, #tpu.memory_space<vmem_shared>> -> memref<100352xf32, #tpu.memory_space<vmem_shared>>
      tpu.enqueue_indirect_dma source(%arg38 : memref<2000xf32, #tpu.memory_space<vmem>>) target(%dma_start3A_301 : memref<100352xf32, #tpu.memory_space<vmem_shared>>) offsets(%arg19 : memref<2000xi32, #tpu.memory_space<vmem>>) semaphore(%arg45 : memref<!tpu.dma_semaphore, #tpu.memory_space<semaphore_mem>>) {add = true}
      %dma_start3A_302 = arith.constant 0 : i32
      %dma_start3A_303 = tpu.memref_slice %arg11[%dma_start3A_302] : memref<100352xf32, #tpu.memory_space<vmem_shared>> -> memref<100352xf32, #tpu.memory_space<vmem_shared>>
      tpu.enqueue_indirect_dma source(%arg39 : memref<2000xf32, #tpu.memory_space<vmem>>) target(%dma_start3A_303 : memref<100352xf32, #tpu.memory_space<vmem_shared>>) offsets(%arg19 : memref<2000xi32, #tpu.memory_space<vmem>>) semaphore(%arg45 : memref<!tpu.dma_semaphore, #tpu.memory_space<semaphore_mem>>) {add = true}
      %dma_start3A_304 = arith.constant 0 : i32
      %dma_start3A_305 = tpu.memref_slice %arg12[%dma_start3A_304] : memref<100352xf32, #tpu.memory_space<vmem_shared>> -> memref<100352xf32, #tpu.memory_space<vmem_shared>>
      tpu.enqueue_indirect_dma source(%arg40 : memref<2000xf32, #tpu.memory_space<vmem>>) target(%dma_start3A_305 : memref<100352xf32, #tpu.memory_space<vmem_shared>>) offsets(%arg19 : memref<2000xi32, #tpu.memory_space<vmem>>) semaphore(%arg45 : memref<!tpu.dma_semaphore, #tpu.memory_space<semaphore_mem>>) {add = true}
      %dma_start3A_306 = arith.constant 0 : i32
      %dma_start3A_307 = tpu.memref_slice %arg13[%dma_start3A_306] : memref<100352xf32, #tpu.memory_space<vmem_shared>> -> memref<100352xf32, #tpu.memory_space<vmem_shared>>
      tpu.enqueue_indirect_dma source(%arg41 : memref<2000xf32, #tpu.memory_space<vmem>>) target(%dma_start3A_307 : memref<100352xf32, #tpu.memory_space<vmem_shared>>) offsets(%arg19 : memref<2000xi32, #tpu.memory_space<vmem>>) semaphore(%arg45 : memref<!tpu.dma_semaphore, #tpu.memory_space<semaphore_mem>>) {add = true}
      %scan3A_308 = arith.constant 0 : i32
      scf.yield %scan3A_308 : i32
    }
    %scan3A_29 = arith.constant 25 : i32
    %dma_wait3A = arith.constant 0 : i32
    %dma_wait3A_30 = tpu.memref_slice %arg9[%dma_wait3A] : memref<100352xf32, #tpu.memory_space<vmem_shared>> -> memref<100352xf32, #tpu.memory_space<vmem_shared>>
    tpu.wait_indirect_dma semaphore(%arg44 : memref<!tpu.dma_semaphore, #tpu.memory_space<semaphore_mem>>) src(%arg32 : memref<2000xf32, #tpu.memory_space<vmem>>) dst(%dma_wait3A_30 : memref<100352xf32, #tpu.memory_space<vmem_shared>>)
    %dma_wait3A_31 = arith.constant 0 : i32
    %dma_wait3A_32 = tpu.memref_slice %arg10[%dma_wait3A_31] : memref<100352xf32, #tpu.memory_space<vmem_shared>> -> memref<100352xf32, #tpu.memory_space<vmem_shared>>
    tpu.wait_indirect_dma semaphore(%arg44 : memref<!tpu.dma_semaphore, #tpu.memory_space<semaphore_mem>>) src(%arg33 : memref<2000xf32, #tpu.memory_space<vmem>>) dst(%dma_wait3A_32 : memref<100352xf32, #tpu.memory_space<vmem_shared>>)
    %dma_wait3A_33 = arith.constant 0 : i32
    %dma_wait3A_34 = tpu.memref_slice %arg11[%dma_wait3A_33] : memref<100352xf32, #tpu.memory_space<vmem_shared>> -> memref<100352xf32, #tpu.memory_space<vmem_shared>>
    tpu.wait_indirect_dma semaphore(%arg44 : memref<!tpu.dma_semaphore, #tpu.memory_space<semaphore_mem>>) src(%arg34 : memref<2000xf32, #tpu.memory_space<vmem>>) dst(%dma_wait3A_34 : memref<100352xf32, #tpu.memory_space<vmem_shared>>)
    %dma_wait3A_35 = arith.constant 0 : i32
    %dma_wait3A_36 = tpu.memref_slice %arg12[%dma_wait3A_35] : memref<100352xf32, #tpu.memory_space<vmem_shared>> -> memref<100352xf32, #tpu.memory_space<vmem_shared>>
    tpu.wait_indirect_dma semaphore(%arg44 : memref<!tpu.dma_semaphore, #tpu.memory_space<semaphore_mem>>) src(%arg35 : memref<2000xf32, #tpu.memory_space<vmem>>) dst(%dma_wait3A_36 : memref<100352xf32, #tpu.memory_space<vmem_shared>>)
    %dma_wait3A_37 = arith.constant 0 : i32
    %dma_wait3A_38 = tpu.memref_slice %arg13[%dma_wait3A_37] : memref<100352xf32, #tpu.memory_space<vmem_shared>> -> memref<100352xf32, #tpu.memory_space<vmem_shared>>
    tpu.wait_indirect_dma semaphore(%arg44 : memref<!tpu.dma_semaphore, #tpu.memory_space<semaphore_mem>>) src(%arg36 : memref<2000xf32, #tpu.memory_space<vmem>>) dst(%dma_wait3A_38 : memref<100352xf32, #tpu.memory_space<vmem_shared>>)
    %dma_wait3A_39 = arith.constant 0 : i32
    %dma_wait3A_40 = tpu.memref_slice %arg9[%dma_wait3A_39] : memref<100352xf32, #tpu.memory_space<vmem_shared>> -> memref<100352xf32, #tpu.memory_space<vmem_shared>>
    tpu.wait_indirect_dma semaphore(%arg45 : memref<!tpu.dma_semaphore, #tpu.memory_space<semaphore_mem>>) src(%arg37 : memref<2000xf32, #tpu.memory_space<vmem>>) dst(%dma_wait3A_40 : memref<100352xf32, #tpu.memory_space<vmem_shared>>)
    %dma_wait3A_41 = arith.constant 0 : i32
    %dma_wait3A_42 = tpu.memref_slice %arg10[%dma_wait3A_41] : memref<100352xf32, #tpu.memory_space<vmem_shared>> -> memref<100352xf32, #tpu.memory_space<vmem_shared>>
    tpu.wait_indirect_dma semaphore(%arg45 : memref<!tpu.dma_semaphore, #tpu.memory_space<semaphore_mem>>) src(%arg38 : memref<2000xf32, #tpu.memory_space<vmem>>) dst(%dma_wait3A_42 : memref<100352xf32, #tpu.memory_space<vmem_shared>>)
    %dma_wait3A_43 = arith.constant 0 : i32
    %dma_wait3A_44 = tpu.memref_slice %arg11[%dma_wait3A_43] : memref<100352xf32, #tpu.memory_space<vmem_shared>> -> memref<100352xf32, #tpu.memory_space<vmem_shared>>
    tpu.wait_indirect_dma semaphore(%arg45 : memref<!tpu.dma_semaphore, #tpu.memory_space<semaphore_mem>>) src(%arg39 : memref<2000xf32, #tpu.memory_space<vmem>>) dst(%dma_wait3A_44 : memref<100352xf32, #tpu.memory_space<vmem_shared>>)
    %dma_wait3A_45 = arith.constant 0 : i32
    %dma_wait3A_46 = tpu.memref_slice %arg12[%dma_wait3A_45] : memref<100352xf32, #tpu.memory_space<vmem_shared>> -> memref<100352xf32, #tpu.memory_space<vmem_shared>>
    tpu.wait_indirect_dma semaphore(%arg45 : memref<!tpu.dma_semaphore, #tpu.memory_space<semaphore_mem>>) src(%arg40 : memref<2000xf32, #tpu.memory_space<vmem>>) dst(%dma_wait3A_46 : memref<100352xf32, #tpu.memory_space<vmem_shared>>)
    %dma_wait3A_47 = arith.constant 0 : i32
    %dma_wait3A_48 = tpu.memref_slice %arg13[%dma_wait3A_47] : memref<100352xf32, #tpu.memory_space<vmem_shared>> -> memref<100352xf32, #tpu.memory_space<vmem_shared>>
    tpu.wait_indirect_dma semaphore(%arg45 : memref<!tpu.dma_semaphore, #tpu.memory_space<semaphore_mem>>) src(%arg41 : memref<2000xf32, #tpu.memory_space<vmem>>) dst(%dma_wait3A_48 : memref<100352xf32, #tpu.memory_space<vmem_shared>>)
    %barrier3A_49 = arith.constant 0 : index
    tpu.barrier barrier_id(%barrier3A_49)
    %run_scoped3A = arith.constant 0 : i32
    "tpu.region"() ({
      %run_scoped3A_54 = tpu.sem_alloc : memref<!tpu.dma_semaphore, #tpu.memory_space<semaphore_mem>>
      %dma_start3A_55 = tpu.memref_slice %arg8[%arg0, %run_scoped3A, %mul3A_2] : memref<2x5x100352xf32, #tpu.memory_space<hbm>> -> memref<1x1x6272xf32, #tpu.memory_space<hbm>>
      %dma_start3A_56 = tpu.memref_squeeze %dma_start3A_55 : memref<1x1x6272xf32, #tpu.memory_space<hbm>> -> memref<6272xf32, #tpu.memory_space<hbm>>
      %dma_start3A_57 = tpu.memref_slice %arg9[%mul3A_2] : memref<100352xf32, #tpu.memory_space<vmem_shared>> -> memref<6272xf32, #tpu.memory_space<vmem_shared>>
      tpu.enqueue_dma source(%dma_start3A_57 : memref<6272xf32, #tpu.memory_space<vmem_shared>>) target(%dma_start3A_56 : memref<6272xf32, #tpu.memory_space<hbm>>) target_semaphore(%run_scoped3A_54 : memref<!tpu.dma_semaphore, #tpu.memory_space<semaphore_mem>>)
      %dma_wait3A_58 = tpu.memref_slice %arg8[%arg0, %run_scoped3A, %mul3A_2] : memref<2x5x100352xf32, #tpu.memory_space<hbm>> -> memref<1x1x6272xf32, #tpu.memory_space<hbm>>
      %dma_wait3A_59 = tpu.memref_squeeze %dma_wait3A_58 : memref<1x1x6272xf32, #tpu.memory_space<hbm>> -> memref<6272xf32, #tpu.memory_space<hbm>>
      %dma_wait3A_60 = tpu.memref_slice %arg9[%mul3A_2] : memref<100352xf32, #tpu.memory_space<vmem_shared>> -> memref<6272xf32, #tpu.memory_space<vmem_shared>>
      tpu.wait_dma2 semaphore(%run_scoped3A_54 : memref<!tpu.dma_semaphore, #tpu.memory_space<semaphore_mem>>) src(%dma_wait3A_60 : memref<6272xf32, #tpu.memory_space<vmem_shared>>) dst(%dma_wait3A_59 : memref<6272xf32, #tpu.memory_space<hbm>>)
      tpu.yield
    }) : () -> ()
    %run_scoped3A_50 = arith.constant 1 : i32
    "tpu.region"() ({
      %run_scoped3A_54 = tpu.sem_alloc : memref<!tpu.dma_semaphore, #tpu.memory_space<semaphore_mem>>
      %dma_start3A_55 = tpu.memref_slice %arg8[%arg0, %run_scoped3A_50, %mul3A_2] : memref<2x5x100352xf32, #tpu.memory_space<hbm>> -> memref<1x1x6272xf32, #tpu.memory_space<hbm>>
      %dma_start3A_56 = tpu.memref_squeeze %dma_start3A_55 : memref<1x1x6272xf32, #tpu.memory_space<hbm>> -> memref<6272xf32, #tpu.memory_space<hbm>>
      %dma_start3A_57 = tpu.memref_slice %arg10[%mul3A_2] : memref<100352xf32, #tpu.memory_space<vmem_shared>> -> memref<6272xf32, #tpu.memory_space<vmem_shared>>
      tpu.enqueue_dma source(%dma_start3A_57 : memref<6272xf32, #tpu.memory_space<vmem_shared>>) target(%dma_start3A_56 : memref<6272xf32, #tpu.memory_space<hbm>>) target_semaphore(%run_scoped3A_54 : memref<!tpu.dma_semaphore, #tpu.memory_space<semaphore_mem>>)
      %dma_wait3A_58 = tpu.memref_slice %arg8[%arg0, %run_scoped3A_50, %mul3A_2] : memref<2x5x100352xf32, #tpu.memory_space<hbm>> -> memref<1x1x6272xf32, #tpu.memory_space<hbm>>
      %dma_wait3A_59 = tpu.memref_squeeze %dma_wait3A_58 : memref<1x1x6272xf32, #tpu.memory_space<hbm>> -> memref<6272xf32, #tpu.memory_space<hbm>>
      %dma_wait3A_60 = tpu.memref_slice %arg10[%mul3A_2] : memref<100352xf32, #tpu.memory_space<vmem_shared>> -> memref<6272xf32, #tpu.memory_space<vmem_shared>>
      tpu.wait_dma2 semaphore(%run_scoped3A_54 : memref<!tpu.dma_semaphore, #tpu.memory_space<semaphore_mem>>) src(%dma_wait3A_60 : memref<6272xf32, #tpu.memory_space<vmem_shared>>) dst(%dma_wait3A_59 : memref<6272xf32, #tpu.memory_space<hbm>>)
      tpu.yield
    }) : () -> ()
    %run_scoped3A_51 = arith.constant 2 : i32
    "tpu.region"() ({
      %run_scoped3A_54 = tpu.sem_alloc : memref<!tpu.dma_semaphore, #tpu.memory_space<semaphore_mem>>
      %dma_start3A_55 = tpu.memref_slice %arg8[%arg0, %run_scoped3A_51, %mul3A_2] : memref<2x5x100352xf32, #tpu.memory_space<hbm>> -> memref<1x1x6272xf32, #tpu.memory_space<hbm>>
      %dma_start3A_56 = tpu.memref_squeeze %dma_start3A_55 : memref<1x1x6272xf32, #tpu.memory_space<hbm>> -> memref<6272xf32, #tpu.memory_space<hbm>>
      %dma_start3A_57 = tpu.memref_slice %arg11[%mul3A_2] : memref<100352xf32, #tpu.memory_space<vmem_shared>> -> memref<6272xf32, #tpu.memory_space<vmem_shared>>
      tpu.enqueue_dma source(%dma_start3A_57 : memref<6272xf32, #tpu.memory_space<vmem_shared>>) target(%dma_start3A_56 : memref<6272xf32, #tpu.memory_space<hbm>>) target_semaphore(%run_scoped3A_54 : memref<!tpu.dma_semaphore, #tpu.memory_space<semaphore_mem>>)
      %dma_wait3A_58 = tpu.memref_slice %arg8[%arg0, %run_scoped3A_51, %mul3A_2] : memref<2x5x100352xf32, #tpu.memory_space<hbm>> -> memref<1x1x6272xf32, #tpu.memory_space<hbm>>
      %dma_wait3A_59 = tpu.memref_squeeze %dma_wait3A_58 : memref<1x1x6272xf32, #tpu.memory_space<hbm>> -> memref<6272xf32, #tpu.memory_space<hbm>>
      %dma_wait3A_60 = tpu.memref_slice %arg11[%mul3A_2] : memref<100352xf32, #tpu.memory_space<vmem_shared>> -> memref<6272xf32, #tpu.memory_space<vmem_shared>>
      tpu.wait_dma2 semaphore(%run_scoped3A_54 : memref<!tpu.dma_semaphore, #tpu.memory_space<semaphore_mem>>) src(%dma_wait3A_60 : memref<6272xf32, #tpu.memory_space<vmem_shared>>) dst(%dma_wait3A_59 : memref<6272xf32, #tpu.memory_space<hbm>>)
      tpu.yield
    }) : () -> ()
    %run_scoped3A_52 = arith.constant 3 : i32
    "tpu.region"() ({
      %run_scoped3A_54 = tpu.sem_alloc : memref<!tpu.dma_semaphore, #tpu.memory_space<semaphore_mem>>
      %dma_start3A_55 = tpu.memref_slice %arg8[%arg0, %run_scoped3A_52, %mul3A_2] : memref<2x5x100352xf32, #tpu.memory_space<hbm>> -> memref<1x1x6272xf32, #tpu.memory_space<hbm>>
      %dma_start3A_56 = tpu.memref_squeeze %dma_start3A_55 : memref<1x1x6272xf32, #tpu.memory_space<hbm>> -> memref<6272xf32, #tpu.memory_space<hbm>>
      %dma_start3A_57 = tpu.memref_slice %arg12[%mul3A_2] : memref<100352xf32, #tpu.memory_space<vmem_shared>> -> memref<6272xf32, #tpu.memory_space<vmem_shared>>
      tpu.enqueue_dma source(%dma_start3A_57 : memref<6272xf32, #tpu.memory_space<vmem_shared>>) target(%dma_start3A_56 : memref<6272xf32, #tpu.memory_space<hbm>>) target_semaphore(%run_scoped3A_54 : memref<!tpu.dma_semaphore, #tpu.memory_space<semaphore_mem>>)
      %dma_wait3A_58 = tpu.memref_slice %arg8[%arg0, %run_scoped3A_52, %mul3A_2] : memref<2x5x100352xf32, #tpu.memory_space<hbm>> -> memref<1x1x6272xf32, #tpu.memory_space<hbm>>
      %dma_wait3A_59 = tpu.memref_squeeze %dma_wait3A_58 : memref<1x1x6272xf32, #tpu.memory_space<hbm>> -> memref<6272xf32, #tpu.memory_space<hbm>>
      %dma_wait3A_60 = tpu.memref_slice %arg12[%mul3A_2] : memref<100352xf32, #tpu.memory_space<vmem_shared>> -> memref<6272xf32, #tpu.memory_space<vmem_shared>>
      tpu.wait_dma2 semaphore(%run_scoped3A_54 : memref<!tpu.dma_semaphore, #tpu.memory_space<semaphore_mem>>) src(%dma_wait3A_60 : memref<6272xf32, #tpu.memory_space<vmem_shared>>) dst(%dma_wait3A_59 : memref<6272xf32, #tpu.memory_space<hbm>>)
      tpu.yield
    }) : () -> ()
    %run_scoped3A_53 = arith.constant 4 : i32
    "tpu.region"() ({
      %run_scoped3A_54 = tpu.sem_alloc : memref<!tpu.dma_semaphore, #tpu.memory_space<semaphore_mem>>
      %dma_start3A_55 = tpu.memref_slice %arg8[%arg0, %run_scoped3A_53, %mul3A_2] : memref<2x5x100352xf32, #tpu.memory_space<hbm>> -> memref<1x1x6272xf32, #tpu.memory_space<hbm>>
      %dma_start3A_56 = tpu.memref_squeeze %dma_start3A_55 : memref<1x1x6272xf32, #tpu.memory_space<hbm>> -> memref<6272xf32, #tpu.memory_space<hbm>>
      %dma_start3A_57 = tpu.memref_slice %arg13[%mul3A_2] : memref<100352xf32, #tpu.memory_space<vmem_shared>> -> memref<6272xf32, #tpu.memory_space<vmem_shared>>
      tpu.enqueue_dma source(%dma_start3A_57 : memref<6272xf32, #tpu.memory_space<vmem_shared>>) target(%dma_start3A_56 : memref<6272xf32, #tpu.memory_space<hbm>>) target_semaphore(%run_scoped3A_54 : memref<!tpu.dma_semaphore, #tpu.memory_space<semaphore_mem>>)
      %dma_wait3A_58 = tpu.memref_slice %arg8[%arg0, %run_scoped3A_53, %mul3A_2] : memref<2x5x100352xf32, #tpu.memory_space<hbm>> -> memref<1x1x6272xf32, #tpu.memory_space<hbm>>
      %dma_wait3A_59 = tpu.memref_squeeze %dma_wait3A_58 : memref<1x1x6272xf32, #tpu.memory_space<hbm>> -> memref<6272xf32, #tpu.memory_space<hbm>>
      %dma_wait3A_60 = tpu.memref_slice %arg13[%mul3A_2] : memref<100352xf32, #tpu.memory_space<vmem_shared>> -> memref<6272xf32, #tpu.memory_space<vmem_shared>>
      tpu.wait_dma2 semaphore(%run_scoped3A_54 : memref<!tpu.dma_semaphore, #tpu.memory_space<semaphore_mem>>) src(%dma_wait3A_60 : memref<6272xf32, #tpu.memory_space<vmem_shared>>) dst(%dma_wait3A_59 : memref<6272xf32, #tpu.memory_space<hbm>>)
      tpu.yield
    }) : () -> ()
    return
  }
}

module attributes {stable_mosaic.version = 14 : i64} {
  func.func @_add_body(%arg0: memref<2x3920x128xf32, #tpu.memory_space<vmem>>, %arg1: memref<3920x128xf32, #tpu.memory_space<vmem>>) attributes {dimension_semantics = [], scalar_prefetch = 0 : i64, scratch_operands = 0 : i64, tpu.core_type = #tpu.core_type<tc>} {
    %get3A = arith.constant 0 : index
    %get3A_0 = arith.constant 0 : index
    %get3A_1 = arith.constant 0 : index
    %get3A_2 = vector.load %arg0[%get3A, %get3A_0, %get3A_1] : memref<2x3920x128xf32, #tpu.memory_space<vmem>>, vector<1x3920x128xf32>
    %get3A_3 = vector.shape_cast %get3A_2 : vector<1x3920x128xf32> to vector<3920x128xf32>
    %get3A_4 = arith.constant 1 : index
    %get3A_5 = arith.constant 0 : index
    %get3A_6 = arith.constant 0 : index
    %get3A_7 = vector.load %arg0[%get3A_4, %get3A_5, %get3A_6] : memref<2x3920x128xf32, #tpu.memory_space<vmem>>, vector<1x3920x128xf32>
    %get3A_8 = vector.shape_cast %get3A_7 : vector<1x3920x128xf32> to vector<3920x128xf32>
    %add3A = arith.addf %get3A_3, %get3A_8 : vector<3920x128xf32>
    %swap3A = arith.constant 0 : index
    %swap3A_9 = arith.constant 0 : index
    %swap3A_10 = vector.load %arg1[%swap3A, %swap3A_9] : memref<3920x128xf32, #tpu.memory_space<vmem>>, vector<3920x128xf32>
    tpu.vector_store %arg1[%swap3A, %swap3A_9], %add3A {strides = array<i32>} : memref<3920x128xf32, #tpu.memory_space<vmem>>, vector<3920x128xf32>,
    return
  }
}

</mosaic_0001>

<sc_bundles>
// kernel: kernel.4.cloned.1.call-start
scs
__scs_entry_jumppad:
0x0: {  	(pc) =	sbr.rel $0x88, $3  }
0x1: {  	(tag) =	ssettag $0x0;
	lr =	simm.s32 $0x1  }
0x2: {  	[smem:$0x3F9F] =	sst lr;
	_ =	strace $0xD0000000  }
0x3: {  	_ = 	snop  }
0x4: {  	_ = 	snop  }
0x5: {  	_ = 	snop  }
0x6: {  	_ = 	snop  }
0x7: {  	_ = 	snop  }
__scs_overlays_trampoline_lowered:
0x8: {  	[smem:$0x3FAE] =	sst s0  }
0x9: {  	[smem:$0x3FAF] =	sst s1  }
0xa: {  	[smem:$0x3FB0] =	sst s2  }
0xb: {  	[smem:$0x3FB1] =	sst s3  }
0xc: {  	[smem:$0x3FB2] =	sst s4  }
0xd: {  	[smem:$0x3FB3] =	sst s5  }
0xe: {  	[smem:$0x3FB4] =	sst s6  }
0xf: {  	[smem:$0x3FB5] =	sst s7  }
0x10: {  	[smem:$0x3FB6] =	sst s8  }
0x11: {  	[smem:$0x3FB7] =	sst s9;
	s0 =	simm.s32 @!p0 $0x0  }
0x12: {  	s1 =	sld [smem:$0x3F9D];
	s0 =	simm.s32 @p0 $0x1  }
0x13: {  	[smem:$0x3FB8] =	sst s0;
	s0 =	simm.s32 @!p1 $0x0  }
0x14: {  	s2 =	sld [smem:$0x3F9C];
	s0 =	simm.s32 @p1 $0x1  }
0x15: {  	[smem:$0x3FB9] =	sst s0;
	s0 =	simm.s32 @!p2 $0x0  }
0x16: {  	s3 =	sld [smem:$0x3FDB];
	s0 =	simm.s32 @p2 $0x1  }
0x17: {  	s4 =	simm.s32 $0x1BF5;
	[smem:$0x3FBB] =	sst s0  }
0x18: {  	s0 =	sld [smem:$0x3F9E];
	_ =	swait.ge [sflag:s4], $0x0  }
0x19: {  	s7 =	sld [smem:$0x3F9F]  }
0x1a: {  	s8 =	sadd.s32 $0xFFFFE003, lr  }
0x1b: {  	s9 =	sadd.s32 $0xFFFFFEF7, lr;
	s5 =	simm.s32 $0xFFFFFFFF;
	p2 =	slt.u32 s8, $0xFFFFF086  }
0x1c: {  	p1 =	slt.u32 s9, $0xF7A;
	s5 =	simm.s32 @!p2 $0x0  }
0x1d: {  	s5 =	simm.s32 @p1 $0x1;
	p0 =	seq.s32 s7, s2  }
0x1e: {  	s7 =	smul.u32 @!p0 $0xF7A, s2;
	p2 =	seq.s32 @!p0 s5, $0x0  }
0x1f: {  	s9 =	smul.u32 $0xF7A, s1;
	s8 =	simm.s32 @!p0 $0x1BF5;
	p2 =	por !p2, p0  }
0x20: {  	[sflag:s8] =	ssyncset.s32 @!p0 $0xFFFFF086;
	s6 =	sadd.s32 @!p0 s3, s7;
	s7 =	simm.s32 @!p0 $0x108  }
0x21: {  	s3 =	sadd.s32 s3, s9;
	s6 =	sadd.s32 @!p0 $0x88, s6;
	s7 =	simm.s32 @p2 $0x1082  }
0x22: {  	[simem:s7], [sflag:s8] =	dma.local @!p0 [hbm:s6], $0xF7A  }
0x23: {  	s9 =	sor.u32 $0xD0000000, s2;
	s6 =	simm.s32 $0x108;
	_ =	swait.ge @!p0 [sflag:s8], $0x0  }
0x24: {  	s3 =	sadd.s32 $0x88, s3;
	s6 =	simm.s32 @!p1 $0x1082;
	[sflag:s4] =	ssyncset.s32 $0xFFFFF086  }
0x25: {  	[simem:s6], [sflag:s4] =	dma.local [hbm:s3], $0xF7A  }
0x26: {  	[smem:$0x3F9F] =	sst s1;
	(tag) =	ssettag s2;
	_ =	strace s9  }
0x27: {  	s1 =	sld [smem:$0x3FAF]  }
0x28: {  	s2 =	sld [smem:$0x3FB0]  }
0x29: {  	s4 =	sld [smem:$0x3FB2]  }
0x2a: {  	p0 =	seq.s32 s5, $0x0;
	s5 =	sld [smem:$0x3FB3]  }
0x2b: {  	s6 =	sld [smem:$0x3FB4]  }
0x2c: {  	s7 =	sld [smem:$0x3FB5]  }
0x2d: {  	s3 =	simm.s32 $0x108;
	s8 =	sld [smem:$0x3FB6]  }
0x2e: {  	s3 =	simm.s32 @!p0 $0x1082;
	s9 =	sld [smem:$0x3FB7]  }
0x2f: {  	lr =	sadd.s32 s0, s3;
	s0 =	sld [smem:$0x3FAE]  }
0x30: {  	s3 =	sld [smem:$0x3FB1]  }
0x31: {  	[smem:$0x3FBA] =	sst s10  }
0x32: {  	s10 =	sld [smem:$0x3FB8];
	_ =	sdelay $0x3  }
0x33: {  	p0 =	seq.s32 s10, $0x1;
	s10 =	sld [smem:$0x3FBA];
	_ =	sdelay $0x3  }
0x34: {  	[smem:$0x3FBA] =	sst s10  }
0x35: {  	s10 =	sld [smem:$0x3FB9];
	_ =	sdelay $0x3  }
0x36: {  	p1 =	seq.s32 s10, $0x1;
	s10 =	sld [smem:$0x3FBA];
	_ =	sdelay $0x3  }
0x37: {  	[smem:$0x3FBA] =	sst s10  }
0x38: {  	s10 =	sld [smem:$0x3FBB]  }
0x39: {  	_ = 	snop;
	(pc) =	sbr.ind lr, $3  }
0x3a: {  	_ = 	snop  }
0x3b: {  	_ = 	snop  }
0x3c: {  	p2 =	seq.s32 s10, $0x1;
	s10 =	sld [smem:$0x3FBA]  }
0x3d: {  	_ =	shalt  }
0x3e: {  	_ =	shalt  }
0x3f: {  	_ =	shalt  }
0x40: {  	_ =	shalt  }
0x41: {  	_ =	shalt  }
0x42: {  	_ =	shalt  }
0x43: {  	_ =	shalt  }
0x44: {  	_ =	shalt  }
0x45: {  	_ =	shalt  }
0x46: {  	_ =	shalt  }
0x47: {  	_ =	shalt  }
0x48: {  	_ =	shalt  }
0x49: {  	_ =	shalt  }
0x4a: {  	_ =	shalt  }
0x4b: {  	_ =	shalt  }
0x4c: {  	_ =	shalt  }
0x4d: {  	_ =	shalt  }
0x4e: {  	_ =	shalt  }
0x4f: {  	_ =	shalt  }
0x50: {  	_ =	shalt  }
0x51: {  	_ =	shalt  }
0x52: {  	_ =	shalt  }
0x53: {  	_ =	shalt  }
0x54: {  	_ =	shalt  }
0x55: {  	_ =	shalt  }
0x56: {  	_ =	shalt  }
0x57: {  	_ =	shalt  }
0x58: {  	_ =	shalt  }
0x59: {  	_ =	shalt  }
0x5a: {  	_ =	shalt  }
0x5b: {  	_ =	shalt  }
0x5c: {  	_ =	shalt  }
0x5d: {  	_ =	shalt  }
0x5e: {  	_ =	shalt  }
0x5f: {  	_ =	shalt  }
0x60: {  	_ =	shalt  }
0x61: {  	_ =	shalt  }
0x62: {  	_ =	shalt  }
0x63: {  	_ =	shalt  }
0x64: {  	_ =	shalt  }
0x65: {  	_ =	shalt  }
0x66: {  	_ =	shalt  }
0x67: {  	_ =	shalt  }
0x68: {  	_ =	shalt  }
0x69: {  	_ =	shalt  }
0x6a: {  	_ =	shalt  }
0x6b: {  	_ =	shalt  }
0x6c: {  	_ =	shalt  }
0x6d: {  	_ =	shalt  }
0x6e: {  	_ =	shalt  }
0x6f: {  	_ =	shalt  }
0x70: {  	_ =	shalt  }
0x71: {  	_ =	shalt  }
0x72: {  	_ =	shalt  }
0x73: {  	_ =	shalt  }
0x74: {  	_ =	shalt  }
0x75: {  	_ =	shalt  }
0x76: {  	_ =	shalt  }
0x77: {  	_ =	shalt  }
0x78: {  	_ =	shalt  }
0x79: {  	_ =	shalt  }
0x7a: {  	_ =	shalt  }
0x7b: {  	_ =	shalt  }
0x7c: {  	_ =	shalt  }
0x7d: {  	_ =	shalt  }
0x7e: {  	_ =	shalt  }
0x7f: {  	_ =	shalt  }
0x80: {  	_ =	shalt  }
0x81: {  	_ =	shalt  }
0x82: {  	_ =	shalt  }
0x83: {  	_ =	shalt  }
0x84: {  	_ =	shalt  }
0x85: {  	_ =	shalt  }
0x86: {  	_ =	shalt  }
0x87: {  	_ =	shalt  }
.Lfunc_end0:
.L_simem_size_0:
called_computation_lowered:
.L_overlay_start_0:
0x88: {  	s2 =	sld [smem:$0x3FD9]  }
0x89: {  	s3 =	sld [smem:$0x3FFE];
	_ =	sdelay $0x1  }
0x8a: {  	s1 =	srdreg.scid  }
0x8b: {  	s0 =	sand.u32 $0x1, s1  }
0x8c: {  	s17 =	sshll.u32 s0, $0xA;
	s2 =	sadd.s32 s3, s2  }
0x8d: {  	s2 =	sadd.s32 s2, s17  }
0x8e: {  	[smem:$0x3FC6] =	sst s2  }
0x8f: {  	_ = 	snop  }
0x90: {  	s2 =	sld [smem:$0x3FD0];
	(tm) =	ssettm $0x1  }
0x91: {  	s18 =	sld [smem:$0x3FFB];
	_ =	sdelay $0x3  }
0x92: {  	_ =	strace s18  }
0x93: {  	s3 =	sld [smem:$0x3FFC];
	_ =	sdelay $0x3  }
0x94: {  	_ =	strace s3  }
0x95: {  	s3 =	sld [smem:$0x3FFD];
	_ =	sdelay $0x3  }
0x96: {  	_ =	strace s3  }
0x97: {  	_ =	strace $0x8FFFFFFF  }
0x98: {  	s19 =	sld [smem:$0x3FDB];
	_ =	sdelay $0x1  }
0x99: {  	s4 =	simm.s32 $_scs_section_size  }
0x9a: {  	s5 =	simm.s32 $_size__tile_overlayer_lowered;
	s6 =	simm.s32 $_tile_overlayer_lowered  }
0x9b: {  	s22 =	simm.s32 $0x1BFF;
	s21 =	sshll.u32 s6, $0x1;
	s3 =	sadd.s32 s4, s19  }
0x9c: {  	s7 =	simm.s32 $0x0;
	s20 =	sshll.u32 s5, $0x1;
	s5 =	sadd.s32 s21, s3  }
0x9d: {  	[timem:s7], [sflag:s22] =	dma.local [hbm:s5], s20  }
0x9e: {  	_ =	swait.ge [sflag:s22], s20  }
0x9f: {  	s4 =	ssub.s32 $0x0, s20;
	[sflag:s22] =	ssyncset.done $0x0  }
0xa0: {  	[sflag:s22] =	ssyncadd.s32 s4;
	_ =	sdelay $0x1  }
0xa1: {  	s23 =	simm.s32 $0x1B8B  }
0xa2: {  	_ =	swait.ge [sflag:s23], $0x1  }
0xa3: {  	[sflag:s23] =	ssyncset.done $0x0  }
0xa4: {  	s25 =	simm.s32 $0x1B8E;
	s24 =	sld [smem:$0x3FFE];
	[sflag:s23] =	ssyncadd.s32 $0xFFFFFFFF  }
0xa5: {  	s26 =	simm.s32 $execute0_lowered;
	[smem:$0x3FD2] =	sst s25  }
0xa6: {  	s5 =	sshll.u32 s26, $0x1;
	_ =	strace $0x80000046;
	[dreg:$0x1] =	wrdreg $0xFFFFFFFF  }
0xa7: {  	s28 =	simm.s32 $_size_execute0_lowered;
	s3 =	sadd.s32 s3, s5;
	[dreg:$0x0] =	wrdreg $0x0  }
0xa8: {  	s5 =	sshll.u32 s28, $0x1;
	[dreg:$0x2] =	wrdreg s3  }
0xa9: {  	[dreg:$0x3] =	wrdreg s5  }
0xaa: {  	[dreg:$0x4] =	wrdreg $0xC0  }
0xab: {  	_ =	task [dreg:s7], $0x5FFFF  }
0xac: {  	[dreg:$0x1] =	wrdreg $0xFFFFFFFF  }
0xad: {  	[dreg:$0x0] =	wrdreg $0x60  }
0xae: {  	[dreg:$0x2] =	wrdreg s24  }
0xaf: {  	[dreg:$0x3] =	wrdreg s2  }
0xb0: {  	[dreg:$0x4] =	wrdreg $0x0  }
0xb1: {  	[dreg:$0x5] =	wrdreg $0x18800  }
0xb2: {  	[dreg:$0x6] =	wrdreg $0x31000  }
0xb3: {  	[dreg:$0x7] =	wrdreg $0x49800  }
0xb4: {  	[dreg:$0x8] =	wrdreg $0x62000  }
0xb5: {  	[dreg:$0x9] =	wrdreg $0x9  }
0xb6: {  	_ =	task.clear_ibuf [dreg:s7], $0xAFFFF;
	_ =	strace $0x90000046  }
0xb7: {  	s29 =	simm.s32 $0x9;
	_ =	strace $0x80000048  }
0xb8: {  	_ =	swait.ge [sflag:s29], $0x1  }
0xb9: {  	[sflag:s29] =	ssyncadd.s32 $0xFFFFFFFF  }
0xba: {  	_ =	strace $0x90000048  }
0xbb: {  	_ =	sfence  }
0xbc: {  	s30 =	sld [smem:$0x0];
	_ =	sdelay $0x2  }
0xbd: {  	s31 =	sshll.u32 s1, $0xD;
	s1 =	sshrl.u32 s1, $0x2  }
0xbe: {  	s3 =	sand.u32 $0x4000, s31;
	s1 =	sadd.s32 s1, s30  }
0xbf: {  	s0 =	sor.u32 s3, s0;
	s1 =	sshll.u32 s1, $0x11  }
0xc0: {  	s0 =	sor.u32 s1, s0  }
0xc1: {  	s0 =	sadd.s32 $0x8F2B, s0  }
0xc2: {  	[sflag:s0] =	ssyncadd.remote.s32 $0x1  }
0xc3: {  	_ =	sfence.sel $0xFFFF  }
0xc4: {  	[dreg:$0x0] =	wrdreg $0xFFFFFFFF;
	(pc) =	sbr.abs _section_cstart, $3  }
0xc5: {  	[dreg:$0x1] =	wrdreg $0xFFFFFFFF  }
0xc6: {  	_ =	task.clear_ibuf [dreg:s7], $0x2FFFF;
	_ =	strace $0x9FFFFFFF  }
0xc7: {  	(tm) =	ssettm $0x7FFFFFFF  }
tec
execute0_lowered:
.L_overlay_start_1:
0x0: {  	(tag) =	ssettag $0x1  }
0x1: {  	s0 =	rddreg [dreg:$0x0]  }
0x2: {  	s2 =	rddreg [dreg:$0x1]  }
0x3: {  	s3 =	rddreg [dreg:$0x2]  }
0x4: {  	s4 =	rddreg [dreg:$0x3]  }
0x5: {  	s5 =	rddreg [dreg:$0x4]  }
0x6: {  	s7 =	rddreg [dreg:$0x5]  }
0x7: {  	s8 =	rddreg [dreg:$0x6]  }
0x8: {  	s1 =	srdreg.scid;
	s14 =	stileid.u32;
	s9 =	simm.s32 $0x0  }
0x9: {  	s31 =	simm.s32 $0x1;
	s28 =	simm.s32 $0x99C0;
	s29 =	simm.s32 $0x3  }
0xa: {  	s1 =	sand.u32 $0x1, s1;
	s6 =	smul.u32 $0x1880, s14;
	[smem:$0x7FF] =	sst s9  }
0xb: {  	s20 =	sshll.u32 s14, $0x6;
	s18 =	smul.u32 $0x7A800, s1;
	_ =	strace $0x80000047  }
0xc: {  	s12 =	ssub.s32 $0x2, s1;
	s1 =	sshll.u32 s1, $0x4;
	s19 =	sadd.s32 s6, s3  }
0xd: {  	s13 =	sshrl.u32 s12, $0x1;
	s21 =	sadd.s32 s6, s4;
	[dreg:$0x8] =	wrdreg s19  }
0xe: {  	s1 =	sor.u32 s14, s1;
	s22 =	sadd.s32 s6, s5;
	[dreg:$0xa] =	wrdreg s21  }
0xf: {  	s23 =	sadd.s32 s6, s7;
	s9 =	sadd.s32 s6, s18;
	[dreg:$0xb] =	wrdreg s22  }
0x10: {  	s1 =	smul.u32 $0x30D40, s1;
	[dreg:$0xc] =	wrdreg s23;
	s6 =	sadd.s32 s6, s8  }
0x11: {  	s12 =	ssub.s32 s12, s13;
	s13 =	sor.u32 $0x1C07, s20;
	[dreg:$0xd] =	wrdreg s6  }
0x12: {  	s30 =	simm.s32 $0x4;
	[dreg:$0x9] =	wrdreg s13;
	s15 =	sadd.s32 $0xFA0, s1  }
0x13: {  	s10 =	sadd.s32 $0xC9A00, s0;
	s16 =	sadd.s32 $0x1770, s1;
	[dreg:$0x10] =	wrdreg s15  }
0x14: {  	s11 =	sadd.s32 $0x6400, s0;
	s17 =	sadd.s32 $0x1F40, s1;
	[dreg:$0x11] =	wrdreg s16  }
0x15: {  	s24 =	sshrl.u32 s1, $0x3;
	s1 =	sadd.s32 $0x2710, s1;
	[dreg:$0x12] =	wrdreg s17  }
0x16: {  	s9 =	sshrl.u32 s9, $0x3;
	s25 =	sadd.s32 s10, s24;
	[dreg:$0x13] =	wrdreg s1  }
0x17: {  	s9 =	sadd.s32 s9, s0;
	s26 =	sadd.s32 s11, s24;
	[dreg:$0xe] =	wrdreg s25  }
0x18: {  	s14 =	simm.s32 $0x0;
	s19 =	sadd.s32 $0x18D400, s9;
	[dreg:$0xf] =	wrdreg s26  }
0x19: {  	s6 =	sadd.s32 $0xFA, s24;
	s21 =	sadd.s32 $0x190500, s9;
	[dreg:$0x15] =	wrdreg s19  }
0x1a: {  	s22 =	sadd.s32 $0x193600, s9;
	s23 =	sadd.s32 $0x196700, s9;
	[dreg:$0x17] =	wrdreg s21  }
0x1b: {  	s24 =	sadd.s32 $0x199800, s9;
	s15 =	simm.s32 $0x7A80;
	[dreg:$0x18] =	wrdreg s22  }
0x1c: {  	s16 =	simm.s32 $0x8A20;
	s17 =	simm.s32 $0x8250;
	[dreg:$0x19] =	wrdreg s23  }
0x1d: {  	s1 =	simm.s32 $0x6;
	s18 =	sadd.s32 s10, s6;
	[dreg:$0x1a] =	wrdreg s24  }
0x1e: {  	s9 =	simm.s32 $0xA190;
	s20 =	sadd.s32 s11, s6;
	[dreg:$0x14] =	wrdreg s18  }
0x1f: {  	s25 =	smax.u32 s12, $0x1;
	s6 =	sadd.s32 $0x3200, s0;
	[dreg:$0x16] =	wrdreg s20  }
0x20: {  	s26 =	sadd.s32 $0x18D000, s0;
	s19 =	simm.s32 $0x7D0;
	[dreg:$0x1b] =	wrdreg s25  }
0x21: {  	s22 =	simm.s32 $0x2;
	s23 =	simm.s32 $0x5;
	[dreg:$0x1c] =	wrdreg s26  }
0x22: {  	s20 =	simm.s32 $0x7;
	s18 =	simm.s32 $0x91F0;
	s26 =	simm.s32 $0x14D70  }
.LBB2_1:
0x23: {  	[dreg:$0x1d] =	wrdreg s14  }
0x24: {  	s12 =	rddreg [dreg:$0x8]  }
0x25: {  	s14 =	rddreg [dreg:$0x1c];
	s12 =	sshrl.u32 s12, $0x3  }
0x26: {  	[dreg:$0x1e] =	wrdreg s12  }
0x27: {  	[spmem:s12], [sflag:s13] =	dma.local [hbm:s14], $0x310  }
0x28: {  	_ =	swait.ge [sflag:s20], $0x310  }
0x29: {  	s25 =	rddreg [dreg:$0xa]  }
0x2a: {  	[sflag:s20] =	ssyncset.done $0x0;
	s12 =	sshrl.u32 s25, $0x3  }
0x2b: {  	[sflag:s20] =	ssyncadd.s32 $0xFFFFFCF0;
	[dreg:$0x1f] =	wrdreg s12  }
0x2c: {  	[spmem:s12], [sflag:s13] =	dma.local [hbm:s14], $0x310  }
0x2d: {  	_ =	swait.ge [sflag:s20], $0x310  }
0x2e: {  	s21 =	rddreg [dreg:$0xb]  }
0x2f: {  	[sflag:s20] =	ssyncset.done $0x0;
	s12 =	sshrl.u32 s21, $0x3  }
0x30: {  	[sflag:s20] =	ssyncadd.s32 $0xFFFFFCF0;
	[smem:$0x7FB] =	sst s12  }
0x31: {  	[spmem:s12], [sflag:s13] =	dma.local [hbm:s14], $0x310  }
0x32: {  	_ =	swait.ge [sflag:s20], $0x310  }
0x33: {  	s24 =	rddreg [dreg:$0xc]  }
0x34: {  	[sflag:s20] =	ssyncset.done $0x0;
	s12 =	sshrl.u32 s24, $0x3  }
0x35: {  	[sflag:s20] =	ssyncadd.s32 $0xFFFFFCF0;
	[smem:$0x7FC] =	sst s12  }
0x36: {  	[spmem:s12], [sflag:s13] =	dma.local [hbm:s14], $0x310  }
0x37: {  	_ =	swait.ge [sflag:s20], $0x310  }
0x38: {  	s25 =	rddreg [dreg:$0xd]  }
0x39: {  	[sflag:s20] =	ssyncset.done $0x0;
	s12 =	sshrl.u32 s25, $0x3  }
0x3a: {  	[sflag:s20] =	ssyncadd.s32 $0xFFFFFCF0;
	[smem:$0x7FD] =	sst s12  }
0x3b: {  	[spmem:s12], [sflag:s13] =	dma.local [hbm:s14], $0x310  }
0x3c: {  	_ =	swait.ge [sflag:s20], $0x310  }
0x3d: {  	[sflag:s20] =	ssyncset.done $0x0  }
0x3e: {  	[sflag:s20] =	ssyncadd.s32 $0xFFFFFCF0  }
0x3f: {  	[bflag:$0x0] =	sbarrier.arrive $0xFFFF  }
0x40: {  	s12 =	simm.s32 $0x0;
	s14 =	rddreg [dreg:$0xe]  }
0x41: {  	[tilespmem:s15], [sflag:$0x7] =	stream.linear.gather [hbm4b:s14+s12], $0x7D0, $0x38;
	[tilespmem:$0x15540] =	vst v63  }
0x42: {  	_ =	swait.ge [sflag:s20], $0x7D0  }
0x43: {  	[sflag:s20] =	ssyncset.done $0x0  }
0x44: {  	s21 =	rddreg [dreg:$0xf];
	[sflag:s20] =	ssyncadd.s32 $0xFFFFF830  }
0x45: {  	[tilespmem:s16], [sflag:$0x7] =	stream.linear.gather [hbm4b:s21+s12], $0x7D0, $0x38;
	[tilespmem:$0x15540] =	vst v63  }
0x46: {  	_ =	swait.ge [sflag:s20], $0x7D0  }
0x47: {  	[sflag:s20] =	ssyncset.done $0x0  }
0x48: {  	s24 =	rddreg [dreg:$0x14];
	[sflag:s20] =	ssyncadd.s32 $0xFFFFF830  }
0x49: {  	[tilespmem:s17], [sflag:$0x6] =	stream.linear.gather [hbm4b:s24+s12], $0x7D0, $0x38;
	[tilespmem:$0x15540] =	vst v63  }
0x4a: {  	s25 =	rddreg [dreg:$0x16]  }
0x4b: {  	[tilespmem:s18], [sflag:$0x6] =	stream.linear.gather [hbm4b:s25+s12], $0x7D0, $0x38;
	[tilespmem:$0x15540] =	vst v63  }
0x4c: {  	s13 =	simm.s32 $0xA960  }
0x4d: {  	[tilespmem:s13], [sflag:$0x1] =	stream.indirect.gather [hbm4b:s6+s19], $0x1, s15, s19, $0xb8;
	[tilespmem:$0x15540] =	vst v63  }
0x4e: {  	s14 =	simm.s32 $0xB130  }
0x4f: {  	[tilespmem:s14], [sflag:$0x1] =	stream.indirect.gather [hbm4b:s0+s19], $0x1, s15, s19, $0xb8;
	[tilespmem:$0x15540] =	vst v63  }
0x50: {  	s20 =	simm.s32 $0xB900  }
0x51: {  	[tilespmem:s20], [sflag:$0x1] =	stream.indirect.gather [hbm4b:s2+s19], $0x1, s15, s19, $0xb8;
	[tilespmem:$0x15540] =	vst v63  }
0x52: {  	s21 =	simm.s32 $0xC0D0  }
0x53: {  	[tilespmem:s21], [sflag:$0x1] =	stream.indirect.gather [hbm4b:s6+s19], $0x1, s16, s19, $0xb8;
	[tilespmem:$0x15540] =	vst v63  }
0x54: {  	s24 =	simm.s32 $0xC8A0  }
0x55: {  	[tilespmem:s24], [sflag:$0x1] =	stream.indirect.gather [hbm4b:s0+s19], $0x1, s16, s19, $0xb8;
	[tilespmem:$0x15540] =	vst v63  }
0x56: {  	s25 =	simm.s32 $0xD070;
	s14 =	simm.s32 $0x0  }
0x57: {  	[tilespmem:s25], [sflag:$0x1] =	stream.indirect.gather [hbm4b:s2+s19], $0x1, s16, s19, $0xb8;
	[tilespmem:$0x15540] =	vst v63  }
.LBB2_2:
0x58: {  	_ =	swait.ge [sflag:s31], $0x7D0  }
0x59: {  	[sflag:s31] =	ssyncset.done $0x0  }
0x5a: {  	[sflag:s31] =	ssyncadd.s32 $0xFFFFF830  }
0x5b: {  	_ =	swait.ge [sflag:s31], $0x7D0  }
0x5c: {  	[sflag:s31] =	ssyncset.done $0x0  }
0x5d: {  	[sflag:s31] =	ssyncadd.s32 $0xFFFFF830  }
0x5e: {  	_ =	swait.ge [sflag:s31], $0x7D0  }
0x5f: {  	[sflag:s31] =	ssyncset.done $0x0  }
0x60: {  	[sflag:s31] =	ssyncadd.s32 $0xFFFFF830  }
0x61: {  	_ =	swait.ge [sflag:s31], $0x7D0  }
0x62: {  	[sflag:s31] =	ssyncset.done $0x0  }
0x63: {  	[sflag:s31] =	ssyncadd.s32 $0xFFFFF830  }
0x64: {  	_ =	swait.ge [sflag:s31], $0x7D0  }
0x65: {  	[sflag:s31] =	ssyncset.done $0x0  }
0x66: {  	[sflag:s31] =	ssyncadd.s32 $0xFFFFF830  }
0x67: {  	_ =	swait.ge [sflag:s31], $0x7D0  }
0x68: {  	p0 =	seq.s32 s14, $0x0;
	[sflag:s31] =	ssyncset.done $0x0  }
0x69: {  	s12 =	simm.s32 @!p0 $0x3;
	[sflag:s31] =	ssyncadd.s32 $0xFFFFF830  }
0x6a: {  	_ =	swait.ge @!p0 [sflag:s12], $0x7D0  }
0x6b: {  	[sflag:s12] =	ssyncset.done @!p0 $0x0  }
0x6c: {  	[sflag:s12] =	ssyncadd.s32 @!p0 $0xFFFFF830  }
0x6d: {  	_ =	swait.ge @!p0 [sflag:s12], $0x7D0  }
0x6e: {  	[sflag:s12] =	ssyncset.done @!p0 $0x0  }
0x6f: {  	[sflag:s12] =	ssyncadd.s32 @!p0 $0xFFFFF830  }
0x70: {  	_ =	swait.ge @!p0 [sflag:s12], $0x7D0  }
0x71: {  	[sflag:s12] =	ssyncset.done @!p0 $0x0  }
0x72: {  	[sflag:s12] =	ssyncadd.s32 @!p0 $0xFFFFF830  }
0x73: {  	_ =	swait.ge @!p0 [sflag:s12], $0x7D0  }
0x74: {  	[sflag:s12] =	ssyncset.done @!p0 $0x0  }
0x75: {  	[sflag:s12] =	ssyncadd.s32 @!p0 $0xFFFFF830  }
0x76: {  	_ =	swait.ge @!p0 [sflag:s12], $0x7D0  }
0x77: {  	[sflag:s12] =	ssyncset.done @!p0 $0x0  }
0x78: {  	[sflag:s12] =	ssyncadd.s32 @!p0 $0xFFFFF830  }
0x79: {  	_ =	swait.ge [sflag:s1], $0x7D0  }
0x7a: {  	[sflag:s1] =	ssyncset.done $0x0  }
0x7b: {  	[sflag:s1] =	ssyncadd.s32 $0xFFFFF830  }
0x7c: {  	_ =	swait.ge [sflag:s1], $0x7D0  }
0x7d: {  	[sflag:s1] =	ssyncset.done $0x0  }
0x7e: {  	s24 =	simm.s32 $0xD840;
	[sflag:s1] =	ssyncadd.s32 $0xFFFFF830  }
0x7f: {  	[tilespmem:s24], [sflag:$0x2] =	stream.indirect.gather [hbm4b:s6+s19], $0x1, s17, s19, $0xb8;
	[tilespmem:$0x15540] =	vst v63  }
0x80: {  	s25 =	simm.s32 $0xE010  }
0x81: {  	[tilespmem:s25], [sflag:$0x2] =	stream.indirect.gather [hbm4b:s0+s19], $0x1, s17, s19, $0xb8;
	[tilespmem:$0x15540] =	vst v63  }
0x82: {  	s13 =	simm.s32 $0xE7E0  }
0x83: {  	[tilespmem:s13], [sflag:$0x2] =	stream.indirect.gather [hbm4b:s2+s19], $0x1, s17, s19, $0xb8;
	[tilespmem:$0x15540] =	vst v63  }
0x84: {  	s20 =	simm.s32 $0xEFB0  }
0x85: {  	[tilespmem:s20], [sflag:$0x2] =	stream.indirect.gather [hbm4b:s6+s19], $0x1, s18, s19, $0xb8;
	[tilespmem:$0x15540] =	vst v63  }
0x86: {  	s21 =	simm.s32 $0xF780;
	s25 =	rddreg [dreg:$0x10];
	s20 =	smul.u32 $0x1F40, s14  }
0x87: {  	[tilespmem:s21], [sflag:$0x2] =	stream.indirect.gather [hbm4b:s0+s19], $0x1, s18, s19, $0xb8;
	[tilespmem:$0x15540] =	vst v63  }
0x88: {  	s12 =	sadd.s32 s20, s25  }
0x89: {  	s24 =	simm.s32 $0xFF50;
	s12 =	sshrl.u32 s12, $0x3  }
0x8a: {  	[tilespmem:s24], [sflag:$0x2] =	stream.indirect.gather [hbm4b:s2+s19], $0x1, s18, s19, $0xb8;
	[tilespmem:$0x15540] =	vst v63  }
0x8b: {  	s21 =	simm.s32 $0x0;
	s13 =	sadd.s32 s10, s12  }
0x8c: {  	[tilespmem:s15], [sflag:$0x5] =	stream.linear.gather [hbm4b:s13+s21], $0x7D0, $0x38;
	[tilespmem:$0x15540] =	vst v63  }
0x8d: {  	s12 =	sadd.s32 s11, s12  }
0x8e: {  	[tilespmem:s28], [sflag:$0x5] =	stream.linear.gather [hbm4b:s12+s21], $0x7D0, $0x38;
	[tilespmem:$0x15540] =	vst v63  }
0x8f: {  	s21 =	simm.s32 $0x0  }
0x90: {  	v0 =	vld [tilespmem:s21+$0xA960]  }
0x91: {  	v1 =	vld [tilespmem:s21+$0xC0D0]  }
0x92: {  	v2 =	vld [tilespmem:s21+$0xB130]  }
0x93: {  	v3 =	vld [tilespmem:s21+$0xC8A0]  }
0x94: {  	v4 =	vld [tilespmem:s21+$0xB900]  }
0x95: {  	v5 =	vld [tilespmem:s21+$0xD070];
	_ =	sdelay $0x2  }
0x96: {  	v0 =	vsub.f32 v0, v1;
	v1 =	vsub.f32 v2, v3;
	_ =	sdelay $0x1  }
0x97: {  	v2 =	vsub.f32 v4, v5;
	v0 =	vmul.f32 v0, v0;
	v1 =	vmul.f32 v1, v1;
	_ =	sdelay $0x1  }
0x98: {  	v0 =	vadd.f32 v1, v0;
	v1 =	vmul.f32 v2, v2;
	_ =	sdelay $0x1  }
0x99: {  	v1 =	vadd.f32 v1, v0;
	_ =	sdelay $0x1  }
0x9a: {  	v0 =	vshra.s32 v1, $0x1;
	v2 =	vmul.f32 $5.000000000e-01, v1  }
0x9b: {  	v0 =	vsub.s32 $0x5F3759DF, v0  }
0x9c: {  	s12 =	simm.s32 $0x10;
	v3 =	vmul.f32 v0, v2  }
0x9d: {  	v6 =	vld [tilespmem:s12+$0xB130]  }
0x9e: {  	v7 =	vld [tilespmem:s12+$0xC8A0];
	v3 =	vmul.f32 v0, v3  }
0x9f: {  	v4 =	vld [tilespmem:s12+$0xA960]  }
0xa0: {  	v5 =	vld [tilespmem:s12+$0xC0D0];
	v3 =	vsub.f32 $1.500000000e+00, v3  }
0xa1: {  	v8 =	vld [tilespmem:s12+$0xB900]  }
0xa2: {  	v9 =	vld [tilespmem:s12+$0xD070];
	v0 =	vmul.f32 v0, v3;
	_ =	sdelay $0x1  }
0xa3: {  	v3 =	vmul.f32 v0, v2  }
0xa4: {  	v4 =	vsub.f32 v4, v5;
	v5 =	vsub.f32 v6, v7  }
0xa5: {  	v3 =	vmul.f32 v3, v0  }
0xa6: {  	v6 =	vsub.f32 v8, v9;
	v4 =	vmul.f32 v4, v4;
	v5 =	vmul.f32 v5, v5  }
0xa7: {  	v3 =	vsub.f32 $1.500000000e+00, v3  }
0xa8: {  	v4 =	vadd.f32 v5, v4;
	v5 =	vmul.f32 v6, v6  }
0xa9: {  	v3 =	vmul.f32 v3, v0  }
0xaa: {  	v0 =	vadd.f32 v5, v4  }
0xab: {  	v2 =	vmul.f32 v3, v2  }
0xac: {  	v4 =	vshra.s32 v0, $0x1;
	v5 =	vmul.f32 $5.000000000e-01, v0  }
0xad: {  	s13 =	simm.s32 $0x20;
	v4 =	vsub.s32 $0x5F3759DF, v4;
	v2 =	vmul.f32 v2, v3  }
0xae: {  	v7 =	vld [tilespmem:s13+$0xA960];
	v6 =	vmul.f32 v4, v5  }
0xaf: {  	v8 =	vld [tilespmem:s13+$0xC0D0];
	v2 =	vsub.f32 $1.500000000e+00, v2  }
0xb0: {  	v6 =	vmul.f32 v4, v6  }
0xb1: {  	v9 =	vld [tilespmem:s13+$0xB130];
	v2 =	vmul.f32 v2, v3  }
0xb2: {  	v3 =	vld [tilespmem:s13+$0xC8A0];
	v6 =	vsub.f32 $1.500000000e+00, v6  }
0xb3: {  	v10 =	vld [tilespmem:s13+$0xB900];
	v1 =	vmul.f32 v2, v1  }
0xb4: {  	v7 =	vsub.f32 v7, v8;
	v2 =	vld [tilespmem:s13+$0xD070];
	v4 =	vmul.f32 v4, v6  }
0xb5: {  	v11 =	vsub.f32 $4.900000100e+00, v1  }
0xb6: {  	v7 =	vmul.f32 v7, v7;
	v8 =	vmul.f32 v4, v5  }
0xb7: {  	v6 =	vsub.f32 $5.000000000e-01, v1;
	v3 =	vsub.f32 v9, v3;
	v11 =	vmul.f32 v11, v11  }
0xb8: {  	v12 =	vsub.f32 $1.600000020e+00, v1;
	v9 =	vsub.f32 $2.700000050e+00, v1;
	v8 =	vmul.f32 v8, v4  }
0xb9: {  	v2 =	vsub.f32 v10, v2;
	v3 =	vmul.f32 v3, v3;
	v10 =	vmul.f32 $-6.944444180e-01, v11  }
0xba: {  	v6 =	vmul.f32 v6, v6;
	v8 =	vsub.f32 $1.500000000e+00, v8;
	v11 =	vmul.f32 v12, v12  }
0xbb: {  	v3 =	vadd.f32 v3, v7;
	v2 =	vmul.f32 v2, v2;
	v7 =	vmul.f32 $1.442695020e+00, v10  }
0xbc: {  	v1 =	vsub.f32 $3.799999950e+00, v1;
	v6 =	vmul.f32 $-6.944444180e-01, v6;
	v13 =	vmul.f32 v8, v4  }
0xbd: {  	v4 =	vmul.f32 v9, v9;
	v2 =	vadd.f32 v2, v3;
	(erf) = vpow2.f32 v7  }
0xbe: {  	v8 =	vmul.f32 v1, v1;
	v5 =	vmul.f32 v13, v5  }
0xbf: {  	v7 =	vmul.f32 $-6.944444180e-01, v11;
	v3 =	vshra.s32 v2, $0x1;
	v1 =	vmul.f32 $5.000000000e-01, v2  }
0xc0: {  	v4 =	vmul.f32 $-6.944444180e-01, v4;
	v3 =	vsub.s32 $0x5F3759DF, v3;
	v9 =	vmul.f32 v5, v13  }
0xc1: {  	s24 =	simm.s32 $0x30;
	v14 =	vmul.f32 $-6.944444180e-01, v8;
	v10 =	vmul.f32 v3, v1  }
0xc2: {  	v8 =	vld [tilespmem:s24+$0xC0D0];
	v7 =	vmul.f32 $1.442695020e+00, v7;
	v4 =	vmul.f32 $1.442695020e+00, v4;
	v11 =	vsub.f32 $1.500000000e+00, v9  }
0xc3: {  	v5 =	vld [tilespmem:s24+$0xA960];
	v9 =	vmul.f32 $1.442695020e+00, v6;
	v12 =	vmul.f32 v3, v10  }
0xc4: {  	s25 =	simm.s32 $0x100;
	v6 =	vmul.f32 $1.442695020e+00, v14;
	v10 =	vld [tilespmem:s24+$0xB130];
	v11 =	vmul.f32 v11, v13  }
.LBB2_3:
0xc5: {  	p1 =	sne.s32 s25, $0x1F00;
	v13 =	vld [tilespmem:s24+$0xC8A0];
	v12 =	vsub.f32 $1.500000000e+00, v12;
	(erf) = vpow2.f32 v9  }
0xc6: {  	v9 =	vld [tilespmem:s24+$0xB900];
	v11 =	vmul.f32 v11, v0;
	(erf) = vpow2.f32 v7;
	v7 =	vpop (erf);
	v0 =	vmov v2  }
0xc7: {  	v2 =	vld [tilespmem:s24+$0xD070];
	v3 =	vmul.f32 v3, v12;
	[tilespmem:s21+$0x12660] =	vst v7;
	(erf) = vpow2.f32 v4  }
0xc8: {  	v4 =	vsub.f32 $5.000000000e-01, v11;
	v7 =	vsub.f32 $4.900000100e+00, v11;
	(erf) = vpow2.f32 v6  }
0xc9: {  	v5 =	vsub.f32 v5, v8;
	v8 =	vsub.f32 $1.600000020e+00, v11;
	v6 =	vmul.f32 v3, v1  }
0xca: {  	v12 =	vsub.f32 $2.700000050e+00, v11;
	v10 =	vsub.f32 v10, v13;
	v7 =	vmul.f32 v7, v7  }
0xcb: {  	v11 =	vsub.f32 $3.799999950e+00, v11;
	v5 =	vmul.f32 v5, v5;
	v6 =	vmul.f32 v6, v3  }
0xcc: {  	v2 =	vsub.f32 v9, v2;
	v10 =	vmul.f32 v10, v10;
	v7 =	vmul.f32 $-6.944444180e-01, v7  }
0xcd: {  	v4 =	vmul.f32 v4, v4;
	v8 =	vmul.f32 v8, v8;
	v6 =	vsub.f32 $1.500000000e+00, v6  }
0xce: {  	v5 =	vadd.f32 v10, v5;
	v2 =	vmul.f32 v2, v2;
	v7 =	vmul.f32 $1.442695020e+00, v7;
	v9 =	vpop (erf)  }
0xcf: {  	v10 =	vmul.f32 v12, v12;
	v6 =	vmul.f32 v6, v3;
	[tilespmem:s21+$0x10720] =	vst v9;
	v3 =	vpop (erf)  }
0xd0: {  	v2 =	vadd.f32 v2, v5;
	v5 =	vmul.f32 v11, v11;
	(erf) = vpow2.f32 v7;
	[tilespmem:s21+$0x10EF0] =	vst v3;
	v3 =	vpop (erf)  }
0xd1: {  	v4 =	vmul.f32 $-6.944444180e-01, v4;
	v7 =	vmul.f32 v6, v1;
	[tilespmem:s21+$0x116C0] =	vst v3;
	v3 =	vpop (erf)  }
0xd2: {  	v8 =	vmul.f32 $-6.944444180e-01, v8;
	v9 =	vshra.s32 v2, $0x1;
	v1 =	vmul.f32 $5.000000000e-01, v2;
	[tilespmem:s21+$0x11E90] =	vst v3;
	s21 =	smov.u32 s12;
	s12 =	smov.u32 s13;
	s13 =	smov.u32 s24  }
.Ltmp0:
0xd3: {  	v10 =	vmul.f32 $-6.944444180e-01, v10;
	v3 =	vsub.s32 $0x5F3759DF, v9;
	v7 =	vmul.f32 v7, v6;
	(pc) =	sbr.rel @p1 .LBB2_3-.Ltmp0, $4  }
0xd4: {  	s24 =	sshra.s32 s25, $0x2;
	v13 =	vmul.f32 $-6.944444180e-01, v5;
	v11 =	vmul.f32 v3, v1  }
0xd5: {  	v9 =	vmul.f32 $1.442695020e+00, v4;
	v5 =	vld [tilespmem:s24+$0xA960];
	v14 =	vsub.f32 $1.500000000e+00, v7;
	v7 =	vmul.f32 $1.442695020e+00, v8  }
0xd6: {  	v4 =	vmul.f32 $1.442695020e+00, v10;
	v8 =	vld [tilespmem:s24+$0xC0D0];
	v12 =	vmul.f32 v3, v11  }
0xd7: {  	s25 =	sadd.s32 $0x40, s25;
	v10 =	vld [tilespmem:s24+$0xB130];
	v11 =	vmul.f32 v14, v6;
	v6 =	vmul.f32 $1.442695020e+00, v13  }
0xd8: {  	v13 =	vld [tilespmem:s24+$0xC8A0]  }
0xd9: {  	v14 =	vld [tilespmem:s24+$0xB900]  }
0xda: {  	v15 =	vld [tilespmem:s24+$0xD070];
	_ =	sdelay $0x2  }
0xdb: {  	v5 =	vsub.f32 v5, v8;
	v8 =	vsub.f32 v10, v13  }
0xdc: {  	v10 =	vsub.f32 $1.500000000e+00, v12  }
0xdd: {  	v5 =	vmul.f32 v5, v5;
	v12 =	vsub.f32 v14, v15;
	v8 =	vmul.f32 v8, v8;
	_ =	sdelay $0x1  }
0xde: {  	v3 =	vmul.f32 v3, v10;
	v5 =	vadd.f32 v8, v5;
	v8 =	vmul.f32 v12, v12;
	_ =	sdelay $0x1  }
0xdf: {  	v10 =	vmul.f32 v3, v1;
	v5 =	vadd.f32 v8, v5  }
0xe0: {  	(erf) = vpow2.f32 v9;
	v0 =	vmul.f32 v11, v0  }
0xe1: {  	v8 =	vmul.f32 v10, v3;
	v9 =	vshra.s32 v5, $0x1;
	v10 =	vmul.f32 $5.000000000e-01, v5  }
0xe2: {  	(erf) = vpow2.f32 v7;
	v7 =	vsub.f32 $4.900000100e+00, v0;
	v9 =	vsub.s32 $0x5F3759DF, v9  }
0xe3: {  	(erf) = vpow2.f32 v4;
	v4 =	vsub.f32 $1.500000000e+00, v8;
	v8 =	vmul.f32 v9, v10  }
0xe4: {  	(erf) = vpow2.f32 v6;
	v6 =	vmul.f32 v7, v7  }
0xe5: {  	v3 =	vmul.f32 v4, v3;
	v4 =	vmul.f32 v9, v8  }
0xe6: {  	v7 =	vsub.f32 $1.600000020e+00, v0;
	v6 =	vmul.f32 $-6.944444180e-01, v6  }
0xe7: {  	v1 =	vmul.f32 v3, v1;
	v4 =	vsub.f32 $1.500000000e+00, v4  }
0xe8: {  	v11 =	vsub.f32 $5.000000000e-01, v0;
	v7 =	vmul.f32 v7, v7;
	v6 =	vmul.f32 $1.442695020e+00, v6  }
0xe9: {  	v1 =	vmul.f32 v1, v3;
	v4 =	vmul.f32 v9, v4  }
0xea: {  	v11 =	vmul.f32 v11, v11;
	v7 =	vmul.f32 $-6.944444180e-01, v7  }
0xeb: {  	(erf) = vpow2.f32 v6;
	v1 =	vsub.f32 $1.500000000e+00, v1;
	v9 =	vmul.f32 v4, v10  }
0xec: {  	v6 =	vmul.f32 $-6.944444180e-01, v11;
	v7 =	vmul.f32 $1.442695020e+00, v7;
	v8 =	vsub.f32 $2.700000050e+00, v0  }
0xed: {  	v1 =	vmul.f32 v1, v3;
	v3 =	vmul.f32 v9, v4  }
0xee: {  	v6 =	vmul.f32 $1.442695020e+00, v6;
	v8 =	vmul.f32 v8, v8  }
0xef: {  	v0 =	vsub.f32 $3.799999950e+00, v0;
	v1 =	vmul.f32 v1, v2;
	v2 =	vsub.f32 $1.500000000e+00, v3  }
0xf0: {  	(erf) = vpow2.f32 v6;
	v8 =	vmul.f32 $-6.944444180e-01, v8  }
0xf1: {  	v0 =	vmul.f32 v0, v0;
	v2 =	vmul.f32 v2, v4  }
0xf2: {  	(erf) = vpow2.f32 v7;
	v3 =	vmul.f32 $1.442695020e+00, v8;
	v6 =	vsub.f32 $4.900000100e+00, v1  }
0xf3: {  	v0 =	vmul.f32 $-6.944444180e-01, v0;
	v4 =	vmul.f32 v2, v10  }
0xf4: {  	v7 =	vsub.f32 $2.700000050e+00, v1;
	(erf) = vpow2.f32 v3;
	v3 =	vmul.f32 v6, v6  }
0xf5: {  	v0 =	vmul.f32 $1.442695020e+00, v0;
	v4 =	vmul.f32 v4, v2  }
0xf6: {  	v6 =	vsub.f32 $5.000000000e-01, v1;
	v7 =	vmul.f32 v7, v7;
	v3 =	vmul.f32 $-6.944444180e-01, v3  }
0xf7: {  	(erf) = vpow2.f32 v0;
	v0 =	vsub.f32 $1.600000020e+00, v1;
	v4 =	vsub.f32 $1.500000000e+00, v4  }
0xf8: {  	v6 =	vmul.f32 v6, v6;
	v3 =	vmul.f32 $1.442695020e+00, v3  }
0xf9: {  	v1 =	vsub.f32 $3.799999950e+00, v1;
	v0 =	vmul.f32 v0, v0;
	v2 =	vmul.f32 v4, v2  }
0xfa: {  	(erf) = vpow2.f32 v3;
	v3 =	vmul.f32 $-6.944444180e-01, v6  }
0xfb: {  	v1 =	vmul.f32 v1, v1;
	v2 =	vmul.f32 v2, v5  }
0xfc: {  	v0 =	vmul.f32 $-6.944444180e-01, v0;
	v3 =	vmul.f32 $1.442695020e+00, v3  }
0xfd: {  	v4 =	vmul.f32 $-6.944444180e-01, v7;
	v5 =	vsub.f32 $4.900000100e+00, v2  }
0xfe: {  	v1 =	vmul.f32 $-6.944444180e-01, v1;
	v0 =	vmul.f32 $1.442695020e+00, v0  }
0xff: {  	v6 =	vpop (erf);
	v4 =	vmul.f32 $1.442695020e+00, v4;
	(erf) = vpow2.f32 v3  }
0x100: {  	v3 =	vpop (erf);
	(erf) = vpow2.f32 v0;
	v0 =	vmul.f32 v5, v5  }
0x101: {  	v1 =	vmul.f32 $1.442695020e+00, v1;
	v5 =	vpop (erf);
	(erf) = vpow2.f32 v4;
	v4 =	vsub.f32 $5.000000000e-01, v2  }
0x102: {  	v7 =	vsub.f32 $1.600000020e+00, v2;
	v0 =	vmul.f32 $-6.944444180e-01, v0  }
0x103: {  	(erf) = vpow2.f32 v1;
	v1 =	vsub.f32 $2.700000050e+00, v2;
	v4 =	vmul.f32 v4, v4  }
0x104: {  	[tilespmem:s21+$0x12660] =	vst v6;
	v6 =	vmul.f32 v7, v7;
	v0 =	vmul.f32 $1.442695020e+00, v0  }
0x105: {  	[tilespmem:s21+$0x10720] =	vst v3;
	v2 =	vsub.f32 $3.799999950e+00, v2;
	v3 =	vpop (erf);
	v1 =	vmul.f32 v1, v1;
	v4 =	vmul.f32 $-6.944444180e-01, v4  }
0x106: {  	[tilespmem:s21+$0x116C0] =	vst v3;
	v3 =	vpop (erf);
	(erf) = vpow2.f32 v0;
	v0 =	vmul.f32 $-6.944444180e-01, v6  }
0x107: {  	v2 =	vmul.f32 v2, v2;
	[tilespmem:s21+$0x11E90] =	vst v3;
	v3 =	vmul.f32 $1.442695020e+00, v4  }
0x108: {  	[tilespmem:s21+$0x10EF0] =	vst v5;
	v5 =	vpop (erf);
	v1 =	vmul.f32 $-6.944444180e-01, v1;
	v0 =	vmul.f32 $1.442695020e+00, v0  }
0x109: {  	[tilespmem:s12+$0x12660] =	vst v5;
	v2 =	vmul.f32 $-6.944444180e-01, v2;
	v4 =	vpop (erf)  }
0x10a: {  	v1 =	vmul.f32 $1.442695020e+00, v1;
	(erf) = vpow2.f32 v3;
	[tilespmem:s12+$0x10720] =	vst v4;
	v4 =	vpop (erf)  }
0x10b: {  	v2 =	vmul.f32 $1.442695020e+00, v2;
	(erf) = vpow2.f32 v0;
	[tilespmem:s12+$0x10EF0] =	vst v4;
	v3 =	vpop (erf)  }
0x10c: {  	(erf) = vpow2.f32 v1;
	[tilespmem:s12+$0x116C0] =	vst v3;
	v0 =	vpop (erf)  }
0x10d: {  	(erf) = vpow2.f32 v2;
	[tilespmem:s12+$0x11E90] =	vst v0;
	v0 =	vpop (erf)  }
0x10e: {  	v1 =	vpop (erf);
	[tilespmem:s13+$0x12660] =	vst v0  }
0x10f: {  	v0 =	vpop (erf);
	[tilespmem:s13+$0x10720] =	vst v1  }
0x110: {  	v1 =	vpop (erf);
	[tilespmem:s13+$0x10EF0] =	vst v0  }
0x111: {  	v0 =	vpop (erf);
	[tilespmem:s13+$0x116C0] =	vst v1  }
0x112: {  	v1 =	vpop (erf);
	[tilespmem:s13+$0x11E90] =	vst v0  }
0x113: {  	[tilespmem:s24+$0x12660] =	vst v1;
	v0 =	vpop (erf)  }
0x114: {  	[tilespmem:s24+$0x10720] =	vst v0;
	v0 =	vpop (erf)  }
0x115: {  	[tilespmem:s24+$0x10EF0] =	vst v0;
	v0 =	vpop (erf)  }
0x116: {  	[tilespmem:s24+$0x116C0] =	vst v0;
	v0 =	vpop (erf)  }
0x117: {  	[tilespmem:s24+$0x11E90] =	vst v0;
	s24 =	simm.s32 $0x10720  }
0x118: {  	[spmem:s3] =	stream.indirect.scatter.add.f32 [tilespmem:s24], [sflag:$0x3], $0x1, s16, s19, $0xb8;
	[tilespmem:$0x15540] =	vst v63  }
0x119: {  	s25 =	simm.s32 $0x10EF0  }
0x11a: {  	[spmem:s4] =	stream.indirect.scatter.add.f32 [tilespmem:s25], [sflag:$0x3], $0x1, s16, s19, $0xb8;
	[tilespmem:$0x15540] =	vst v63  }
0x11b: {  	s13 =	simm.s32 $0x116C0  }
0x11c: {  	[spmem:s5] =	stream.indirect.scatter.add.f32 [tilespmem:s13], [sflag:$0x3], $0x1, s16, s19, $0xb8;
	[tilespmem:$0x15540] =	vst v63  }
0x11d: {  	s21 =	simm.s32 $0x11E90  }
0x11e: {  	[spmem:s7] =	stream.indirect.scatter.add.f32 [tilespmem:s21], [sflag:$0x3], $0x1, s16, s19, $0xb8;
	[tilespmem:$0x15540] =	vst v63  }
0x11f: {  	s24 =	simm.s32 $0x12660  }
0x120: {  	[spmem:s8] =	stream.indirect.scatter.add.f32 [tilespmem:s24], [sflag:$0x3], $0x1, s16, s19, $0xb8;
	[tilespmem:$0x15540] =	vst v63  }
0x121: {  	_ =	swait.ge [sflag:s22], $0x7D0  }
0x122: {  	[sflag:s22] =	ssyncset.done $0x0  }
0x123: {  	[sflag:s22] =	ssyncadd.s32 $0xFFFFF830  }
0x124: {  	_ =	swait.ge [sflag:s22], $0x7D0  }
0x125: {  	[sflag:s22] =	ssyncset.done $0x0  }
0x126: {  	[sflag:s22] =	ssyncadd.s32 $0xFFFFF830  }
0x127: {  	_ =	swait.ge [sflag:s22], $0x7D0  }
0x128: {  	[sflag:s22] =	ssyncset.done $0x0  }
0x129: {  	[sflag:s22] =	ssyncadd.s32 $0xFFFFF830  }
0x12a: {  	_ =	swait.ge [sflag:s22], $0x7D0  }
0x12b: {  	[sflag:s22] =	ssyncset.done $0x0  }
0x12c: {  	[sflag:s22] =	ssyncadd.s32 $0xFFFFF830  }
0x12d: {  	_ =	swait.ge [sflag:s22], $0x7D0  }
0x12e: {  	[sflag:s22] =	ssyncset.done $0x0  }
0x12f: {  	[sflag:s22] =	ssyncadd.s32 $0xFFFFF830  }
0x130: {  	_ =	swait.ge [sflag:s22], $0x7D0  }
0x131: {  	[sflag:s22] =	ssyncset.done $0x0  }
0x132: {  	s12 =	simm.s32 @!p0 $0x4;
	[sflag:s22] =	ssyncadd.s32 $0xFFFFF830  }
0x133: {  	_ =	swait.ge @!p0 [sflag:s12], $0x7D0  }
0x134: {  	[sflag:s12] =	ssyncset.done @!p0 $0x0  }
0x135: {  	[sflag:s12] =	ssyncadd.s32 @!p0 $0xFFFFF830  }
0x136: {  	_ =	swait.ge @!p0 [sflag:s12], $0x7D0  }
0x137: {  	[sflag:s12] =	ssyncset.done @!p0 $0x0  }
0x138: {  	[sflag:s12] =	ssyncadd.s32 @!p0 $0xFFFFF830  }
0x139: {  	_ =	swait.ge @!p0 [sflag:s12], $0x7D0  }
0x13a: {  	[sflag:s12] =	ssyncset.done @!p0 $0x0  }
0x13b: {  	[sflag:s12] =	ssyncadd.s32 @!p0 $0xFFFFF830  }
0x13c: {  	_ =	swait.ge @!p0 [sflag:s12], $0x7D0  }
0x13d: {  	[sflag:s12] =	ssyncset.done @!p0 $0x0  }
0x13e: {  	[sflag:s12] =	ssyncadd.s32 @!p0 $0xFFFFF830  }
0x13f: {  	_ =	swait.ge @!p0 [sflag:s12], $0x7D0  }
0x140: {  	[sflag:s12] =	ssyncset.done @!p0 $0x0  }
0x141: {  	[sflag:s12] =	ssyncadd.s32 @!p0 $0xFFFFF830  }
0x142: {  	_ =	swait.ge [sflag:s23], $0x7D0  }
0x143: {  	[sflag:s23] =	ssyncset.done $0x0  }
0x144: {  	[sflag:s23] =	ssyncadd.s32 $0xFFFFF830  }
0x145: {  	_ =	swait.ge [sflag:s23], $0x7D0  }
0x146: {  	[sflag:s23] =	ssyncset.done $0x0  }
0x147: {  	s25 =	simm.s32 $0xA960;
	[sflag:s23] =	ssyncadd.s32 $0xFFFFF830  }
0x148: {  	[tilespmem:s25], [sflag:$0x1] =	stream.indirect.gather [hbm4b:s6+s19], $0x1, s15, s19, $0xb8;
	[tilespmem:$0x15540] =	vst v63  }
0x149: {  	s13 =	simm.s32 $0xB130  }
0x14a: {  	[tilespmem:s13], [sflag:$0x1] =	stream.indirect.gather [hbm4b:s0+s19], $0x1, s15, s19, $0xb8;
	[tilespmem:$0x15540] =	vst v63  }
0x14b: {  	s21 =	simm.s32 $0xB900  }
0x14c: {  	[tilespmem:s21], [sflag:$0x1] =	stream.indirect.gather [hbm4b:s2+s19], $0x1, s15, s19, $0xb8;
	[tilespmem:$0x15540] =	vst v63  }
0x14d: {  	s24 =	simm.s32 $0xC0D0;
	s21 =	rddreg [dreg:$0x11]  }
0x14e: {  	[tilespmem:s24], [sflag:$0x1] =	stream.indirect.gather [hbm4b:s6+s19], $0x1, s28, s19, $0xb8;
	[tilespmem:$0x15540] =	vst v63  }
0x14f: {  	s25 =	simm.s32 $0xC8A0;
	s12 =	sadd.s32 s20, s21  }
0x150: {  	[tilespmem:s25], [sflag:$0x1] =	stream.indirect.gather [hbm4b:s0+s19], $0x1, s28, s19, $0xb8;
	[tilespmem:$0x15540] =	vst v63  }
0x151: {  	s13 =	simm.s32 $0xD070;
	s12 =	sshrl.u32 s12, $0x3  }
0x152: {  	[tilespmem:s13], [sflag:$0x1] =	stream.indirect.gather [hbm4b:s2+s19], $0x1, s28, s19, $0xb8;
	[tilespmem:$0x15540] =	vst v63  }
0x153: {  	s24 =	sadd.s32 s10, s12;
	s25 =	simm.s32 $0x0  }
0x154: {  	[tilespmem:s17], [sflag:$0x6] =	stream.linear.gather [hbm4b:s24+s25], $0x7D0, $0x38;
	[tilespmem:$0x15540] =	vst v63  }
0x155: {  	s12 =	sadd.s32 s11, s12  }
0x156: {  	[tilespmem:s9], [sflag:$0x6] =	stream.linear.gather [hbm4b:s12+s25], $0x7D0, $0x38;
	[tilespmem:$0x15540] =	vst v63  }
0x157: {  	s12 =	simm.s32 $0x0  }
0x158: {  	v0 =	vld [tilespmem:s12+$0xD840]  }
0x159: {  	v1 =	vld [tilespmem:s12+$0xEFB0]  }
0x15a: {  	v2 =	vld [tilespmem:s12+$0xE010]  }
0x15b: {  	v3 =	vld [tilespmem:s12+$0xF780]  }
0x15c: {  	v4 =	vld [tilespmem:s12+$0xE7E0]  }
0x15d: {  	v5 =	vld [tilespmem:s12+$0xFF50];
	_ =	sdelay $0x2  }
0x15e: {  	v0 =	vsub.f32 v0, v1;
	v1 =	vsub.f32 v2, v3;
	_ =	sdelay $0x1  }
0x15f: {  	v2 =	vsub.f32 v4, v5;
	v0 =	vmul.f32 v0, v0;
	v1 =	vmul.f32 v1, v1;
	_ =	sdelay $0x1  }
0x160: {  	v0 =	vadd.f32 v1, v0;
	v1 =	vmul.f32 v2, v2;
	_ =	sdelay $0x1  }
0x161: {  	v1 =	vadd.f32 v1, v0;
	_ =	sdelay $0x1  }
0x162: {  	v0 =	vshra.s32 v1, $0x1;
	v2 =	vmul.f32 $5.000000000e-01, v1  }
0x163: {  	v0 =	vsub.s32 $0x5F3759DF, v0  }
0x164: {  	s21 =	simm.s32 $0x10;
	v3 =	vmul.f32 v0, v2  }
0x165: {  	v6 =	vld [tilespmem:s21+$0xE010]  }
0x166: {  	v7 =	vld [tilespmem:s21+$0xF780];
	v3 =	vmul.f32 v0, v3  }
0x167: {  	v4 =	vld [tilespmem:s21+$0xD840]  }
0x168: {  	v5 =	vld [tilespmem:s21+$0xEFB0];
	v3 =	vsub.f32 $1.500000000e+00, v3  }
0x169: {  	v8 =	vld [tilespmem:s21+$0xE7E0]  }
0x16a: {  	v9 =	vld [tilespmem:s21+$0xFF50];
	v0 =	vmul.f32 v0, v3;
	_ =	sdelay $0x1  }
0x16b: {  	v3 =	vmul.f32 v0, v2  }
0x16c: {  	v4 =	vsub.f32 v4, v5;
	v5 =	vsub.f32 v6, v7  }
0x16d: {  	v3 =	vmul.f32 v3, v0  }
0x16e: {  	v6 =	vsub.f32 v8, v9;
	v4 =	vmul.f32 v4, v4;
	v5 =	vmul.f32 v5, v5  }
0x16f: {  	v3 =	vsub.f32 $1.500000000e+00, v3  }
0x170: {  	v4 =	vadd.f32 v5, v4;
	v5 =	vmul.f32 v6, v6  }
0x171: {  	v3 =	vmul.f32 v3, v0  }
0x172: {  	v0 =	vadd.f32 v5, v4  }
0x173: {  	v2 =	vmul.f32 v3, v2  }
0x174: {  	v4 =	vshra.s32 v0, $0x1;
	v5 =	vmul.f32 $5.000000000e-01, v0  }
0x175: {  	s13 =	simm.s32 $0x20;
	v4 =	vsub.s32 $0x5F3759DF, v4;
	v2 =	vmul.f32 v2, v3  }
0x176: {  	v7 =	vld [tilespmem:s13+$0xD840];
	v6 =	vmul.f32 v4, v5  }
0x177: {  	v8 =	vld [tilespmem:s13+$0xEFB0];
	v2 =	vsub.f32 $1.500000000e+00, v2  }
0x178: {  	v6 =	vmul.f32 v4, v6  }
0x179: {  	v9 =	vld [tilespmem:s13+$0xE010];
	v2 =	vmul.f32 v2, v3  }
0x17a: {  	v3 =	vld [tilespmem:s13+$0xF780];
	v6 =	vsub.f32 $1.500000000e+00, v6  }
0x17b: {  	v10 =	vld [tilespmem:s13+$0xE7E0];
	v1 =	vmul.f32 v2, v1  }
0x17c: {  	v7 =	vsub.f32 v7, v8;
	v2 =	vld [tilespmem:s13+$0xFF50];
	v4 =	vmul.f32 v4, v6  }
0x17d: {  	v11 =	vsub.f32 $4.900000100e+00, v1  }
0x17e: {  	v7 =	vmul.f32 v7, v7;
	v8 =	vmul.f32 v4, v5  }
0x17f: {  	v6 =	vsub.f32 $5.000000000e-01, v1;
	v3 =	vsub.f32 v9, v3;
	v11 =	vmul.f32 v11, v11  }
0x180: {  	v12 =	vsub.f32 $1.600000020e+00, v1;
	v9 =	vsub.f32 $2.700000050e+00, v1;
	v8 =	vmul.f32 v8, v4  }
0x181: {  	v2 =	vsub.f32 v10, v2;
	v3 =	vmul.f32 v3, v3;
	v10 =	vmul.f32 $-6.944444180e-01, v11  }
0x182: {  	v6 =	vmul.f32 v6, v6;
	v8 =	vsub.f32 $1.500000000e+00, v8;
	v11 =	vmul.f32 v12, v12  }
0x183: {  	v3 =	vadd.f32 v3, v7;
	v2 =	vmul.f32 v2, v2;
	v7 =	vmul.f32 $1.442695020e+00, v10  }
0x184: {  	v1 =	vsub.f32 $3.799999950e+00, v1;
	v6 =	vmul.f32 $-6.944444180e-01, v6;
	v13 =	vmul.f32 v8, v4  }
0x185: {  	v4 =	vmul.f32 v9, v9;
	v2 =	vadd.f32 v2, v3;
	(erf) = vpow2.f32 v7  }
0x186: {  	v8 =	vmul.f32 v1, v1;
	v5 =	vmul.f32 v13, v5  }
0x187: {  	v7 =	vmul.f32 $-6.944444180e-01, v11;
	v3 =	vshra.s32 v2, $0x1;
	v1 =	vmul.f32 $5.000000000e-01, v2  }
0x188: {  	v4 =	vmul.f32 $-6.944444180e-01, v4;
	v3 =	vsub.s32 $0x5F3759DF, v3;
	v9 =	vmul.f32 v5, v13  }
0x189: {  	s24 =	simm.s32 $0x30;
	v14 =	vmul.f32 $-6.944444180e-01, v8;
	v10 =	vmul.f32 v3, v1  }
0x18a: {  	v8 =	vld [tilespmem:s24+$0xEFB0];
	v7 =	vmul.f32 $1.442695020e+00, v7;
	v4 =	vmul.f32 $1.442695020e+00, v4;
	v11 =	vsub.f32 $1.500000000e+00, v9  }
0x18b: {  	v5 =	vld [tilespmem:s24+$0xD840];
	v9 =	vmul.f32 $1.442695020e+00, v6;
	v12 =	vmul.f32 v3, v10  }
0x18c: {  	s25 =	simm.s32 $0x100;
	v6 =	vmul.f32 $1.442695020e+00, v14;
	v10 =	vld [tilespmem:s24+$0xE010];
	v11 =	vmul.f32 v11, v13  }
.LBB2_5:
0x18d: {  	p0 =	sne.s32 s25, $0x1F00;
	v13 =	vld [tilespmem:s24+$0xF780];
	v12 =	vsub.f32 $1.500000000e+00, v12;
	(erf) = vpow2.f32 v9  }
0x18e: {  	v9 =	vld [tilespmem:s24+$0xE7E0];
	v11 =	vmul.f32 v11, v0;
	(erf) = vpow2.f32 v7;
	v7 =	vpop (erf);
	v0 =	vmov v2  }
0x18f: {  	v2 =	vld [tilespmem:s24+$0xFF50];
	v3 =	vmul.f32 v3, v12;
	[tilespmem:s12+$0x14D70] =	vst v7;
	(erf) = vpow2.f32 v4  }
0x190: {  	v4 =	vsub.f32 $5.000000000e-01, v11;
	v7 =	vsub.f32 $4.900000100e+00, v11;
	(erf) = vpow2.f32 v6  }
0x191: {  	v5 =	vsub.f32 v5, v8;
	v8 =	vsub.f32 $1.600000020e+00, v11;
	v6 =	vmul.f32 v3, v1  }
0x192: {  	v12 =	vsub.f32 $2.700000050e+00, v11;
	v10 =	vsub.f32 v10, v13;
	v7 =	vmul.f32 v7, v7  }
0x193: {  	v11 =	vsub.f32 $3.799999950e+00, v11;
	v5 =	vmul.f32 v5, v5;
	v6 =	vmul.f32 v6, v3  }
0x194: {  	v2 =	vsub.f32 v9, v2;
	v10 =	vmul.f32 v10, v10;
	v7 =	vmul.f32 $-6.944444180e-01, v7  }
0x195: {  	v4 =	vmul.f32 v4, v4;
	v8 =	vmul.f32 v8, v8;
	v6 =	vsub.f32 $1.500000000e+00, v6  }
0x196: {  	v5 =	vadd.f32 v10, v5;
	v2 =	vmul.f32 v2, v2;
	v7 =	vmul.f32 $1.442695020e+00, v7;
	v9 =	vpop (erf)  }
0x197: {  	v10 =	vmul.f32 v12, v12;
	v6 =	vmul.f32 v6, v3;
	[tilespmem:s12+$0x12E30] =	vst v9;
	v3 =	vpop (erf)  }
0x198: {  	v2 =	vadd.f32 v2, v5;
	v5 =	vmul.f32 v11, v11;
	(erf) = vpow2.f32 v7;
	[tilespmem:s12+$0x13600] =	vst v3;
	v3 =	vpop (erf)  }
0x199: {  	v4 =	vmul.f32 $-6.944444180e-01, v4;
	v7 =	vmul.f32 v6, v1;
	[tilespmem:s12+$0x13DD0] =	vst v3;
	v3 =	vpop (erf)  }
0x19a: {  	v8 =	vmul.f32 $-6.944444180e-01, v8;
	v9 =	vshra.s32 v2, $0x1;
	v1 =	vmul.f32 $5.000000000e-01, v2;
	[tilespmem:s12+$0x145A0] =	vst v3;
	s12 =	smov.u32 s21;
	s21 =	smov.u32 s13;
	s13 =	smov.u32 s24  }
.Ltmp1:
0x19b: {  	v10 =	vmul.f32 $-6.944444180e-01, v10;
	v3 =	vsub.s32 $0x5F3759DF, v9;
	v7 =	vmul.f32 v7, v6;
	(pc) =	sbr.rel @p0 .LBB2_5-.Ltmp1, $4  }
0x19c: {  	s24 =	sshra.s32 s25, $0x2;
	v13 =	vmul.f32 $-6.944444180e-01, v5;
	v11 =	vmul.f32 v3, v1  }
0x19d: {  	v9 =	vmul.f32 $1.442695020e+00, v4;
	v5 =	vld [tilespmem:s24+$0xD840];
	v14 =	vsub.f32 $1.500000000e+00, v7;
	v7 =	vmul.f32 $1.442695020e+00, v8  }
0x19e: {  	v4 =	vmul.f32 $1.442695020e+00, v10;
	v8 =	vld [tilespmem:s24+$0xEFB0];
	v12 =	vmul.f32 v3, v11  }
0x19f: {  	s25 =	sadd.s32 $0x40, s25;
	v10 =	vld [tilespmem:s24+$0xE010];
	v11 =	vmul.f32 v14, v6;
	v6 =	vmul.f32 $1.442695020e+00, v13  }
0x1a0: {  	v13 =	vld [tilespmem:s24+$0xF780]  }
0x1a1: {  	v14 =	vld [tilespmem:s24+$0xE7E0]  }
0x1a2: {  	v15 =	vld [tilespmem:s24+$0xFF50];
	_ =	sdelay $0x2  }
0x1a3: {  	v5 =	vsub.f32 v5, v8;
	v8 =	vsub.f32 v10, v13  }
0x1a4: {  	v10 =	vsub.f32 $1.500000000e+00, v12  }
0x1a5: {  	v5 =	vmul.f32 v5, v5;
	v12 =	vsub.f32 v14, v15;
	v8 =	vmul.f32 v8, v8;
	_ =	sdelay $0x1  }
0x1a6: {  	v3 =	vmul.f32 v3, v10;
	v5 =	vadd.f32 v8, v5;
	v8 =	vmul.f32 v12, v12;
	_ =	sdelay $0x1  }
0x1a7: {  	v10 =	vmul.f32 v3, v1;
	v5 =	vadd.f32 v8, v5  }
0x1a8: {  	(erf) = vpow2.f32 v9;
	v0 =	vmul.f32 v11, v0  }
0x1a9: {  	v8 =	vmul.f32 v10, v3;
	v9 =	vshra.s32 v5, $0x1;
	v10 =	vmul.f32 $5.000000000e-01, v5  }
0x1aa: {  	(erf) = vpow2.f32 v7;
	v7 =	vsub.f32 $4.900000100e+00, v0;
	v9 =	vsub.s32 $0x5F3759DF, v9  }
0x1ab: {  	(erf) = vpow2.f32 v4;
	v4 =	vsub.f32 $1.500000000e+00, v8;
	v8 =	vmul.f32 v9, v10  }
0x1ac: {  	(erf) = vpow2.f32 v6;
	v6 =	vmul.f32 v7, v7  }
0x1ad: {  	v3 =	vmul.f32 v4, v3;
	v4 =	vmul.f32 v9, v8  }
0x1ae: {  	v7 =	vsub.f32 $1.600000020e+00, v0;
	v6 =	vmul.f32 $-6.944444180e-01, v6  }
0x1af: {  	v1 =	vmul.f32 v3, v1;
	v4 =	vsub.f32 $1.500000000e+00, v4  }
0x1b0: {  	v11 =	vsub.f32 $5.000000000e-01, v0;
	v7 =	vmul.f32 v7, v7;
	v6 =	vmul.f32 $1.442695020e+00, v6  }
0x1b1: {  	v1 =	vmul.f32 v1, v3;
	v4 =	vmul.f32 v9, v4  }
0x1b2: {  	v11 =	vmul.f32 v11, v11;
	v7 =	vmul.f32 $-6.944444180e-01, v7  }
0x1b3: {  	(erf) = vpow2.f32 v6;
	v1 =	vsub.f32 $1.500000000e+00, v1;
	v9 =	vmul.f32 v4, v10  }
0x1b4: {  	v6 =	vmul.f32 $-6.944444180e-01, v11;
	v7 =	vmul.f32 $1.442695020e+00, v7;
	v8 =	vsub.f32 $2.700000050e+00, v0  }
0x1b5: {  	v1 =	vmul.f32 v1, v3;
	v3 =	vmul.f32 v9, v4  }
0x1b6: {  	v6 =	vmul.f32 $1.442695020e+00, v6;
	v8 =	vmul.f32 v8, v8  }
0x1b7: {  	v0 =	vsub.f32 $3.799999950e+00, v0;
	v1 =	vmul.f32 v1, v2;
	v2 =	vsub.f32 $1.500000000e+00, v3  }
0x1b8: {  	(erf) = vpow2.f32 v6;
	v8 =	vmul.f32 $-6.944444180e-01, v8  }
0x1b9: {  	v0 =	vmul.f32 v0, v0;
	v2 =	vmul.f32 v2, v4  }
0x1ba: {  	(erf) = vpow2.f32 v7;
	v3 =	vmul.f32 $1.442695020e+00, v8;
	v6 =	vsub.f32 $4.900000100e+00, v1  }
0x1bb: {  	v0 =	vmul.f32 $-6.944444180e-01, v0;
	v4 =	vmul.f32 v2, v10  }
0x1bc: {  	v7 =	vsub.f32 $2.700000050e+00, v1;
	(erf) = vpow2.f32 v3;
	v3 =	vmul.f32 v6, v6  }
0x1bd: {  	v0 =	vmul.f32 $1.442695020e+00, v0;
	v4 =	vmul.f32 v4, v2  }
0x1be: {  	v6 =	vsub.f32 $5.000000000e-01, v1;
	v7 =	vmul.f32 v7, v7;
	v3 =	vmul.f32 $-6.944444180e-01, v3  }
0x1bf: {  	(erf) = vpow2.f32 v0;
	v0 =	vsub.f32 $1.600000020e+00, v1;
	v4 =	vsub.f32 $1.500000000e+00, v4  }
0x1c0: {  	v6 =	vmul.f32 v6, v6;
	v3 =	vmul.f32 $1.442695020e+00, v3  }
0x1c1: {  	v1 =	vsub.f32 $3.799999950e+00, v1;
	v0 =	vmul.f32 v0, v0;
	v2 =	vmul.f32 v4, v2  }
0x1c2: {  	(erf) = vpow2.f32 v3;
	v3 =	vmul.f32 $-6.944444180e-01, v6  }
0x1c3: {  	v1 =	vmul.f32 v1, v1;
	v2 =	vmul.f32 v2, v5  }
0x1c4: {  	v0 =	vmul.f32 $-6.944444180e-01, v0;
	v3 =	vmul.f32 $1.442695020e+00, v3  }
0x1c5: {  	v4 =	vmul.f32 $-6.944444180e-01, v7;
	v5 =	vsub.f32 $4.900000100e+00, v2  }
0x1c6: {  	v1 =	vmul.f32 $-6.944444180e-01, v1;
	v0 =	vmul.f32 $1.442695020e+00, v0  }
0x1c7: {  	v6 =	vpop (erf);
	v4 =	vmul.f32 $1.442695020e+00, v4;
	(erf) = vpow2.f32 v3  }
0x1c8: {  	v3 =	vpop (erf);
	(erf) = vpow2.f32 v0;
	v0 =	vmul.f32 v5, v5  }
0x1c9: {  	v1 =	vmul.f32 $1.442695020e+00, v1;
	v5 =	vpop (erf);
	(erf) = vpow2.f32 v4;
	v4 =	vsub.f32 $5.000000000e-01, v2  }
0x1ca: {  	v7 =	vsub.f32 $1.600000020e+00, v2;
	v0 =	vmul.f32 $-6.944444180e-01, v0  }
0x1cb: {  	(erf) = vpow2.f32 v1;
	v1 =	vsub.f32 $2.700000050e+00, v2;
	v4 =	vmul.f32 v4, v4  }
0x1cc: {  	[tilespmem:s12+$0x14D70] =	vst v6;
	v6 =	vmul.f32 v7, v7;
	v0 =	vmul.f32 $1.442695020e+00, v0  }
0x1cd: {  	[tilespmem:s12+$0x12E30] =	vst v3;
	v2 =	vsub.f32 $3.799999950e+00, v2;
	v3 =	vpop (erf);
	v1 =	vmul.f32 v1, v1;
	v4 =	vmul.f32 $-6.944444180e-01, v4  }
0x1ce: {  	[tilespmem:s12+$0x13DD0] =	vst v3;
	v3 =	vpop (erf);
	(erf) = vpow2.f32 v0;
	v0 =	vmul.f32 $-6.944444180e-01, v6  }
0x1cf: {  	v2 =	vmul.f32 v2, v2;
	[tilespmem:s12+$0x145A0] =	vst v3;
	v3 =	vmul.f32 $1.442695020e+00, v4  }
0x1d0: {  	[tilespmem:s12+$0x13600] =	vst v5;
	v5 =	vpop (erf);
	v1 =	vmul.f32 $-6.944444180e-01, v1;
	v0 =	vmul.f32 $1.442695020e+00, v0  }
0x1d1: {  	[tilespmem:s21+$0x14D70] =	vst v5;
	v2 =	vmul.f32 $-6.944444180e-01, v2;
	v4 =	vpop (erf)  }
0x1d2: {  	v1 =	vmul.f32 $1.442695020e+00, v1;
	(erf) = vpow2.f32 v3;
	[tilespmem:s21+$0x12E30] =	vst v4;
	v4 =	vpop (erf)  }
0x1d3: {  	v2 =	vmul.f32 $1.442695020e+00, v2;
	(erf) = vpow2.f32 v0;
	[tilespmem:s21+$0x13600] =	vst v4;
	v3 =	vpop (erf)  }
0x1d4: {  	(erf) = vpow2.f32 v1;
	[tilespmem:s21+$0x13DD0] =	vst v3;
	v0 =	vpop (erf)  }
0x1d5: {  	(erf) = vpow2.f32 v2;
	[tilespmem:s21+$0x145A0] =	vst v0;
	v0 =	vpop (erf)  }
0x1d6: {  	v1 =	vpop (erf);
	[tilespmem:s13+$0x14D70] =	vst v0  }
0x1d7: {  	v0 =	vpop (erf);
	[tilespmem:s13+$0x12E30] =	vst v1  }
0x1d8: {  	v1 =	vpop (erf);
	[tilespmem:s13+$0x13600] =	vst v0  }
0x1d9: {  	v0 =	vpop (erf);
	[tilespmem:s13+$0x13DD0] =	vst v1  }
0x1da: {  	v1 =	vpop (erf);
	[tilespmem:s13+$0x145A0] =	vst v0  }
0x1db: {  	[tilespmem:s24+$0x14D70] =	vst v1;
	v0 =	vpop (erf)  }
0x1dc: {  	[tilespmem:s24+$0x12E30] =	vst v0;
	v0 =	vpop (erf)  }
0x1dd: {  	[tilespmem:s24+$0x13600] =	vst v0;
	v0 =	vpop (erf)  }
0x1de: {  	[tilespmem:s24+$0x13DD0] =	vst v0;
	v0 =	vpop (erf)  }
0x1df: {  	[tilespmem:s24+$0x145A0] =	vst v0;
	s24 =	simm.s32 $0x12E30  }
0x1e0: {  	[spmem:s3] =	stream.indirect.scatter.add.f32 [tilespmem:s24], [sflag:$0x4], $0x1, s18, s19, $0xb8;
	[tilespmem:$0x15540] =	vst v63  }
0x1e1: {  	s25 =	simm.s32 $0x13600  }
0x1e2: {  	[spmem:s4] =	stream.indirect.scatter.add.f32 [tilespmem:s25], [sflag:$0x4], $0x1, s18, s19, $0xb8;
	[tilespmem:$0x15540] =	vst v63  }
0x1e3: {  	s13 =	simm.s32 $0x13DD0  }
0x1e4: {  	[spmem:s5] =	stream.indirect.scatter.add.f32 [tilespmem:s13], [sflag:$0x4], $0x1, s18, s19, $0xb8;
	[tilespmem:$0x15540] =	vst v63  }
0x1e5: {  	s21 =	simm.s32 $0x145A0  }
0x1e6: {  	[spmem:s7] =	stream.indirect.scatter.add.f32 [tilespmem:s21], [sflag:$0x4], $0x1, s18, s19, $0xb8;
	[tilespmem:$0x15540] =	vst v63  }
0x1e7: {  	_ = 	snop  }
0x1e8: {  	[spmem:s8] =	stream.indirect.scatter.add.f32 [tilespmem:s26], [sflag:$0x4], $0x1, s18, s19, $0xb8;
	[tilespmem:$0x15540] =	vst v63  }
0x1e9: {  	_ =	swait.ge [sflag:s31], $0x7D0  }
0x1ea: {  	[sflag:s31] =	ssyncset.done $0x0  }
0x1eb: {  	[sflag:s31] =	ssyncadd.s32 $0xFFFFF830  }
0x1ec: {  	_ =	swait.ge [sflag:s31], $0x7D0  }
0x1ed: {  	[sflag:s31] =	ssyncset.done $0x0  }
0x1ee: {  	[sflag:s31] =	ssyncadd.s32 $0xFFFFF830  }
0x1ef: {  	_ =	swait.ge [sflag:s31], $0x7D0  }
0x1f0: {  	[sflag:s31] =	ssyncset.done $0x0  }
0x1f1: {  	[sflag:s31] =	ssyncadd.s32 $0xFFFFF830  }
0x1f2: {  	_ =	swait.ge [sflag:s31], $0x7D0  }
0x1f3: {  	[sflag:s31] =	ssyncset.done $0x0  }
0x1f4: {  	[sflag:s31] =	ssyncadd.s32 $0xFFFFF830  }
0x1f5: {  	_ =	swait.ge [sflag:s31], $0x7D0  }
0x1f6: {  	[sflag:s31] =	ssyncset.done $0x0  }
0x1f7: {  	[sflag:s31] =	ssyncadd.s32 $0xFFFFF830  }
0x1f8: {  	_ =	swait.ge [sflag:s31], $0x7D0  }
0x1f9: {  	[sflag:s31] =	ssyncset.done $0x0  }
0x1fa: {  	[sflag:s31] =	ssyncadd.s32 $0xFFFFF830  }
0x1fb: {  	_ =	swait.ge [sflag:s29], $0x7D0  }
0x1fc: {  	[sflag:s29] =	ssyncset.done $0x0  }
0x1fd: {  	[sflag:s29] =	ssyncadd.s32 $0xFFFFF830  }
0x1fe: {  	_ =	swait.ge [sflag:s29], $0x7D0  }
0x1ff: {  	[sflag:s29] =	ssyncset.done $0x0  }
0x200: {  	[sflag:s29] =	ssyncadd.s32 $0xFFFFF830  }
0x201: {  	_ =	swait.ge [sflag:s29], $0x7D0  }
0x202: {  	[sflag:s29] =	ssyncset.done $0x0  }
0x203: {  	[sflag:s29] =	ssyncadd.s32 $0xFFFFF830  }
0x204: {  	_ =	swait.ge [sflag:s29], $0x7D0  }
0x205: {  	[sflag:s29] =	ssyncset.done $0x0  }
0x206: {  	[sflag:s29] =	ssyncadd.s32 $0xFFFFF830  }
0x207: {  	_ =	swait.ge [sflag:s29], $0x7D0  }
0x208: {  	[sflag:s29] =	ssyncset.done $0x0  }
0x209: {  	[sflag:s29] =	ssyncadd.s32 $0xFFFFF830  }
0x20a: {  	_ =	swait.ge [sflag:s1], $0x7D0  }
0x20b: {  	[sflag:s1] =	ssyncset.done $0x0  }
0x20c: {  	[sflag:s1] =	ssyncadd.s32 $0xFFFFF830  }
0x20d: {  	_ =	swait.ge [sflag:s1], $0x7D0  }
0x20e: {  	[sflag:s1] =	ssyncset.done $0x0  }
0x20f: {  	s24 =	simm.s32 $0xD840;
	[sflag:s1] =	ssyncadd.s32 $0xFFFFF830  }
0x210: {  	[tilespmem:s24], [sflag:$0x2] =	stream.indirect.gather [hbm4b:s6+s19], $0x1, s17, s19, $0xb8;
	[tilespmem:$0x15540] =	vst v63  }
0x211: {  	s25 =	simm.s32 $0xE010  }
0x212: {  	[tilespmem:s25], [sflag:$0x2] =	stream.indirect.gather [hbm4b:s0+s19], $0x1, s17, s19, $0xb8;
	[tilespmem:$0x15540] =	vst v63  }
0x213: {  	s13 =	simm.s32 $0xE7E0  }
0x214: {  	[tilespmem:s13], [sflag:$0x2] =	stream.indirect.gather [hbm4b:s2+s19], $0x1, s17, s19, $0xb8;
	[tilespmem:$0x15540] =	vst v63  }
0x215: {  	p0 =	seq.s32 s14, $0x18;
	s21 =	simm.s32 $0xEFB0;
	s12 =	rddreg [dreg:$0x12]  }
0x216: {  	[tilespmem:s21], [sflag:$0x2] =	stream.indirect.gather [hbm4b:s6+s19], $0x1, s9, s19, $0xb8;
	[tilespmem:$0x15540] =	vst v63  }
0x217: {  	s12 =	sadd.s32 @!p0 s20, s12;
	s24 =	simm.s32 $0xF780  }
0x218: {  	[tilespmem:s24], [sflag:$0x2] =	stream.indirect.gather [hbm4b:s0+s19], $0x1, s9, s19, $0xb8;
	[tilespmem:$0x15540] =	vst v63  }
0x219: {  	s12 =	sshrl.u32 @!p0 s12, $0x3;
	s25 =	simm.s32 $0xFF50  }
0x21a: {  	[tilespmem:s25], [sflag:$0x2] =	stream.indirect.gather [hbm4b:s2+s19], $0x1, s9, s19, $0xb8;
	[tilespmem:$0x15540] =	vst v63  }
0x21b: {  	s13 =	sadd.s32 @!p0 s10, s12;
	s21 =	simm.s32 @!p0 $0x0;
	s24 =	simm.s32 @!p0 $0x7A80  }
0x21c: {  	[tilespmem:s24], [sflag:$0x5] =	stream.linear.gather @!p0 [hbm4b:s13+s21], $0x7D0, $0x38;
	[tilespmem:$0x15540] =	vst v63  }
0x21d: {  	s12 =	sadd.s32 @!p0 s11, s12;
	s13 =	simm.s32 @!p0 $0x8A20  }
0x21e: {  	[tilespmem:s13], [sflag:$0x5] =	stream.linear.gather @!p0 [hbm4b:s12+s21], $0x7D0, $0x38;
	[tilespmem:$0x15540] =	vst v63  }
0x21f: {  	s12 =	simm.s32 $0x0  }
0x220: {  	v0 =	vld [tilespmem:s12+$0xA960]  }
0x221: {  	v1 =	vld [tilespmem:s12+$0xC0D0]  }
0x222: {  	v2 =	vld [tilespmem:s12+$0xB130]  }
0x223: {  	v3 =	vld [tilespmem:s12+$0xC8A0]  }
0x224: {  	v4 =	vld [tilespmem:s12+$0xB900]  }
0x225: {  	v5 =	vld [tilespmem:s12+$0xD070];
	_ =	sdelay $0x2  }
0x226: {  	v0 =	vsub.f32 v0, v1;
	v1 =	vsub.f32 v2, v3;
	_ =	sdelay $0x1  }
0x227: {  	v2 =	vsub.f32 v4, v5;
	v0 =	vmul.f32 v0, v0;
	v1 =	vmul.f32 v1, v1;
	_ =	sdelay $0x1  }
0x228: {  	v0 =	vadd.f32 v1, v0;
	v1 =	vmul.f32 v2, v2;
	_ =	sdelay $0x1  }
0x229: {  	v1 =	vadd.f32 v1, v0;
	_ =	sdelay $0x1  }
0x22a: {  	v0 =	vshra.s32 v1, $0x1;
	v2 =	vmul.f32 $5.000000000e-01, v1  }
0x22b: {  	v0 =	vsub.s32 $0x5F3759DF, v0  }
0x22c: {  	s21 =	simm.s32 $0x10;
	v3 =	vmul.f32 v0, v2  }
0x22d: {  	v6 =	vld [tilespmem:s21+$0xB130]  }
0x22e: {  	v7 =	vld [tilespmem:s21+$0xC8A0];
	v3 =	vmul.f32 v0, v3  }
0x22f: {  	v4 =	vld [tilespmem:s21+$0xA960]  }
0x230: {  	v5 =	vld [tilespmem:s21+$0xC0D0];
	v3 =	vsub.f32 $1.500000000e+00, v3  }
0x231: {  	v8 =	vld [tilespmem:s21+$0xB900]  }
0x232: {  	v9 =	vld [tilespmem:s21+$0xD070];
	v0 =	vmul.f32 v0, v3;
	_ =	sdelay $0x1  }
0x233: {  	v3 =	vmul.f32 v0, v2  }
0x234: {  	v4 =	vsub.f32 v4, v5;
	v5 =	vsub.f32 v6, v7  }
0x235: {  	v3 =	vmul.f32 v3, v0  }
0x236: {  	v6 =	vsub.f32 v8, v9;
	v4 =	vmul.f32 v4, v4;
	v5 =	vmul.f32 v5, v5  }
0x237: {  	v3 =	vsub.f32 $1.500000000e+00, v3  }
0x238: {  	v4 =	vadd.f32 v5, v4;
	v5 =	vmul.f32 v6, v6  }
0x239: {  	v3 =	vmul.f32 v3, v0  }
0x23a: {  	v0 =	vadd.f32 v5, v4  }
0x23b: {  	v2 =	vmul.f32 v3, v2  }
0x23c: {  	v4 =	vshra.s32 v0, $0x1;
	v5 =	vmul.f32 $5.000000000e-01, v0  }
0x23d: {  	s13 =	simm.s32 $0x20;
	v4 =	vsub.s32 $0x5F3759DF, v4;
	v2 =	vmul.f32 v2, v3  }
0x23e: {  	v7 =	vld [tilespmem:s13+$0xA960];
	v6 =	vmul.f32 v4, v5  }
0x23f: {  	v8 =	vld [tilespmem:s13+$0xC0D0];
	v2 =	vsub.f32 $1.500000000e+00, v2  }
0x240: {  	v6 =	vmul.f32 v4, v6  }
0x241: {  	v9 =	vld [tilespmem:s13+$0xB130];
	v2 =	vmul.f32 v2, v3  }
0x242: {  	v3 =	vld [tilespmem:s13+$0xC8A0];
	v6 =	vsub.f32 $1.500000000e+00, v6  }
0x243: {  	v10 =	vld [tilespmem:s13+$0xB900];
	v1 =	vmul.f32 v2, v1  }
0x244: {  	v7 =	vsub.f32 v7, v8;
	v2 =	vld [tilespmem:s13+$0xD070];
	v4 =	vmul.f32 v4, v6  }
0x245: {  	v11 =	vsub.f32 $4.900000100e+00, v1  }
0x246: {  	v7 =	vmul.f32 v7, v7;
	v8 =	vmul.f32 v4, v5  }
0x247: {  	v6 =	vsub.f32 $5.000000000e-01, v1;
	v3 =	vsub.f32 v9, v3;
	v11 =	vmul.f32 v11, v11  }
0x248: {  	v12 =	vsub.f32 $1.600000020e+00, v1;
	v9 =	vsub.f32 $2.700000050e+00, v1;
	v8 =	vmul.f32 v8, v4  }
0x249: {  	v2 =	vsub.f32 v10, v2;
	v3 =	vmul.f32 v3, v3;
	v10 =	vmul.f32 $-6.944444180e-01, v11  }
0x24a: {  	v6 =	vmul.f32 v6, v6;
	v8 =	vsub.f32 $1.500000000e+00, v8;
	v11 =	vmul.f32 v12, v12  }
0x24b: {  	v3 =	vadd.f32 v3, v7;
	v2 =	vmul.f32 v2, v2;
	v7 =	vmul.f32 $1.442695020e+00, v10  }
0x24c: {  	v1 =	vsub.f32 $3.799999950e+00, v1;
	v6 =	vmul.f32 $-6.944444180e-01, v6;
	v13 =	vmul.f32 v8, v4  }
0x24d: {  	v4 =	vmul.f32 v9, v9;
	v2 =	vadd.f32 v2, v3;
	(erf) = vpow2.f32 v7  }
0x24e: {  	v8 =	vmul.f32 v1, v1;
	v5 =	vmul.f32 v13, v5  }
0x24f: {  	v7 =	vmul.f32 $-6.944444180e-01, v11;
	v3 =	vshra.s32 v2, $0x1;
	v1 =	vmul.f32 $5.000000000e-01, v2  }
0x250: {  	v4 =	vmul.f32 $-6.944444180e-01, v4;
	v3 =	vsub.s32 $0x5F3759DF, v3;
	v9 =	vmul.f32 v5, v13  }
0x251: {  	s24 =	simm.s32 $0x30;
	v14 =	vmul.f32 $-6.944444180e-01, v8;
	v10 =	vmul.f32 v3, v1  }
0x252: {  	v8 =	vld [tilespmem:s24+$0xC0D0];
	v7 =	vmul.f32 $1.442695020e+00, v7;
	v4 =	vmul.f32 $1.442695020e+00, v4;
	v11 =	vsub.f32 $1.500000000e+00, v9  }
0x253: {  	v5 =	vld [tilespmem:s24+$0xA960];
	v9 =	vmul.f32 $1.442695020e+00, v6;
	v12 =	vmul.f32 v3, v10  }
0x254: {  	s25 =	simm.s32 $0x100;
	v6 =	vmul.f32 $1.442695020e+00, v14;
	v10 =	vld [tilespmem:s24+$0xB130];
	v11 =	vmul.f32 v11, v13  }
.LBB2_7:
0x255: {  	p1 =	sne.s32 s25, $0x1F00;
	v13 =	vld [tilespmem:s24+$0xC8A0];
	v12 =	vsub.f32 $1.500000000e+00, v12;
	(erf) = vpow2.f32 v9  }
0x256: {  	v9 =	vld [tilespmem:s24+$0xB900];
	v11 =	vmul.f32 v11, v0;
	(erf) = vpow2.f32 v7;
	v7 =	vpop (erf);
	v0 =	vmov v2  }
0x257: {  	v2 =	vld [tilespmem:s24+$0xD070];
	v3 =	vmul.f32 v3, v12;
	[tilespmem:s12+$0x12660] =	vst v7;
	(erf) = vpow2.f32 v4  }
0x258: {  	v4 =	vsub.f32 $5.000000000e-01, v11;
	v7 =	vsub.f32 $4.900000100e+00, v11;
	(erf) = vpow2.f32 v6  }
0x259: {  	v5 =	vsub.f32 v5, v8;
	v8 =	vsub.f32 $1.600000020e+00, v11;
	v6 =	vmul.f32 v3, v1  }
0x25a: {  	v12 =	vsub.f32 $2.700000050e+00, v11;
	v10 =	vsub.f32 v10, v13;
	v7 =	vmul.f32 v7, v7  }
0x25b: {  	v11 =	vsub.f32 $3.799999950e+00, v11;
	v5 =	vmul.f32 v5, v5;
	v6 =	vmul.f32 v6, v3  }
0x25c: {  	v2 =	vsub.f32 v9, v2;
	v10 =	vmul.f32 v10, v10;
	v7 =	vmul.f32 $-6.944444180e-01, v7  }
0x25d: {  	v4 =	vmul.f32 v4, v4;
	v8 =	vmul.f32 v8, v8;
	v6 =	vsub.f32 $1.500000000e+00, v6  }
0x25e: {  	v5 =	vadd.f32 v10, v5;
	v2 =	vmul.f32 v2, v2;
	v7 =	vmul.f32 $1.442695020e+00, v7;
	v9 =	vpop (erf)  }
0x25f: {  	v10 =	vmul.f32 v12, v12;
	v6 =	vmul.f32 v6, v3;
	[tilespmem:s12+$0x10720] =	vst v9;
	v3 =	vpop (erf)  }
0x260: {  	v2 =	vadd.f32 v2, v5;
	v5 =	vmul.f32 v11, v11;
	(erf) = vpow2.f32 v7;
	[tilespmem:s12+$0x10EF0] =	vst v3;
	v3 =	vpop (erf)  }
0x261: {  	v4 =	vmul.f32 $-6.944444180e-01, v4;
	v7 =	vmul.f32 v6, v1;
	[tilespmem:s12+$0x116C0] =	vst v3;
	v3 =	vpop (erf)  }
0x262: {  	v8 =	vmul.f32 $-6.944444180e-01, v8;
	v9 =	vshra.s32 v2, $0x1;
	v1 =	vmul.f32 $5.000000000e-01, v2;
	[tilespmem:s12+$0x11E90] =	vst v3;
	s12 =	smov.u32 s21;
	s21 =	smov.u32 s13;
	s13 =	smov.u32 s24  }
.Ltmp2:
0x263: {  	v10 =	vmul.f32 $-6.944444180e-01, v10;
	v3 =	vsub.s32 $0x5F3759DF, v9;
	v7 =	vmul.f32 v7, v6;
	(pc) =	sbr.rel @p1 .LBB2_7-.Ltmp2, $4  }
0x264: {  	s24 =	sshra.s32 s25, $0x2;
	v13 =	vmul.f32 $-6.944444180e-01, v5;
	v11 =	vmul.f32 v3, v1  }
0x265: {  	v9 =	vmul.f32 $1.442695020e+00, v4;
	v5 =	vld [tilespmem:s24+$0xA960];
	v14 =	vsub.f32 $1.500000000e+00, v7;
	v7 =	vmul.f32 $1.442695020e+00, v8  }
0x266: {  	v4 =	vmul.f32 $1.442695020e+00, v10;
	v8 =	vld [tilespmem:s24+$0xC0D0];
	v12 =	vmul.f32 v3, v11  }
0x267: {  	s25 =	sadd.s32 $0x40, s25;
	v10 =	vld [tilespmem:s24+$0xB130];
	v11 =	vmul.f32 v14, v6;
	v6 =	vmul.f32 $1.442695020e+00, v13  }
0x268: {  	v13 =	vld [tilespmem:s24+$0xC8A0]  }
0x269: {  	v14 =	vld [tilespmem:s24+$0xB900]  }
0x26a: {  	v15 =	vld [tilespmem:s24+$0xD070];
	_ =	sdelay $0x2  }
0x26b: {  	v5 =	vsub.f32 v5, v8;
	v8 =	vsub.f32 v10, v13  }
0x26c: {  	v10 =	vsub.f32 $1.500000000e+00, v12  }
0x26d: {  	v5 =	vmul.f32 v5, v5;
	v12 =	vsub.f32 v14, v15;
	v8 =	vmul.f32 v8, v8;
	_ =	sdelay $0x1  }
0x26e: {  	v3 =	vmul.f32 v3, v10;
	v5 =	vadd.f32 v8, v5;
	v8 =	vmul.f32 v12, v12;
	_ =	sdelay $0x1  }
0x26f: {  	v10 =	vmul.f32 v3, v1;
	v5 =	vadd.f32 v8, v5  }
0x270: {  	(erf) = vpow2.f32 v9;
	v0 =	vmul.f32 v11, v0  }
0x271: {  	v8 =	vmul.f32 v10, v3;
	v9 =	vshra.s32 v5, $0x1;
	v10 =	vmul.f32 $5.000000000e-01, v5  }
0x272: {  	(erf) = vpow2.f32 v7;
	v7 =	vsub.f32 $4.900000100e+00, v0;
	v9 =	vsub.s32 $0x5F3759DF, v9  }
0x273: {  	(erf) = vpow2.f32 v4;
	v4 =	vsub.f32 $1.500000000e+00, v8;
	v8 =	vmul.f32 v9, v10  }
0x274: {  	(erf) = vpow2.f32 v6;
	v6 =	vmul.f32 v7, v7  }
0x275: {  	v3 =	vmul.f32 v4, v3;
	v4 =	vmul.f32 v9, v8  }
0x276: {  	v7 =	vsub.f32 $1.600000020e+00, v0;
	v6 =	vmul.f32 $-6.944444180e-01, v6  }
0x277: {  	v1 =	vmul.f32 v3, v1;
	v4 =	vsub.f32 $1.500000000e+00, v4  }
0x278: {  	v11 =	vsub.f32 $5.000000000e-01, v0;
	v7 =	vmul.f32 v7, v7;
	v6 =	vmul.f32 $1.442695020e+00, v6  }
0x279: {  	v1 =	vmul.f32 v1, v3;
	v4 =	vmul.f32 v9, v4  }
0x27a: {  	v11 =	vmul.f32 v11, v11;
	v7 =	vmul.f32 $-6.944444180e-01, v7  }
0x27b: {  	(erf) = vpow2.f32 v6;
	v1 =	vsub.f32 $1.500000000e+00, v1;
	v9 =	vmul.f32 v4, v10  }
0x27c: {  	v6 =	vmul.f32 $-6.944444180e-01, v11;
	v7 =	vmul.f32 $1.442695020e+00, v7;
	v8 =	vsub.f32 $2.700000050e+00, v0  }
0x27d: {  	v1 =	vmul.f32 v1, v3;
	v3 =	vmul.f32 v9, v4  }
0x27e: {  	v6 =	vmul.f32 $1.442695020e+00, v6;
	v8 =	vmul.f32 v8, v8  }
0x27f: {  	v0 =	vsub.f32 $3.799999950e+00, v0;
	v1 =	vmul.f32 v1, v2;
	v2 =	vsub.f32 $1.500000000e+00, v3  }
0x280: {  	(erf) = vpow2.f32 v6;
	v8 =	vmul.f32 $-6.944444180e-01, v8  }
0x281: {  	v0 =	vmul.f32 v0, v0;
	v2 =	vmul.f32 v2, v4  }
0x282: {  	(erf) = vpow2.f32 v7;
	v3 =	vmul.f32 $1.442695020e+00, v8;
	v6 =	vsub.f32 $4.900000100e+00, v1  }
0x283: {  	v0 =	vmul.f32 $-6.944444180e-01, v0;
	v4 =	vmul.f32 v2, v10  }
0x284: {  	v7 =	vsub.f32 $2.700000050e+00, v1;
	(erf) = vpow2.f32 v3;
	v3 =	vmul.f32 v6, v6  }
0x285: {  	v0 =	vmul.f32 $1.442695020e+00, v0;
	v4 =	vmul.f32 v4, v2  }
0x286: {  	v6 =	vsub.f32 $5.000000000e-01, v1;
	v7 =	vmul.f32 v7, v7;
	v3 =	vmul.f32 $-6.944444180e-01, v3  }
0x287: {  	(erf) = vpow2.f32 v0;
	v0 =	vsub.f32 $1.600000020e+00, v1;
	v4 =	vsub.f32 $1.500000000e+00, v4  }
0x288: {  	v6 =	vmul.f32 v6, v6;
	v3 =	vmul.f32 $1.442695020e+00, v3  }
0x289: {  	v1 =	vsub.f32 $3.799999950e+00, v1;
	v0 =	vmul.f32 v0, v0;
	v2 =	vmul.f32 v4, v2  }
0x28a: {  	(erf) = vpow2.f32 v3;
	v3 =	vmul.f32 $-6.944444180e-01, v6  }
0x28b: {  	v1 =	vmul.f32 v1, v1;
	v2 =	vmul.f32 v2, v5  }
0x28c: {  	v0 =	vmul.f32 $-6.944444180e-01, v0;
	v3 =	vmul.f32 $1.442695020e+00, v3  }
0x28d: {  	v4 =	vmul.f32 $-6.944444180e-01, v7;
	v5 =	vsub.f32 $4.900000100e+00, v2  }
0x28e: {  	v1 =	vmul.f32 $-6.944444180e-01, v1;
	v0 =	vmul.f32 $1.442695020e+00, v0  }
0x28f: {  	v6 =	vpop (erf);
	v4 =	vmul.f32 $1.442695020e+00, v4;
	(erf) = vpow2.f32 v3  }
0x290: {  	v3 =	vpop (erf);
	(erf) = vpow2.f32 v0;
	v0 =	vmul.f32 v5, v5  }
0x291: {  	v1 =	vmul.f32 $1.442695020e+00, v1;
	v5 =	vpop (erf);
	(erf) = vpow2.f32 v4;
	v4 =	vsub.f32 $5.000000000e-01, v2  }
0x292: {  	v7 =	vsub.f32 $1.600000020e+00, v2;
	v0 =	vmul.f32 $-6.944444180e-01, v0  }
0x293: {  	(erf) = vpow2.f32 v1;
	v1 =	vsub.f32 $2.700000050e+00, v2;
	v4 =	vmul.f32 v4, v4  }
0x294: {  	[tilespmem:s12+$0x12660] =	vst v6;
	v6 =	vmul.f32 v7, v7;
	v0 =	vmul.f32 $1.442695020e+00, v0  }
0x295: {  	[tilespmem:s12+$0x10720] =	vst v3;
	v2 =	vsub.f32 $3.799999950e+00, v2;
	v3 =	vpop (erf);
	v1 =	vmul.f32 v1, v1;
	v4 =	vmul.f32 $-6.944444180e-01, v4  }
0x296: {  	[tilespmem:s12+$0x116C0] =	vst v3;
	v3 =	vpop (erf);
	(erf) = vpow2.f32 v0;
	v0 =	vmul.f32 $-6.944444180e-01, v6  }
0x297: {  	v2 =	vmul.f32 v2, v2;
	[tilespmem:s12+$0x11E90] =	vst v3;
	v3 =	vmul.f32 $1.442695020e+00, v4  }
0x298: {  	[tilespmem:s12+$0x10EF0] =	vst v5;
	v5 =	vpop (erf);
	v1 =	vmul.f32 $-6.944444180e-01, v1;
	v0 =	vmul.f32 $1.442695020e+00, v0  }
0x299: {  	[tilespmem:s21+$0x12660] =	vst v5;
	v2 =	vmul.f32 $-6.944444180e-01, v2;
	v4 =	vpop (erf)  }
0x29a: {  	v1 =	vmul.f32 $1.442695020e+00, v1;
	(erf) = vpow2.f32 v3;
	[tilespmem:s21+$0x10720] =	vst v4;
	v4 =	vpop (erf)  }
0x29b: {  	v2 =	vmul.f32 $1.442695020e+00, v2;
	(erf) = vpow2.f32 v0;
	[tilespmem:s21+$0x10EF0] =	vst v4;
	v3 =	vpop (erf)  }
0x29c: {  	(erf) = vpow2.f32 v1;
	[tilespmem:s21+$0x116C0] =	vst v3;
	v0 =	vpop (erf)  }
0x29d: {  	(erf) = vpow2.f32 v2;
	[tilespmem:s21+$0x11E90] =	vst v0;
	v0 =	vpop (erf)  }
0x29e: {  	v1 =	vpop (erf);
	[tilespmem:s13+$0x12660] =	vst v0  }
0x29f: {  	v0 =	vpop (erf);
	[tilespmem:s13+$0x10720] =	vst v1  }
0x2a0: {  	v1 =	vpop (erf);
	[tilespmem:s13+$0x10EF0] =	vst v0  }
0x2a1: {  	v0 =	vpop (erf);
	[tilespmem:s13+$0x116C0] =	vst v1  }
0x2a2: {  	v1 =	vpop (erf);
	[tilespmem:s13+$0x11E90] =	vst v0  }
0x2a3: {  	[tilespmem:s24+$0x12660] =	vst v1;
	v0 =	vpop (erf)  }
0x2a4: {  	[tilespmem:s24+$0x10720] =	vst v0;
	v0 =	vpop (erf)  }
0x2a5: {  	[tilespmem:s24+$0x10EF0] =	vst v0;
	v0 =	vpop (erf)  }
0x2a6: {  	[tilespmem:s24+$0x116C0] =	vst v0;
	v0 =	vpop (erf)  }
0x2a7: {  	s25 =	simm.s32 $0x10720;
	[tilespmem:s24+$0x11E90] =	vst v0  }
0x2a8: {  	[spmem:s3] =	stream.indirect.scatter.add.f32 [tilespmem:s25], [sflag:$0x3], $0x1, s28, s19, $0xb8;
	[tilespmem:$0x15540] =	vst v63  }
0x2a9: {  	s13 =	simm.s32 $0x10EF0  }
0x2aa: {  	[spmem:s4] =	stream.indirect.scatter.add.f32 [tilespmem:s13], [sflag:$0x3], $0x1, s28, s19, $0xb8;
	[tilespmem:$0x15540] =	vst v63  }
0x2ab: {  	s21 =	simm.s32 $0x116C0  }
0x2ac: {  	[spmem:s5] =	stream.indirect.scatter.add.f32 [tilespmem:s21], [sflag:$0x3], $0x1, s28, s19, $0xb8;
	[tilespmem:$0x15540] =	vst v63  }
0x2ad: {  	s24 =	simm.s32 $0x11E90  }
0x2ae: {  	[spmem:s7] =	stream.indirect.scatter.add.f32 [tilespmem:s24], [sflag:$0x3], $0x1, s28, s19, $0xb8;
	[tilespmem:$0x15540] =	vst v63  }
0x2af: {  	s25 =	simm.s32 $0x12660  }
0x2b0: {  	[spmem:s8] =	stream.indirect.scatter.add.f32 [tilespmem:s25], [sflag:$0x3], $0x1, s28, s19, $0xb8;
	[tilespmem:$0x15540] =	vst v63  }
0x2b1: {  	_ =	swait.ge [sflag:s22], $0x7D0  }
0x2b2: {  	[sflag:s22] =	ssyncset.done $0x0  }
0x2b3: {  	[sflag:s22] =	ssyncadd.s32 $0xFFFFF830  }
0x2b4: {  	_ =	swait.ge [sflag:s22], $0x7D0  }
0x2b5: {  	[sflag:s22] =	ssyncset.done $0x0  }
0x2b6: {  	[sflag:s22] =	ssyncadd.s32 $0xFFFFF830  }
0x2b7: {  	_ =	swait.ge [sflag:s22], $0x7D0  }
0x2b8: {  	[sflag:s22] =	ssyncset.done $0x0  }
0x2b9: {  	[sflag:s22] =	ssyncadd.s32 $0xFFFFF830  }
0x2ba: {  	_ =	swait.ge [sflag:s22], $0x7D0  }
0x2bb: {  	[sflag:s22] =	ssyncset.done $0x0  }
0x2bc: {  	[sflag:s22] =	ssyncadd.s32 $0xFFFFF830  }
0x2bd: {  	_ =	swait.ge [sflag:s22], $0x7D0  }
0x2be: {  	[sflag:s22] =	ssyncset.done $0x0  }
0x2bf: {  	[sflag:s22] =	ssyncadd.s32 $0xFFFFF830  }
0x2c0: {  	_ =	swait.ge [sflag:s22], $0x7D0  }
0x2c1: {  	[sflag:s22] =	ssyncset.done $0x0  }
0x2c2: {  	[sflag:s22] =	ssyncadd.s32 $0xFFFFF830  }
0x2c3: {  	_ =	swait.ge [sflag:s30], $0x7D0  }
0x2c4: {  	[sflag:s30] =	ssyncset.done $0x0  }
0x2c5: {  	[sflag:s30] =	ssyncadd.s32 $0xFFFFF830  }
0x2c6: {  	_ =	swait.ge [sflag:s30], $0x7D0  }
0x2c7: {  	[sflag:s30] =	ssyncset.done $0x0  }
0x2c8: {  	[sflag:s30] =	ssyncadd.s32 $0xFFFFF830  }
0x2c9: {  	_ =	swait.ge [sflag:s30], $0x7D0  }
0x2ca: {  	[sflag:s30] =	ssyncset.done $0x0  }
0x2cb: {  	[sflag:s30] =	ssyncadd.s32 $0xFFFFF830  }
0x2cc: {  	_ =	swait.ge [sflag:s30], $0x7D0  }
0x2cd: {  	[sflag:s30] =	ssyncset.done $0x0  }
0x2ce: {  	[sflag:s30] =	ssyncadd.s32 $0xFFFFF830  }
0x2cf: {  	_ =	swait.ge [sflag:s30], $0x7D0  }
0x2d0: {  	[sflag:s30] =	ssyncset.done $0x0  }
0x2d1: {  	s12 =	simm.s32 @!p0 $0x5;
	[sflag:s30] =	ssyncadd.s32 $0xFFFFF830  }
0x2d2: {  	_ =	swait.ge @!p0 [sflag:s12], $0x7D0  }
0x2d3: {  	[sflag:s12] =	ssyncset.done @!p0 $0x0  }
0x2d4: {  	[sflag:s12] =	ssyncadd.s32 @!p0 $0xFFFFF830  }
0x2d5: {  	_ =	swait.ge @!p0 [sflag:s12], $0x7D0  }
0x2d6: {  	s13 =	simm.s32 @!p0 $0x7A80;
	[sflag:s12] =	ssyncset.done @!p0 $0x0  }
0x2d7: {  	s21 =	simm.s32 @!p0 $0xA960;
	[sflag:s12] =	ssyncadd.s32 @!p0 $0xFFFFF830;
	s12 =	simm.s32 @!p0 $0x7D0  }
0x2d8: {  	[tilespmem:s21], [sflag:$0x1] =	stream.indirect.gather @!p0 [hbm4b:s6+s12], $0x1, s13, s12, $0xb8;
	[tilespmem:$0x15540] =	vst v63  }
0x2d9: {  	s21 =	simm.s32 @!p0 $0xB130  }
0x2da: {  	[tilespmem:s21], [sflag:$0x1] =	stream.indirect.gather @!p0 [hbm4b:s0+s12], $0x1, s13, s12, $0xb8;
	[tilespmem:$0x15540] =	vst v63  }
0x2db: {  	s21 =	simm.s32 @!p0 $0xB900  }
0x2dc: {  	[tilespmem:s21], [sflag:$0x1] =	stream.indirect.gather @!p0 [hbm4b:s2+s12], $0x1, s13, s12, $0xb8;
	[tilespmem:$0x15540] =	vst v63  }
0x2dd: {  	s13 =	simm.s32 @!p0 $0x8A20;
	s21 =	simm.s32 @!p0 $0xC0D0  }
0x2de: {  	[tilespmem:s21], [sflag:$0x1] =	stream.indirect.gather @!p0 [hbm4b:s6+s12], $0x1, s13, s12, $0xb8;
	[tilespmem:$0x15540] =	vst v63  }
0x2df: {  	s21 =	simm.s32 @!p0 $0xC8A0  }
0x2e0: {  	[tilespmem:s21], [sflag:$0x1] =	stream.indirect.gather @!p0 [hbm4b:s0+s12], $0x1, s13, s12, $0xb8;
	[tilespmem:$0x15540] =	vst v63  }
0x2e1: {  	s21 =	simm.s32 @!p0 $0xD070  }
0x2e2: {  	[tilespmem:s21], [sflag:$0x1] =	stream.indirect.gather @!p0 [hbm4b:s2+s12], $0x1, s13, s12, $0xb8;
	[tilespmem:$0x15540] =	vst v63  }
0x2e3: {  	s12 =	rddreg [dreg:$0x13]  }
0x2e4: {  	s12 =	sadd.s32 @!p0 s20, s12  }
0x2e5: {  	s12 =	sshrl.u32 @!p0 s12, $0x3  }
0x2e6: {  	s21 =	simm.s32 @!p0 $0x8250;
	s20 =	simm.s32 @!p0 $0x0;
	s13 =	sadd.s32 @!p0 s10, s12  }
0x2e7: {  	[tilespmem:s21], [sflag:$0x6] =	stream.linear.gather @!p0 [hbm4b:s13+s20], $0x7D0, $0x38;
	[tilespmem:$0x15540] =	vst v63  }
0x2e8: {  	s12 =	sadd.s32 @!p0 s11, s12;
	s13 =	simm.s32 @!p0 $0x91F0  }
0x2e9: {  	[tilespmem:s13], [sflag:$0x6] =	stream.linear.gather @!p0 [hbm4b:s12+s20], $0x7D0, $0x38;
	[tilespmem:$0x15540] =	vst v63  }
0x2ea: {  	s12 =	simm.s32 $0x0  }
0x2eb: {  	v0 =	vld [tilespmem:s12+$0xD840]  }
0x2ec: {  	v1 =	vld [tilespmem:s12+$0xEFB0]  }
0x2ed: {  	v2 =	vld [tilespmem:s12+$0xE010]  }
0x2ee: {  	v3 =	vld [tilespmem:s12+$0xF780]  }
0x2ef: {  	v4 =	vld [tilespmem:s12+$0xE7E0]  }
0x2f0: {  	v5 =	vld [tilespmem:s12+$0xFF50];
	_ =	sdelay $0x2  }
0x2f1: {  	v0 =	vsub.f32 v0, v1;
	v1 =	vsub.f32 v2, v3;
	_ =	sdelay $0x1  }
0x2f2: {  	v2 =	vsub.f32 v4, v5;
	v0 =	vmul.f32 v0, v0;
	v1 =	vmul.f32 v1, v1;
	_ =	sdelay $0x1  }
0x2f3: {  	v0 =	vadd.f32 v1, v0;
	v1 =	vmul.f32 v2, v2;
	_ =	sdelay $0x1  }
0x2f4: {  	v1 =	vadd.f32 v1, v0;
	_ =	sdelay $0x1  }
0x2f5: {  	v0 =	vshra.s32 v1, $0x1;
	v2 =	vmul.f32 $5.000000000e-01, v1  }
0x2f6: {  	v0 =	vsub.s32 $0x5F3759DF, v0  }
0x2f7: {  	s20 =	simm.s32 $0x10;
	v3 =	vmul.f32 v0, v2  }
0x2f8: {  	v6 =	vld [tilespmem:s20+$0xE010]  }
0x2f9: {  	v7 =	vld [tilespmem:s20+$0xF780];
	v3 =	vmul.f32 v0, v3  }
0x2fa: {  	v4 =	vld [tilespmem:s20+$0xD840]  }
0x2fb: {  	v5 =	vld [tilespmem:s20+$0xEFB0];
	v3 =	vsub.f32 $1.500000000e+00, v3  }
0x2fc: {  	v8 =	vld [tilespmem:s20+$0xE7E0]  }
0x2fd: {  	v9 =	vld [tilespmem:s20+$0xFF50];
	v0 =	vmul.f32 v0, v3;
	_ =	sdelay $0x1  }
0x2fe: {  	v3 =	vmul.f32 v0, v2  }
0x2ff: {  	v4 =	vsub.f32 v4, v5;
	v5 =	vsub.f32 v6, v7  }
0x300: {  	v3 =	vmul.f32 v3, v0  }
0x301: {  	v6 =	vsub.f32 v8, v9;
	v4 =	vmul.f32 v4, v4;
	v5 =	vmul.f32 v5, v5  }
0x302: {  	v3 =	vsub.f32 $1.500000000e+00, v3  }
0x303: {  	v4 =	vadd.f32 v5, v4;
	v5 =	vmul.f32 v6, v6  }
0x304: {  	v3 =	vmul.f32 v3, v0  }
0x305: {  	v0 =	vadd.f32 v5, v4  }
0x306: {  	v2 =	vmul.f32 v3, v2  }
0x307: {  	v4 =	vshra.s32 v0, $0x1;
	v5 =	vmul.f32 $5.000000000e-01, v0  }
0x308: {  	s13 =	simm.s32 $0x20;
	v4 =	vsub.s32 $0x5F3759DF, v4;
	v2 =	vmul.f32 v2, v3  }
0x309: {  	v7 =	vld [tilespmem:s13+$0xD840];
	v6 =	vmul.f32 v4, v5  }
0x30a: {  	v8 =	vld [tilespmem:s13+$0xEFB0];
	v2 =	vsub.f32 $1.500000000e+00, v2  }
0x30b: {  	v6 =	vmul.f32 v4, v6  }
0x30c: {  	v9 =	vld [tilespmem:s13+$0xE010];
	v2 =	vmul.f32 v2, v3  }
0x30d: {  	v3 =	vld [tilespmem:s13+$0xF780];
	v6 =	vsub.f32 $1.500000000e+00, v6  }
0x30e: {  	v10 =	vld [tilespmem:s13+$0xE7E0];
	v1 =	vmul.f32 v2, v1  }
0x30f: {  	v7 =	vsub.f32 v7, v8;
	v2 =	vld [tilespmem:s13+$0xFF50];
	v4 =	vmul.f32 v4, v6  }
0x310: {  	v11 =	vsub.f32 $4.900000100e+00, v1  }
0x311: {  	v7 =	vmul.f32 v7, v7;
	v8 =	vmul.f32 v4, v5  }
0x312: {  	v6 =	vsub.f32 $5.000000000e-01, v1;
	v3 =	vsub.f32 v9, v3;
	v11 =	vmul.f32 v11, v11  }
0x313: {  	v12 =	vsub.f32 $1.600000020e+00, v1;
	v9 =	vsub.f32 $2.700000050e+00, v1;
	v8 =	vmul.f32 v8, v4  }
0x314: {  	v2 =	vsub.f32 v10, v2;
	v3 =	vmul.f32 v3, v3;
	v10 =	vmul.f32 $-6.944444180e-01, v11  }
0x315: {  	v6 =	vmul.f32 v6, v6;
	v8 =	vsub.f32 $1.500000000e+00, v8;
	v11 =	vmul.f32 v12, v12  }
0x316: {  	v3 =	vadd.f32 v3, v7;
	v2 =	vmul.f32 v2, v2;
	v7 =	vmul.f32 $1.442695020e+00, v10  }
0x317: {  	v1 =	vsub.f32 $3.799999950e+00, v1;
	v6 =	vmul.f32 $-6.944444180e-01, v6;
	v13 =	vmul.f32 v8, v4  }
0x318: {  	v4 =	vmul.f32 v9, v9;
	v2 =	vadd.f32 v2, v3;
	(erf) = vpow2.f32 v7  }
0x319: {  	v8 =	vmul.f32 v1, v1;
	v5 =	vmul.f32 v13, v5  }
0x31a: {  	v7 =	vmul.f32 $-6.944444180e-01, v11;
	v3 =	vshra.s32 v2, $0x1;
	v1 =	vmul.f32 $5.000000000e-01, v2  }
0x31b: {  	v4 =	vmul.f32 $-6.944444180e-01, v4;
	v3 =	vsub.s32 $0x5F3759DF, v3;
	v9 =	vmul.f32 v5, v13  }
0x31c: {  	s21 =	simm.s32 $0x30;
	v14 =	vmul.f32 $-6.944444180e-01, v8;
	v10 =	vmul.f32 v3, v1  }
0x31d: {  	v8 =	vld [tilespmem:s21+$0xEFB0];
	v7 =	vmul.f32 $1.442695020e+00, v7;
	v4 =	vmul.f32 $1.442695020e+00, v4;
	v11 =	vsub.f32 $1.500000000e+00, v9  }
0x31e: {  	v5 =	vld [tilespmem:s21+$0xD840];
	v9 =	vmul.f32 $1.442695020e+00, v6;
	v12 =	vmul.f32 v3, v10  }
0x31f: {  	s24 =	simm.s32 $0x100;
	v6 =	vmul.f32 $1.442695020e+00, v14;
	v10 =	vld [tilespmem:s21+$0xE010];
	v11 =	vmul.f32 v11, v13  }
.LBB2_9:
0x320: {  	p0 =	sne.s32 s24, $0x1F00;
	v13 =	vld [tilespmem:s21+$0xF780];
	v12 =	vsub.f32 $1.500000000e+00, v12;
	(erf) = vpow2.f32 v9  }
0x321: {  	v9 =	vld [tilespmem:s21+$0xE7E0];
	v11 =	vmul.f32 v11, v0;
	(erf) = vpow2.f32 v7;
	v7 =	vpop (erf);
	v0 =	vmov v2  }
0x322: {  	v2 =	vld [tilespmem:s21+$0xFF50];
	v3 =	vmul.f32 v3, v12;
	[tilespmem:s12+$0x14D70] =	vst v7;
	(erf) = vpow2.f32 v4  }
0x323: {  	v4 =	vsub.f32 $5.000000000e-01, v11;
	v7 =	vsub.f32 $4.900000100e+00, v11;
	(erf) = vpow2.f32 v6  }
0x324: {  	v5 =	vsub.f32 v5, v8;
	v8 =	vsub.f32 $1.600000020e+00, v11;
	v6 =	vmul.f32 v3, v1  }
0x325: {  	v12 =	vsub.f32 $2.700000050e+00, v11;
	v10 =	vsub.f32 v10, v13;
	v7 =	vmul.f32 v7, v7  }
0x326: {  	v11 =	vsub.f32 $3.799999950e+00, v11;
	v5 =	vmul.f32 v5, v5;
	v6 =	vmul.f32 v6, v3  }
0x327: {  	v2 =	vsub.f32 v9, v2;
	v10 =	vmul.f32 v10, v10;
	v7 =	vmul.f32 $-6.944444180e-01, v7  }
0x328: {  	v4 =	vmul.f32 v4, v4;
	v8 =	vmul.f32 v8, v8;
	v6 =	vsub.f32 $1.500000000e+00, v6  }
0x329: {  	v5 =	vadd.f32 v10, v5;
	v2 =	vmul.f32 v2, v2;
	v7 =	vmul.f32 $1.442695020e+00, v7;
	v9 =	vpop (erf)  }
0x32a: {  	v10 =	vmul.f32 v12, v12;
	v6 =	vmul.f32 v6, v3;
	[tilespmem:s12+$0x12E30] =	vst v9;
	v3 =	vpop (erf)  }
0x32b: {  	v2 =	vadd.f32 v2, v5;
	v5 =	vmul.f32 v11, v11;
	(erf) = vpow2.f32 v7;
	[tilespmem:s12+$0x13600] =	vst v3;
	v3 =	vpop (erf)  }
0x32c: {  	v4 =	vmul.f32 $-6.944444180e-01, v4;
	v7 =	vmul.f32 v6, v1;
	[tilespmem:s12+$0x13DD0] =	vst v3;
	v3 =	vpop (erf)  }
0x32d: {  	v8 =	vmul.f32 $-6.944444180e-01, v8;
	v9 =	vshra.s32 v2, $0x1;
	v1 =	vmul.f32 $5.000000000e-01, v2;
	[tilespmem:s12+$0x145A0] =	vst v3;
	s12 =	smov.u32 s20;
	s20 =	smov.u32 s13;
	s13 =	smov.u32 s21  }
.Ltmp3:
0x32e: {  	v10 =	vmul.f32 $-6.944444180e-01, v10;
	v3 =	vsub.s32 $0x5F3759DF, v9;
	v7 =	vmul.f32 v7, v6;
	(pc) =	sbr.rel @p0 .LBB2_9-.Ltmp3, $4  }
0x32f: {  	s21 =	sshra.s32 s24, $0x2;
	v13 =	vmul.f32 $-6.944444180e-01, v5;
	v11 =	vmul.f32 v3, v1  }
0x330: {  	v9 =	vmul.f32 $1.442695020e+00, v4;
	v5 =	vld [tilespmem:s21+$0xD840];
	v14 =	vsub.f32 $1.500000000e+00, v7;
	v7 =	vmul.f32 $1.442695020e+00, v8  }
0x331: {  	v4 =	vmul.f32 $1.442695020e+00, v10;
	v8 =	vld [tilespmem:s21+$0xEFB0];
	v12 =	vmul.f32 v3, v11  }
0x332: {  	s24 =	sadd.s32 $0x40, s24;
	v10 =	vld [tilespmem:s21+$0xE010];
	v11 =	vmul.f32 v14, v6;
	v6 =	vmul.f32 $1.442695020e+00, v13  }
0x333: {  	v13 =	vld [tilespmem:s21+$0xF780]  }
0x334: {  	v14 =	vld [tilespmem:s21+$0xE7E0]  }
0x335: {  	v15 =	vld [tilespmem:s21+$0xFF50];
	_ =	sdelay $0x2  }
0x336: {  	v5 =	vsub.f32 v5, v8;
	v61 =	vsub.f32 v10, v13  }
0x337: {  	v62 =	vsub.f32 $1.500000000e+00, v12;
	(erf) = vpow2.f32 v9;
	v0 =	vmul.f32 v11, v0  }
0x338: {  	v5 =	vmul.f32 v5, v5;
	v63 =	vsub.f32 v14, v15;
	v8 =	vmul.f32 v61, v61  }
0x339: {  	(erf) = vpow2.f32 v7;
	v3 =	vmul.f32 v3, v62  }
0x33a: {  	(erf) = vpow2.f32 v4;
	v14 =	vmul.f32 v63, v63;
	v5 =	vadd.f32 v8, v5  }
0x33b: {  	v18 =	vsub.f32 $4.900000100e+00, v0;
	v11 =	vsub.f32 $5.000000000e-01, v0;
	v10 =	vmul.f32 v3, v1  }
0x33c: {  	(erf) = vpow2.f32 v6;
	v22 =	vsub.f32 $1.600000020e+00, v0;
	v5 =	vadd.f32 v14, v5  }
0x33d: {  	v24 =	vsub.f32 $2.700000050e+00, v0;
	v0 =	vsub.f32 $3.799999950e+00, v0;
	v15 =	vmul.f32 v10, v3  }
0x33e: {  	v21 =	vmul.f32 v18, v18;
	v16 =	vshra.s32 v5, $0x1;
	v17 =	vmul.f32 $5.000000000e-01, v5  }
0x33f: {  	v11 =	vmul.f32 v11, v11;
	v19 =	vsub.f32 $1.500000000e+00, v15;
	v9 =	vsub.s32 $0x5F3759DF, v16  }
0x340: {  	v7 =	vmul.f32 v22, v22;
	v20 =	vmul.f32 v9, v17  }
0x341: {  	v0 =	vmul.f32 v0, v0;
	v3 =	vmul.f32 v19, v3  }
0x342: {  	v6 =	vmul.f32 $-6.944444180e-01, v21;
	v23 =	vmul.f32 v9, v20  }
0x343: {  	v26 =	vmul.f32 $-6.944444180e-01, v11;
	v25 =	vmul.f32 v3, v1  }
0x344: {  	v7 =	vmul.f32 $-6.944444180e-01, v7;
	v0 =	vmul.f32 $-6.944444180e-01, v0;
	v4 =	vsub.f32 $1.500000000e+00, v23  }
0x345: {  	v6 =	vmul.f32 $1.442695020e+00, v6;
	v1 =	vmul.f32 v25, v3  }
0x346: {  	v8 =	vmul.f32 v24, v24;
	v4 =	vmul.f32 v9, v4  }
0x347: {  	v7 =	vmul.f32 $1.442695020e+00, v7;
	(erf) = vpow2.f32 v6;
	v1 =	vsub.f32 $1.500000000e+00, v1  }
0x348: {  	v8 =	vmul.f32 $-6.944444180e-01, v8;
	v9 =	vmul.f32 v4, v17  }
0x349: {  	v6 =	vmul.f32 $1.442695020e+00, v26;
	v1 =	vmul.f32 v1, v3  }
0x34a: {  	v29 =	vmul.f32 $1.442695020e+00, v8;
	v27 =	vmul.f32 v9, v4  }
0x34b: {  	(erf) = vpow2.f32 v6;
	v1 =	vmul.f32 v1, v2  }
0x34c: {  	v0 =	vmul.f32 $1.442695020e+00, v0;
	(erf) = vpow2.f32 v7;
	v28 =	vsub.f32 $1.500000000e+00, v27  }
0x34d: {  	(erf) = vpow2.f32 v29;
	v30 =	vsub.f32 $4.900000100e+00, v1;
	v32 =	vsub.f32 $5.000000000e-01, v1  }
0x34e: {  	(erf) = vpow2.f32 v0;
	v33 =	vsub.f32 $1.600000020e+00, v1;
	v2 =	vmul.f32 v28, v4  }
0x34f: {  	v34 =	vsub.f32 $2.700000050e+00, v1;
	v31 =	vmul.f32 v30, v30;
	v6 =	vmul.f32 v32, v32  }
0x350: {  	v1 =	vsub.f32 $3.799999950e+00, v1;
	v0 =	vmul.f32 v33, v33;
	v4 =	vmul.f32 v2, v17  }
0x351: {  	v7 =	vmul.f32 v34, v34;
	v3 =	vmul.f32 $-6.944444180e-01, v31  }
0x352: {  	v1 =	vmul.f32 v1, v1;
	v4 =	vmul.f32 v4, v2  }
0x353: {  	v35 =	vmul.f32 $-6.944444180e-01, v6;
	v3 =	vmul.f32 $1.442695020e+00, v3  }
0x354: {  	v0 =	vmul.f32 $-6.944444180e-01, v0;
	v36 =	vmul.f32 $-6.944444180e-01, v7;
	v4 =	vsub.f32 $1.500000000e+00, v4  }
0x355: {  	(erf) = vpow2.f32 v3;
	v3 =	vmul.f32 $1.442695020e+00, v35  }
0x356: {  	v1 =	vmul.f32 $-6.944444180e-01, v1;
	v2 =	vmul.f32 v4, v2  }
0x357: {  	v37 =	vpop (erf);
	v0 =	vmul.f32 $1.442695020e+00, v0;
	(erf) = vpow2.f32 v3  }
0x358: {  	v4 =	vmul.f32 $1.442695020e+00, v36;
	v2 =	vmul.f32 v2, v5  }
0x359: {  	v38 =	vpop (erf);
	v1 =	vmul.f32 $1.442695020e+00, v1;
	(erf) = vpow2.f32 v0  }
0x35a: {  	v40 =	vpop (erf);
	(erf) = vpow2.f32 v4;
	v5 =	vsub.f32 $4.900000100e+00, v2;
	v41 =	vsub.f32 $5.000000000e-01, v2  }
0x35b: {  	(erf) = vpow2.f32 v1;
	v42 =	vsub.f32 $1.600000020e+00, v2;
	v43 =	vsub.f32 $2.700000050e+00, v2  }
0x35c: {  	v2 =	vsub.f32 $3.799999950e+00, v2;
	v39 =	vmul.f32 v5, v5;
	v4 =	vmul.f32 v41, v41  }
0x35d: {  	[tilespmem:s12+$0x14D70] =	vst v37;
	v44 =	vmul.f32 v42, v42;
	v1 =	vmul.f32 v43, v43  }
0x35e: {  	[tilespmem:s12+$0x12E30] =	vst v38;
	v2 =	vmul.f32 v2, v2;
	v0 =	vmul.f32 $-6.944444180e-01, v39  }
0x35f: {  	v45 =	vpop (erf);
	[tilespmem:s12+$0x13600] =	vst v40;
	v4 =	vmul.f32 $-6.944444180e-01, v4;
	v47 =	vmul.f32 $-6.944444180e-01, v44  }
0x360: {  	[tilespmem:s12+$0x13DD0] =	vst v45;
	v46 =	vpop (erf);
	v1 =	vmul.f32 $-6.944444180e-01, v1;
	v0 =	vmul.f32 $1.442695020e+00, v0  }
0x361: {  	[tilespmem:s12+$0x145A0] =	vst v46;
	v48 =	vpop (erf);
	v2 =	vmul.f32 $-6.944444180e-01, v2;
	v49 =	vmul.f32 $1.442695020e+00, v4  }
0x362: {  	[tilespmem:s20+$0x14D70] =	vst v48;
	v50 =	vpop (erf);
	(erf) = vpow2.f32 v0;
	v0 =	vmul.f32 $1.442695020e+00, v47  }
0x363: {  	[tilespmem:s20+$0x12E30] =	vst v50;
	v51 =	vpop (erf);
	v1 =	vmul.f32 $1.442695020e+00, v1;
	(erf) = vpow2.f32 v49  }
0x364: {  	[tilespmem:s20+$0x13600] =	vst v51;
	v52 =	vpop (erf);
	v2 =	vmul.f32 $1.442695020e+00, v2;
	(erf) = vpow2.f32 v0  }
0x365: {  	[tilespmem:s20+$0x13DD0] =	vst v52;
	v53 =	vpop (erf);
	(erf) = vpow2.f32 v1  }
0x366: {  	[tilespmem:s20+$0x145A0] =	vst v53;
	v54 =	vpop (erf);
	(erf) = vpow2.f32 v2  }
0x367: {  	[tilespmem:s13+$0x14D70] =	vst v54;
	v55 =	vpop (erf)  }
0x368: {  	v56 =	vpop (erf);
	[tilespmem:s13+$0x12E30] =	vst v55  }
0x369: {  	[tilespmem:s13+$0x13600] =	vst v56;
	v57 =	vpop (erf)  }
0x36a: {  	v58 =	vpop (erf);
	[tilespmem:s13+$0x13DD0] =	vst v57  }
0x36b: {  	[tilespmem:s13+$0x145A0] =	vst v58;
	v59 =	vpop (erf)  }
0x36c: {  	[tilespmem:s21+$0x14D70] =	vst v59;
	v60 =	vpop (erf)  }
0x36d: {  	[tilespmem:s21+$0x12E30] =	vst v60;
	v61 =	vpop (erf)  }
0x36e: {  	[tilespmem:s21+$0x13600] =	vst v61;
	v62 =	vpop (erf)  }
0x36f: {  	[tilespmem:s21+$0x13DD0] =	vst v62;
	v63 =	vpop (erf)  }
0x370: {  	s20 =	simm.s32 $0x12E30;
	[tilespmem:s21+$0x145A0] =	vst v63  }
0x371: {  	[spmem:s3] =	stream.indirect.scatter.add.f32 [tilespmem:s20], [sflag:$0x4], $0x1, s9, s19, $0xb8;
	[tilespmem:$0x15540] =	vst v63  }
0x372: {  	s14 =	sadd.s32 $0x1, s14;
	s21 =	simm.s32 $0x13600  }
0x373: {  	[spmem:s4] =	stream.indirect.scatter.add.f32 [tilespmem:s21], [sflag:$0x4], $0x1, s9, s19, $0xb8;
	[tilespmem:$0x15540] =	vst v63  }
0x374: {  	s24 =	simm.s32 $0x13DD0;
	p0 =	sne.s32 s14, $0x19  }
0x375: {  	[spmem:s5] =	stream.indirect.scatter.add.f32 [tilespmem:s24], [sflag:$0x4], $0x1, s9, s19, $0xb8;
	[tilespmem:$0x15540] =	vst v63  }
.Ltmp4:
0x376: {  	_ = 	snop;
	(pc) =	sbr.rel @p0 .LBB2_2-.Ltmp4, $4  }
0x377: {  	s25 =	simm.s32 $0x145A0  }
0x378: {  	[spmem:s7] =	stream.indirect.scatter.add.f32 [tilespmem:s25], [sflag:$0x4], $0x1, s9, s19, $0xb8;
	[tilespmem:$0x15540] =	vst v63  }
0x379: {  	_ = 	snop  }
0x37a: {  	[spmem:s8] =	stream.indirect.scatter.add.f32 [tilespmem:s26], [sflag:$0x4], $0x1, s9, s19, $0xb8;
	[tilespmem:$0x15540] =	vst v63  }
0x37b: {  	_ =	swait.ge [sflag:s29], $0x7D0  }
0x37c: {  	[sflag:s29] =	ssyncset.done $0x0  }
0x37d: {  	[sflag:s29] =	ssyncadd.s32 $0xFFFFF830  }
0x37e: {  	_ =	swait.ge [sflag:s29], $0x7D0  }
0x37f: {  	[sflag:s29] =	ssyncset.done $0x0  }
0x380: {  	[sflag:s29] =	ssyncadd.s32 $0xFFFFF830  }
0x381: {  	_ =	swait.ge [sflag:s29], $0x7D0  }
0x382: {  	[sflag:s29] =	ssyncset.done $0x0  }
0x383: {  	[sflag:s29] =	ssyncadd.s32 $0xFFFFF830  }
0x384: {  	_ =	swait.ge [sflag:s29], $0x7D0  }
0x385: {  	[sflag:s29] =	ssyncset.done $0x0  }
0x386: {  	[sflag:s29] =	ssyncadd.s32 $0xFFFFF830  }
0x387: {  	_ =	swait.ge [sflag:s29], $0x7D0  }
0x388: {  	[sflag:s29] =	ssyncset.done $0x0  }
0x389: {  	[sflag:s29] =	ssyncadd.s32 $0xFFFFF830  }
0x38a: {  	_ =	swait.ge [sflag:s30], $0x7D0  }
0x38b: {  	[sflag:s30] =	ssyncset.done $0x0  }
0x38c: {  	[sflag:s30] =	ssyncadd.s32 $0xFFFFF830  }
0x38d: {  	_ =	swait.ge [sflag:s30], $0x7D0  }
0x38e: {  	[sflag:s30] =	ssyncset.done $0x0  }
0x38f: {  	[sflag:s30] =	ssyncadd.s32 $0xFFFFF830  }
0x390: {  	_ =	swait.ge [sflag:s30], $0x7D0  }
0x391: {  	[sflag:s30] =	ssyncset.done $0x0  }
0x392: {  	[sflag:s30] =	ssyncadd.s32 $0xFFFFF830  }
0x393: {  	_ =	swait.ge [sflag:s30], $0x7D0  }
0x394: {  	[sflag:s30] =	ssyncset.done $0x0  }
0x395: {  	[sflag:s30] =	ssyncadd.s32 $0xFFFFF830  }
0x396: {  	_ =	swait.ge [sflag:s30], $0x7D0  }
0x397: {  	[sflag:s30] =	ssyncset.done $0x0  }
0x398: {  	[sflag:s30] =	ssyncadd.s32 $0xFFFFF830  }
0x399: {  	[bflag:$0x0] =	sbarrier.arrive $0xFFFF  }
0x39a: {  	s13 =	rddreg [dreg:$0x9]  }
0x39b: {  	s12 =	rddreg [dreg:$0x15]  }
0x39c: {  	s20 =	simm.s32 $0x7;
	s14 =	rddreg [dreg:$0x1e]  }
0x39d: {  	[hbm:s12], [sflag:s13] =	dma.local [spmem:s14], $0x310  }
0x39e: {  	_ =	swait.ge [sflag:s20], $0x310  }
0x39f: {  	[sflag:s20] =	ssyncset.done $0x0;
	s24 =	rddreg [dreg:$0x17]  }
0x3a0: {  	s25 =	rddreg [dreg:$0x1f];
	[sflag:s20] =	ssyncadd.s32 $0xFFFFFCF0  }
0x3a1: {  	[hbm:s24], [sflag:s13] =	dma.local [spmem:s25], $0x310  }
0x3a2: {  	_ =	swait.ge [sflag:s20], $0x310  }
0x3a3: {  	s21 =	sld [smem:$0x7FB]  }
0x3a4: {  	[sflag:s20] =	ssyncset.done $0x0  }
0x3a5: {  	s14 =	rddreg [dreg:$0x18];
	[sflag:s20] =	ssyncadd.s32 $0xFFFFFCF0  }
0x3a6: {  	[hbm:s14], [sflag:s13] =	dma.local [spmem:s21], $0x310  }
0x3a7: {  	_ =	swait.ge [sflag:s20], $0x310  }
0x3a8: {  	s25 =	sld [smem:$0x7FC]  }
0x3a9: {  	[sflag:s20] =	ssyncset.done $0x0  }
0x3aa: {  	s24 =	rddreg [dreg:$0x19];
	[sflag:s20] =	ssyncadd.s32 $0xFFFFFCF0  }
0x3ab: {  	[hbm:s24], [sflag:s13] =	dma.local [spmem:s25], $0x310  }
0x3ac: {  	_ =	swait.ge [sflag:s20], $0x310  }
0x3ad: {  	s21 =	sld [smem:$0x7FD]  }
0x3ae: {  	[sflag:s20] =	ssyncset.done $0x0  }
0x3af: {  	s14 =	rddreg [dreg:$0x1a];
	[sflag:s20] =	ssyncadd.s32 $0xFFFFFCF0  }
0x3b0: {  	[hbm:s14], [sflag:s13] =	dma.local [spmem:s21], $0x310  }
0x3b1: {  	_ =	swait.ge [sflag:s20], $0x310  }
0x3b2: {  	s24 =	rddreg [dreg:$0x1d]  }
0x3b3: {  	s25 =	rddreg [dreg:$0x1b];
	s14 =	sadd.s32 $0x1, s24  }
0x3b4: {  	p0 =	sne.s32 s14, s25  }
.Ltmp5:
0x3b5: {  	_ = 	snop;
	(pc) =	sbr.rel @p0 .LBB2_1-.Ltmp5, $3  }
0x3b6: {  	_ =	sdelay $0x1  }
0x3b7: {  	[sflag:s20] =	ssyncset.done $0x0  }
0x3b8: {  	[sflag:s20] =	ssyncadd.s32 $0xFFFFFCF0  }
0x3b9: {  	_ =	sfence.sel $0x180000  }
0x3ba: {  	[bflag:$0x0] =	sbarrier.arrive $0xFFFF  }
0x3bb: {  	_ =	strace $0x90000047  }
0x3bc: {  	s0 =	stileid.u32;
	[bflag:$0x2] =	sbarrier.arrive $0xFFFF  }
0x3bd: {  	p0 =	sne.s32 s0, $0x0;
	s0 =	rddreg [dreg:$0x7]  }
0x3be: {  	s0 =	sadd.s32 @!p0 $0x100000, s0  }
0x3bf: {  	[sflag:s0] =	ssyncadd.tile.s32 @!p0 $0x1;
	_ =	shalt  }
.Lfunc_end2:
_tile_overlayer_lowered:
.L_overlay_start_2:
0x3c0: {  	(tag) =	ssettag $0x2  }
0x3c1: {  	s0 =	rddreg [dreg:$0x0];
	s2 =	stileid.u32  }
0x3c2: {  	s1 =	rddreg [dreg:$0x1];
	p0 =	sne.s32 s2, $0x0  }
0x3c3: {  	s3 =	rddreg [dreg:$0x2];
	[bflag:$0x3] =	sbarrier.arrive $0xFFFF;
	s2 =	simm.s32 @!p0 $0x1C07  }
0x3c4: {  	[timem:s3], [sflag:s2] =	dma.local @!p0 [hbm:s0], s1  }
0x3c5: {  	s0 =	simm.s32 @!p0 $0x7  }
0x3c6: {  	_ =	swait.ge @!p0 [sflag:s0], s1  }
0x3c7: {  	s1 =	ssub.s32 @!p0 $0x0, s1;
	[sflag:s0] =	ssyncset.done @!p0 $0x0  }
0x3c8: {  	[sflag:s0] =	ssyncadd.s32 @!p0 s1  }
0x3c9: {  	[bflag:$0x3] =	sbarrier.arrive $0xFFFF  }
0x3ca: {  	_ =	shalt  }

</sc_bundles>
